<compile_context>
chip_gen: v7x
topology: tpu7x:2x2x1
jax: 0.10.2.dev20260603
libtpu: 0.0.44.dev20260713+nightly
codegen_flags: <defaults>
</compile_context>

<pallas_src>
import functools

import jax
import jax.numpy as jnp
from jax import lax
from jax.experimental import pallas as pl
from jax.experimental.pallas import tpu as pltpu
from jax.experimental.pallas import tpu_sc as plsc

N = 10000
E = 320000
D_IN = 128
D_HID = 256
D_OUT = 128

NC = 2
NS = 16
NW = NC * NS
LANE = 128
HW = 64
N_PAD = 10240
ROWS_PER_TILE = N_PAD // NS
NCH = 80
E_PAD = NW * NCH * LANE
EPT = E_PAD // NW
REAL_LAST = E - (NW - 1) * EPT
NBUF = 2


def _make_sc_agg(with_counts, W=HW, lane=LANE, nch=NCH, nbuf=NBUF):
    npass = D_IN // W
    mesh = plsc.VectorSubcoreMesh(core_axis_name="c", subcore_axis_name="s")
    out_type = [jax.ShapeDtypeStruct((N_PAD, D_IN), jnp.float32)
                for _ in range(NC)]
    if with_counts:
        out_type.append(jax.ShapeDtypeStruct((NW, N_PAD), jnp.float32))
    scratch = [
        pltpu.VMEM((EPT,), jnp.int32),
        pltpu.VMEM((EPT,), jnp.int32),
        [pltpu.VMEM((lane, W), jnp.float32) for _ in range(nbuf)],
        pltpu.VMEM_SHARED((N_PAD, W), jnp.float32),
        pltpu.VMEM_SHARED((N_PAD, W), jnp.float32),
        [pltpu.SemaphoreType.DMA for _ in range(nbuf)],
    ]
    if with_counts:
        scratch.append(pltpu.VMEM((N_PAD,), jnp.float32))

    @functools.partial(
        pl.kernel, out_type=out_type, mesh=mesh, scratch_types=scratch,
        compiler_params=pltpu.CompilerParams(needs_layout_passes=False,
                                             use_tc_tiling_on_sc=False))
    def agg(*args):
        table_hbm, edge, zeros = args[:3]
        rest = args[3:]
        outs = rest[:NC]
        rest = rest[NC:]
        if with_counts:
            cnt_out, src_v, dst_v, bufs, acc, table_sh, gsem, cnt_v = rest
        else:
            src_v, dst_v, bufs, acc, table_sh, gsem = rest
            cnt_out = cnt_v = None
        c = lax.axis_index("c")
        s = lax.axis_index("s")
        wid = s * NC + c
        row0 = s * ROWS_PER_TILE
        rows = pl.ds(row0, ROWS_PER_TILE)
        base = wid * EPT

        @pl.when(wid < NW - 1)
        def _():
            pltpu.sync_copy(edge.at[0, pl.ds(base, EPT)], src_v)
            pltpu.sync_copy(edge.at[1, pl.ds(base, EPT)], dst_v)

        @pl.when(wid == NW - 1)
        def _():
            pltpu.sync_copy(edge.at[0, pl.ds(E - REAL_LAST, REAL_LAST)],
                            src_v.at[pl.ds(0, REAL_LAST)])
            pltpu.sync_copy(edge.at[1, pl.ds(E - REAL_LAST, REAL_LAST)],
                            dst_v.at[pl.ds(0, REAL_LAST)])
            lanes = lax.iota(jnp.int32, 16)

            @pl.loop(0, (EPT - REAL_LAST) // 16)
            def _(i):
                off = REAL_LAST + i * 16
                src_v[pl.ds(off, 16)] = jnp.zeros((16,), jnp.int32)
                dst_v[pl.ds(off, 16)] = N + lax.bitwise_and(off + lanes, 127)

        if with_counts:
            @pl.loop(0, N_PAD // 16)
            def _(i):
                cnt_v[pl.ds(i * 16, 16)] = jnp.zeros((16,), jnp.float32)

        ones16 = jnp.ones((16,), jnp.float32)

        def count(j):
            for g in range(lane // 16):
                d16 = dst_v[pl.ds(j * lane + g * 16, 16)]
                plsc.addupdate_scatter(cnt_v, [d16], ones16)

        for h in range(npass):
            cols = pl.ds(h * W, W)
            do_cnt = with_counts and h == 0
            pltpu.sync_copy(zeros, acc.at[rows])
            pltpu.sync_copy(table_hbm.at[rows, cols], table_sh.at[rows])
            plsc.subcore_barrier()

            def sidx(j):
                return src_v.at[pl.ds(j * lane, lane)]

            def didx(j):
                return dst_v.at[pl.ds(j * lane, lane)]

            for k in range(nbuf - 1):
                pltpu.async_copy(table_sh.at[sidx(k)], bufs[k], gsem[k])

            @pl.loop(0, nch, step=nbuf)
            def _(jj):
                for b in range(nbuf):
                    pf = (b + nbuf - 1) % nbuf

                    @pl.when(jj + b + nbuf - 1 < nch)
                    def _():
                        pltpu.async_copy(table_sh.at[sidx(jj + b + nbuf - 1)],
                                         bufs[pf], gsem[pf])

                    @pl.when(jj + b < nch)
                    def _():
                        pltpu.make_async_copy(table_sh.at[sidx(jj + b)],
                                              bufs[b], gsem[b]).wait()
                        pltpu.sync_copy(bufs[b], acc.at[didx(jj + b)],
                                        add=True)
                        if do_cnt:
                            count(jj + b)

            plsc.subcore_barrier()
            for cc in range(NC):
                @pl.when(c == cc)
                def _():
                    pltpu.sync_copy(acc.at[rows], outs[cc].at[rows, cols])
        if with_counts:
            pltpu.sync_copy(cnt_v, cnt_out.at[wid])

    return agg


_sc_agg_l1 = _make_sc_agg(True)
_sc_agg_l2 = _make_sc_agg(False, nbuf=3)

_BLK = 256
_GRID = N_PAD // _BLK


def _scale_rows(inv_lane, s):
    eye = jnp.eye(_BLK, dtype=jnp.float32)
    dn = (((1,), (0,)), ((), ()))
    return lax.dot_general(eye * inv_lane, s, dn,
                           preferred_element_type=jnp.float32)


def _tc_pre1_body(x_ref, wr1_ref, b1_ref, pre_ref):
    dn = (((1,), (1,)), ((), ()))
    pre_ref[...] = lax.dot_general(x_ref[...], wr1_ref[...], dn,
                                   preferred_element_type=jnp.float32) + b1_ref[...]


def _tc_pre2_body(h_ref, wr2_ref, b2_ref, o2_ref):
    dn = (((1,), (1,)), ((), ()))
    o2_ref[...] = lax.dot_general(h_ref[...], wr2_ref[...], dn,
                                  preferred_element_type=jnp.float32) + b2_ref[...]


def _tc1_body(pre_ref, pa_ref, pb_ref, cnt_ref, wl1_ref, wl2_ref,
              h_ref, g2_ref, inv_ref):
    cnt = jnp.sum(cnt_ref[...], axis=0).reshape(1, _BLK)
    inv = 1.0 / jnp.maximum(cnt, 1.0)
    inv_ref[...] = inv.reshape(1, 1, _BLK)
    m = _scale_rows(inv, pa_ref[...] + pb_ref[...])
    dn = (((1,), (1,)), ((), ()))
    pre = (lax.dot_general(m, wl1_ref[...], dn, preferred_element_type=jnp.float32)
           + pre_ref[...])
    h = jnp.maximum(pre, 0.0)
    h_ref[...] = h
    g2_ref[...] = lax.dot_general(h, wl2_ref[...], dn,
                                  preferred_element_type=jnp.float32)


def _tc2_body(qa_ref, qb_ref, inv_ref, o2_ref, o_ref):
    inv = inv_ref[...].reshape(1, _BLK)
    o_ref[...] = _scale_rows(inv, qa_ref[...] + qb_ref[...]) + o2_ref[...]


def _row_spec(d):
    return pl.BlockSpec((_BLK, d), lambda i: (i, 0))


def _full_spec(r, c):
    return pl.BlockSpec((r, c), lambda i: (0, 0))


_CNT_SPEC = pl.BlockSpec((NW, _BLK), lambda i: (0, i))
_INV_SPEC = pl.BlockSpec((1, 1, _BLK), lambda i: (i, 0, 0))

_tc_pre1 = pl.pallas_call(
    _tc_pre1_body,
    grid=(_GRID,),
    in_specs=[_row_spec(D_IN), _full_spec(D_HID, D_IN), _full_spec(1, D_HID)],
    out_specs=_row_spec(D_HID),
    out_shape=jax.ShapeDtypeStruct((N_PAD, D_HID), jnp.float32),
)

_tc_pre2 = pl.pallas_call(
    _tc_pre2_body,
    grid=(_GRID,),
    in_specs=[_row_spec(D_HID), _full_spec(D_OUT, D_HID), _full_spec(1, D_OUT)],
    out_specs=_row_spec(D_OUT),
    out_shape=jax.ShapeDtypeStruct((N_PAD, D_OUT), jnp.float32),
)

_tc1 = pl.pallas_call(
    _tc1_body,
    grid=(_GRID,),
    in_specs=[
        _row_spec(D_HID), _row_spec(D_IN), _row_spec(D_IN),
        _CNT_SPEC,
        _full_spec(D_HID, D_IN),
        _full_spec(D_OUT, D_HID),
    ],
    out_specs=[_row_spec(D_HID), _row_spec(D_OUT), _INV_SPEC],
    out_shape=[
        jax.ShapeDtypeStruct((N_PAD, D_HID), jnp.float32),
        jax.ShapeDtypeStruct((N_PAD, D_OUT), jnp.float32),
        jax.ShapeDtypeStruct((_GRID, 1, _BLK), jnp.float32),
    ],
)

_tc2 = pl.pallas_call(
    _tc2_body,
    grid=(_GRID,),
    in_specs=[
        _row_spec(D_OUT), _row_spec(D_OUT),
        _INV_SPEC,
        _row_spec(D_OUT),
    ],
    out_specs=_row_spec(D_OUT),
    out_shape=jax.ShapeDtypeStruct((N, D_OUT), jnp.float32),
)


def kernel(x, edge_index, Wl1, Wr1, b1, Wl2, Wr2, b2):
    x_pad = jnp.zeros((N_PAD, D_IN), jnp.float32).at[:N].set(x)
    zeros = jnp.zeros((ROWS_PER_TILE, HW), jnp.float32)

    pre1 = _tc_pre1(x_pad, Wr1, b1.reshape(1, D_HID))
    pa, pb, cnt = _sc_agg_l1(x_pad, edge_index, zeros)

    h, g2, inv = _tc1(pre1, pa, pb, cnt, Wl1, Wl2)

    o2 = _tc_pre2(h, Wr2, b2.reshape(1, D_OUT))
    qa, qb = _sc_agg_l2(g2, edge_index, zeros)
    return _tc2(qa, qb, inv, o2)

# --- scband reference (transcript-rebuilt; emitter-appended) ---
"""Pipeline reference for scband-sagedecoder-32959579030042 (READ-ONLY COPY).

The authoritative reference and input builder live on the scoring server;
editing this copy changes nothing except your own understanding.
"""

import jax, jax.numpy as jnp
import numpy as np

N = 10000
E = 320000
D_IN = 128
D_HID = 256
D_OUT = 128


def setup_inputs(seed: int = 0) -> dict:
    key = jax.random.key(seed)
    ks = jax.random.split(key, 9)
    x = jax.random.normal(ks[0], (N, D_IN), dtype=jnp.float32)
    edge_index = jax.random.randint(ks[1], (2, E), 0, N, dtype=jnp.int32)
    s1 = 1.0 / np.sqrt(D_IN)
    s2 = 1.0 / np.sqrt(D_HID)
    Wl1 = jax.random.uniform(ks[2], (D_HID, D_IN), jnp.float32, -s1, s1)
    Wr1 = jax.random.uniform(ks[3], (D_HID, D_IN), jnp.float32, -s1, s1)
    b1 = jax.random.uniform(ks[4], (D_HID,), jnp.float32, -s1, s1)
    Wl2 = jax.random.uniform(ks[5], (D_OUT, D_HID), jnp.float32, -s2, s2)
    Wr2 = jax.random.uniform(ks[6], (D_OUT, D_HID), jnp.float32, -s2, s2)
    b2 = jax.random.uniform(ks[7], (D_OUT,), jnp.float32, -s2, s2)
    return {"x": x, "edge_index": edge_index, "Wl1": Wl1, "Wr1": Wr1, "b1": b1, "Wl2": Wl2, "Wr2": Wr2, "b2": b2}


def _sage_conv(x, edge_index, Wl, Wr, b):
    # PyG SAGEConv with mean aggregation: out_i = lin_l(mean_{j->i} x_j) + lin_r(x_i)
    src = edge_index[0]
    dst = edge_index[1]
    msg = x[src]
    summed = jax.ops.segment_sum(msg, dst, num_segments=N)
    cnt = jax.ops.segment_sum(jnp.ones((edge_index.shape[1],), dtype=x.dtype), dst, num_segments=N)
    mean = summed / jnp.clip(cnt, 1.0, None)[:, None]
    return mean @ Wl.T + x @ Wr.T + b


def reference(x, edge_index, Wl1, Wr1, b1, Wl2, Wr2, b2):
    h = jax.nn.relu(_sage_conv(x, edge_index, Wl1, Wr1, b1))
    return _sage_conv(h, edge_index, Wl2, Wr2, b2)

if __name__ == "__main__":
    import jax
    _d = setup_inputs()
    print(jax.jit(kernel)(*tuple(_d.values())))

</pallas_src>

<mosaic_0001>
#map = affine_map<(d0, d1) -> (0, 0)>
module attributes {stable_mosaic.version = 14 : i64} {
  func.func @agg(%arg0: i32, %arg1: i32, %arg2: memref<10240x128xf32, #tpu.memory_space<hbm>>, %arg3: memref<2x320000xi32, #tpu.memory_space<hbm>>, %arg4: memref<640x64xf32, #tpu.memory_space<hbm>>, %arg5: memref<10240x128xf32, #tpu.memory_space<hbm>>, %arg6: memref<10240x128xf32, #tpu.memory_space<hbm>>, %arg7: memref<32x10240xf32, #tpu.memory_space<hbm>>, %arg8: memref<10240xi32, #tpu.memory_space<vmem>>, %arg9: memref<10240xi32, #tpu.memory_space<vmem>>, %arg10: memref<128x64xf32, #tpu.memory_space<vmem>>, %arg11: memref<128x64xf32, #tpu.memory_space<vmem>>, %arg12: memref<10240x64xf32, #tpu.memory_space<vmem_shared>>, %arg13: memref<10240x64xf32, #tpu.memory_space<vmem_shared>>, %arg14: memref<!tpu.dma_semaphore, #tpu.memory_space<semaphore_mem>>, %arg15: memref<!tpu.dma_semaphore, #tpu.memory_space<semaphore_mem>>, %arg16: memref<10240xf32, #tpu.memory_space<vmem>>) attributes {dimension_semantics = [#tpu.dimension_semantics<core_parallel>, #tpu.dimension_semantics<subcore_parallel>], iteration_bounds = array<i64: 2, 16>, scalar_prefetch = 0 : i64, scratch_operands = 9 : i64, tpu.core_type = #tpu.core_type<sc_vector_subcore>, window_params = [{transform_indices = #map}, {transform_indices = #map}, {transform_indices = #map}, {transform_indices = #map}, {transform_indices = #map}, {transform_indices = #map}]} {
    %mul3A = arith.constant 2 : i32
    %mul3A_0 = arith.muli %arg1, %mul3A : i32
    %add3A = arith.addi %mul3A_0, %arg0 : i32
    %mul3A_1 = arith.constant 640 : i32
    %mul3A_2 = arith.muli %arg1, %mul3A_1 : i32
    %mul3A_3 = arith.constant 10240 : i32
    %mul3A_4 = arith.muli %add3A, %mul3A_3 : i32
    %lt3A = arith.constant 31 : i32
    %lt3A_5 = arith.cmpi slt, %add3A, %lt3A : i32
    %convert_element_type3A = arith.extui %lt3A_5 : i1 to i32
    %cond3A = arith.constant 0 : i32
    %cond3A_6 = arith.cmpi ne, %convert_element_type3A, %cond3A : i32
    scf.if %cond3A_6 {
      %run_scoped3A = arith.constant 0 : i32
      "tpu.region"() ({
        %run_scoped3A_59 = tpu.sem_alloc : memref<!tpu.dma_semaphore, #tpu.memory_space<semaphore_mem>>
        %dma_start3A_60 = tpu.memref_slice %arg3[%run_scoped3A, %mul3A_4] : memref<2x320000xi32, #tpu.memory_space<hbm>> -> memref<1x10240xi32, #tpu.memory_space<hbm>>
        %dma_start3A_61 = tpu.memref_squeeze %dma_start3A_60 : memref<1x10240xi32, #tpu.memory_space<hbm>> -> memref<10240xi32, #tpu.memory_space<hbm>>
        %dma_start3A_62 = tpu.memref_slice %arg3[%run_scoped3A, %mul3A_4] : memref<2x320000xi32, #tpu.memory_space<hbm>> -> memref<1x10240xi32, #tpu.memory_space<hbm>>
        %dma_start3A_63 = tpu.memref_squeeze %dma_start3A_62 : memref<1x10240xi32, #tpu.memory_space<hbm>> -> memref<10240xi32, #tpu.memory_space<hbm>>
        tpu.enqueue_dma source(%dma_start3A_63 : memref<10240xi32, #tpu.memory_space<hbm>>) target(%arg8 : memref<10240xi32, #tpu.memory_space<vmem>>) target_semaphore(%run_scoped3A_59 : memref<!tpu.dma_semaphore, #tpu.memory_space<semaphore_mem>>)
        %dma_wait3A = tpu.memref_slice %arg3[%run_scoped3A, %mul3A_4] : memref<2x320000xi32, #tpu.memory_space<hbm>> -> memref<1x10240xi32, #tpu.memory_space<hbm>>
        %dma_wait3A_64 = tpu.memref_squeeze %dma_wait3A : memref<1x10240xi32, #tpu.memory_space<hbm>> -> memref<10240xi32, #tpu.memory_space<hbm>>
        %dma_wait3A_65 = tpu.memref_slice %arg3[%run_scoped3A, %mul3A_4] : memref<2x320000xi32, #tpu.memory_space<hbm>> -> memref<1x10240xi32, #tpu.memory_space<hbm>>
        %dma_wait3A_66 = tpu.memref_squeeze %dma_wait3A_65 : memref<1x10240xi32, #tpu.memory_space<hbm>> -> memref<10240xi32, #tpu.memory_space<hbm>>
        tpu.wait_dma2 semaphore(%run_scoped3A_59 : memref<!tpu.dma_semaphore, #tpu.memory_space<semaphore_mem>>) src(%dma_wait3A_66 : memref<10240xi32, #tpu.memory_space<hbm>>) dst(%arg8 : memref<10240xi32, #tpu.memory_space<vmem>>)
        tpu.yield
      }) : () -> ()
      %run_scoped3A_58 = arith.constant 1 : i32
      "tpu.region"() ({
        %run_scoped3A_59 = tpu.sem_alloc : memref<!tpu.dma_semaphore, #tpu.memory_space<semaphore_mem>>
        %dma_start3A_60 = tpu.memref_slice %arg3[%run_scoped3A_58, %mul3A_4] : memref<2x320000xi32, #tpu.memory_space<hbm>> -> memref<1x10240xi32, #tpu.memory_space<hbm>>
        %dma_start3A_61 = tpu.memref_squeeze %dma_start3A_60 : memref<1x10240xi32, #tpu.memory_space<hbm>> -> memref<10240xi32, #tpu.memory_space<hbm>>
        %dma_start3A_62 = tpu.memref_slice %arg3[%run_scoped3A_58, %mul3A_4] : memref<2x320000xi32, #tpu.memory_space<hbm>> -> memref<1x10240xi32, #tpu.memory_space<hbm>>
        %dma_start3A_63 = tpu.memref_squeeze %dma_start3A_62 : memref<1x10240xi32, #tpu.memory_space<hbm>> -> memref<10240xi32, #tpu.memory_space<hbm>>
        tpu.enqueue_dma source(%dma_start3A_63 : memref<10240xi32, #tpu.memory_space<hbm>>) target(%arg9 : memref<10240xi32, #tpu.memory_space<vmem>>) target_semaphore(%run_scoped3A_59 : memref<!tpu.dma_semaphore, #tpu.memory_space<semaphore_mem>>)
        %dma_wait3A = tpu.memref_slice %arg3[%run_scoped3A_58, %mul3A_4] : memref<2x320000xi32, #tpu.memory_space<hbm>> -> memref<1x10240xi32, #tpu.memory_space<hbm>>
        %dma_wait3A_64 = tpu.memref_squeeze %dma_wait3A : memref<1x10240xi32, #tpu.memory_space<hbm>> -> memref<10240xi32, #tpu.memory_space<hbm>>
        %dma_wait3A_65 = tpu.memref_slice %arg3[%run_scoped3A_58, %mul3A_4] : memref<2x320000xi32, #tpu.memory_space<hbm>> -> memref<1x10240xi32, #tpu.memory_space<hbm>>
        %dma_wait3A_66 = tpu.memref_squeeze %dma_wait3A_65 : memref<1x10240xi32, #tpu.memory_space<hbm>> -> memref<10240xi32, #tpu.memory_space<hbm>>
        tpu.wait_dma2 semaphore(%run_scoped3A_59 : memref<!tpu.dma_semaphore, #tpu.memory_space<semaphore_mem>>) src(%dma_wait3A_66 : memref<10240xi32, #tpu.memory_space<hbm>>) dst(%arg9 : memref<10240xi32, #tpu.memory_space<vmem>>)
        tpu.yield
      }) : () -> ()
    } else {
    }
    %eq3A = arith.constant 31 : i32
    %eq3A_7 = arith.cmpi eq, %add3A, %eq3A : i32
    %convert_element_type3A_8 = arith.extui %eq3A_7 : i1 to i32
    %cond3A_9 = arith.constant 0 : i32
    %cond3A_10 = arith.cmpi ne, %convert_element_type3A_8, %cond3A_9 : i32
    scf.if %cond3A_10 {
      %run_scoped3A = arith.constant 0 : i32
      "tpu.region"() ({
        %run_scoped3A_64 = tpu.sem_alloc : memref<!tpu.dma_semaphore, #tpu.memory_space<semaphore_mem>>
        %dma_start3A_65 = arith.constant 0 : i32
        %dma_start3A_66 = tpu.memref_slice %arg8[%dma_start3A_65] : memref<10240xi32, #tpu.memory_space<vmem>> -> memref<2560xi32, #tpu.memory_space<vmem>>
        %dma_start3A_67 = arith.constant 317440 : i32
        %dma_start3A_68 = tpu.memref_slice %arg3[%run_scoped3A, %dma_start3A_67] : memref<2x320000xi32, #tpu.memory_space<hbm>> -> memref<1x2560xi32, #tpu.memory_space<hbm>>
        %dma_start3A_69 = tpu.memref_squeeze %dma_start3A_68 : memref<1x2560xi32, #tpu.memory_space<hbm>> -> memref<2560xi32, #tpu.memory_space<hbm>>
        %dma_start3A_70 = arith.constant 0 : i32
        %dma_start3A_71 = tpu.memref_slice %arg8[%dma_start3A_70] : memref<10240xi32, #tpu.memory_space<vmem>> -> memref<2560xi32, #tpu.memory_space<vmem>>
        %dma_start3A_72 = arith.constant 317440 : i32
        %dma_start3A_73 = tpu.memref_slice %arg3[%run_scoped3A, %dma_start3A_72] : memref<2x320000xi32, #tpu.memory_space<hbm>> -> memref<1x2560xi32, #tpu.memory_space<hbm>>
        %dma_start3A_74 = tpu.memref_squeeze %dma_start3A_73 : memref<1x2560xi32, #tpu.memory_space<hbm>> -> memref<2560xi32, #tpu.memory_space<hbm>>
        tpu.enqueue_dma source(%dma_start3A_74 : memref<2560xi32, #tpu.memory_space<hbm>>) target(%dma_start3A_71 : memref<2560xi32, #tpu.memory_space<vmem>>) target_semaphore(%run_scoped3A_64 : memref<!tpu.dma_semaphore, #tpu.memory_space<semaphore_mem>>)
        %dma_wait3A = arith.constant 0 : i32
        %dma_wait3A_75 = tpu.memref_slice %arg8[%dma_wait3A] : memref<10240xi32, #tpu.memory_space<vmem>> -> memref<2560xi32, #tpu.memory_space<vmem>>
        %dma_wait3A_76 = arith.constant 317440 : i32
        %dma_wait3A_77 = tpu.memref_slice %arg3[%run_scoped3A, %dma_wait3A_76] : memref<2x320000xi32, #tpu.memory_space<hbm>> -> memref<1x2560xi32, #tpu.memory_space<hbm>>
        %dma_wait3A_78 = tpu.memref_squeeze %dma_wait3A_77 : memref<1x2560xi32, #tpu.memory_space<hbm>> -> memref<2560xi32, #tpu.memory_space<hbm>>
        %dma_wait3A_79 = arith.constant 0 : i32
        %dma_wait3A_80 = tpu.memref_slice %arg8[%dma_wait3A_79] : memref<10240xi32, #tpu.memory_space<vmem>> -> memref<2560xi32, #tpu.memory_space<vmem>>
        %dma_wait3A_81 = arith.constant 317440 : i32
        %dma_wait3A_82 = tpu.memref_slice %arg3[%run_scoped3A, %dma_wait3A_81] : memref<2x320000xi32, #tpu.memory_space<hbm>> -> memref<1x2560xi32, #tpu.memory_space<hbm>>
        %dma_wait3A_83 = tpu.memref_squeeze %dma_wait3A_82 : memref<1x2560xi32, #tpu.memory_space<hbm>> -> memref<2560xi32, #tpu.memory_space<hbm>>
        tpu.wait_dma2 semaphore(%run_scoped3A_64 : memref<!tpu.dma_semaphore, #tpu.memory_space<semaphore_mem>>) src(%dma_wait3A_83 : memref<2560xi32, #tpu.memory_space<hbm>>) dst(%dma_wait3A_80 : memref<2560xi32, #tpu.memory_space<vmem>>)
        tpu.yield
      }) : () -> ()
      %run_scoped3A_58 = arith.constant 1 : i32
      "tpu.region"() ({
        %run_scoped3A_64 = tpu.sem_alloc : memref<!tpu.dma_semaphore, #tpu.memory_space<semaphore_mem>>
        %dma_start3A_65 = arith.constant 0 : i32
        %dma_start3A_66 = tpu.memref_slice %arg9[%dma_start3A_65] : memref<10240xi32, #tpu.memory_space<vmem>> -> memref<2560xi32, #tpu.memory_space<vmem>>
        %dma_start3A_67 = arith.constant 317440 : i32
        %dma_start3A_68 = tpu.memref_slice %arg3[%run_scoped3A_58, %dma_start3A_67] : memref<2x320000xi32, #tpu.memory_space<hbm>> -> memref<1x2560xi32, #tpu.memory_space<hbm>>
        %dma_start3A_69 = tpu.memref_squeeze %dma_start3A_68 : memref<1x2560xi32, #tpu.memory_space<hbm>> -> memref<2560xi32, #tpu.memory_space<hbm>>
        %dma_start3A_70 = arith.constant 0 : i32
        %dma_start3A_71 = tpu.memref_slice %arg9[%dma_start3A_70] : memref<10240xi32, #tpu.memory_space<vmem>> -> memref<2560xi32, #tpu.memory_space<vmem>>
        %dma_start3A_72 = arith.constant 317440 : i32
        %dma_start3A_73 = tpu.memref_slice %arg3[%run_scoped3A_58, %dma_start3A_72] : memref<2x320000xi32, #tpu.memory_space<hbm>> -> memref<1x2560xi32, #tpu.memory_space<hbm>>
        %dma_start3A_74 = tpu.memref_squeeze %dma_start3A_73 : memref<1x2560xi32, #tpu.memory_space<hbm>> -> memref<2560xi32, #tpu.memory_space<hbm>>
        tpu.enqueue_dma source(%dma_start3A_74 : memref<2560xi32, #tpu.memory_space<hbm>>) target(%dma_start3A_71 : memref<2560xi32, #tpu.memory_space<vmem>>) target_semaphore(%run_scoped3A_64 : memref<!tpu.dma_semaphore, #tpu.memory_space<semaphore_mem>>)
        %dma_wait3A = arith.constant 0 : i32
        %dma_wait3A_75 = tpu.memref_slice %arg9[%dma_wait3A] : memref<10240xi32, #tpu.memory_space<vmem>> -> memref<2560xi32, #tpu.memory_space<vmem>>
        %dma_wait3A_76 = arith.constant 317440 : i32
        %dma_wait3A_77 = tpu.memref_slice %arg3[%run_scoped3A_58, %dma_wait3A_76] : memref<2x320000xi32, #tpu.memory_space<hbm>> -> memref<1x2560xi32, #tpu.memory_space<hbm>>
        %dma_wait3A_78 = tpu.memref_squeeze %dma_wait3A_77 : memref<1x2560xi32, #tpu.memory_space<hbm>> -> memref<2560xi32, #tpu.memory_space<hbm>>
        %dma_wait3A_79 = arith.constant 0 : i32
        %dma_wait3A_80 = tpu.memref_slice %arg9[%dma_wait3A_79] : memref<10240xi32, #tpu.memory_space<vmem>> -> memref<2560xi32, #tpu.memory_space<vmem>>
        %dma_wait3A_81 = arith.constant 317440 : i32
        %dma_wait3A_82 = tpu.memref_slice %arg3[%run_scoped3A_58, %dma_wait3A_81] : memref<2x320000xi32, #tpu.memory_space<hbm>> -> memref<1x2560xi32, #tpu.memory_space<hbm>>
        %dma_wait3A_83 = tpu.memref_squeeze %dma_wait3A_82 : memref<1x2560xi32, #tpu.memory_space<hbm>> -> memref<2560xi32, #tpu.memory_space<hbm>>
        tpu.wait_dma2 semaphore(%run_scoped3A_64 : memref<!tpu.dma_semaphore, #tpu.memory_space<semaphore_mem>>) src(%dma_wait3A_83 : memref<2560xi32, #tpu.memory_space<hbm>>) dst(%dma_wait3A_80 : memref<2560xi32, #tpu.memory_space<vmem>>)
        tpu.yield
      }) : () -> ()
      %iota3A = tpu.iota {dimensions = array<i32: 0>} : vector<16xi32>
      %scan3A_59 = arith.constant 0 : i32
      %scan3A_60 = arith.constant 480 : i32
      %scan3A_61 = arith.addi %scan3A_59, %scan3A_60 : i32
      %scan3A_62 = arith.constant 1 : i32
      scf.for %scan3A_64 = %scan3A_59 to %scan3A_61 step %scan3A_62  : i32 {
        %mul3A_65 = arith.constant 1 : i32
        %mul3A_66 = arith.muli %scan3A_64, %mul3A_65 : i32
        %add3A_67 = arith.constant 0 : i32
        %add3A_68 = arith.addi %add3A_67, %mul3A_66 : i32
        %mul3A_69 = arith.constant 16 : i32
        %mul3A_70 = arith.muli %add3A_68, %mul3A_69 : i32
        %add3A_71 = arith.constant 2560 : i32
        %add3A_72 = arith.addi %add3A_71, %mul3A_70 : i32
        %broadcast_in_dim3A_73 = arith.constant 0 : i32
        %broadcast_in_dim3A_74 = vector.broadcast %broadcast_in_dim3A_73 : i32 to vector<16xi32>
        %swap3A = arith.index_cast %add3A_72 : i32 to index
        %swap3A_75 = tpu.vector_load %arg8[%swap3A] {strides = array<i32>} : memref<10240xi32, #tpu.memory_space<vmem>>, vector<16xi32>,
        tpu.vector_store %arg8[%swap3A], %broadcast_in_dim3A_74 {strides = array<i32>} : memref<10240xi32, #tpu.memory_space<vmem>>, vector<16xi32>,
        %add3A_76 = vector.broadcast %add3A_72 : i32 to vector<16xi32>
        %add3A_77 = arith.addi %add3A_76, %iota3A : vector<16xi32>
        %and3A = arith.constant 127 : i32
        %and3A_78 = vector.broadcast %and3A : i32 to vector<16xi32>
        %and3A_79 = arith.andi %add3A_77, %and3A_78 : vector<16xi32>
        %add3A_80 = arith.constant 10000 : i32
        %add3A_81 = vector.broadcast %add3A_80 : i32 to vector<16xi32>
        %add3A_82 = arith.addi %add3A_81, %and3A_79 : vector<16xi32>
        %swap3A_83 = arith.index_cast %add3A_72 : i32 to index
        %swap3A_84 = tpu.vector_load %arg9[%swap3A_83] {strides = array<i32>} : memref<10240xi32, #tpu.memory_space<vmem>>, vector<16xi32>,
        tpu.vector_store %arg9[%swap3A_83], %add3A_82 {strides = array<i32>} : memref<10240xi32, #tpu.memory_space<vmem>>, vector<16xi32>,
      }
      %scan3A_63 = arith.constant 480 : i32
    } else {
    }
    %scan3A = arith.constant 0 : i32
    %scan3A_11 = arith.constant 640 : i32
    %scan3A_12 = arith.addi %scan3A, %scan3A_11 : i32
    %scan3A_13 = arith.constant 1 : i32
    scf.for %scan3A_58 = %scan3A to %scan3A_12 step %scan3A_13  : i32 {
      %mul3A_59 = arith.constant 1 : i32
      %mul3A_60 = arith.muli %scan3A_58, %mul3A_59 : i32
      %add3A_61 = arith.constant 0 : i32
      %add3A_62 = arith.addi %add3A_61, %mul3A_60 : i32
      %broadcast_in_dim3A_63 = arith.constant 0.000000e+00 : f32
      %broadcast_in_dim3A_64 = vector.broadcast %broadcast_in_dim3A_63 : f32 to vector<16xf32>
      %mul3A_65 = arith.constant 16 : i32
      %mul3A_66 = arith.muli %add3A_62, %mul3A_65 : i32
      %swap3A = arith.index_cast %mul3A_66 : i32 to index
      %swap3A_67 = tpu.vector_load %arg16[%swap3A] {strides = array<i32>} : memref<10240xf32, #tpu.memory_space<vmem>>, vector<16xf32>,
      tpu.vector_store %arg16[%swap3A], %broadcast_in_dim3A_64 {strides = array<i32>} : memref<10240xf32, #tpu.memory_space<vmem>>, vector<16xf32>,
    }
    %scan3A_14 = arith.constant 640 : i32
    %broadcast_in_dim3A = arith.constant 1.000000e+00 : f32
    %broadcast_in_dim3A_15 = vector.broadcast %broadcast_in_dim3A : f32 to vector<16xf32>
    "tpu.region"() ({
      %run_scoped3A = tpu.sem_alloc : memref<!tpu.dma_semaphore, #tpu.memory_space<semaphore_mem>>
      %dma_start3A_58 = arith.constant 0 : i32
      %dma_start3A_59 = tpu.memref_slice %arg12[%mul3A_2, %dma_start3A_58] : memref<10240x64xf32, #tpu.memory_space<vmem_shared>> -> memref<640x64xf32, #tpu.memory_space<vmem_shared>>
      tpu.enqueue_dma source(%arg4 : memref<640x64xf32, #tpu.memory_space<hbm>>) target(%dma_start3A_59 : memref<640x64xf32, #tpu.memory_space<vmem_shared>>) target_semaphore(%run_scoped3A : memref<!tpu.dma_semaphore, #tpu.memory_space<semaphore_mem>>)
      %dma_wait3A = arith.constant 0 : i32
      %dma_wait3A_60 = tpu.memref_slice %arg12[%mul3A_2, %dma_wait3A] : memref<10240x64xf32, #tpu.memory_space<vmem_shared>> -> memref<640x64xf32, #tpu.memory_space<vmem_shared>>
      tpu.wait_dma2 semaphore(%run_scoped3A : memref<!tpu.dma_semaphore, #tpu.memory_space<semaphore_mem>>) src(%arg4 : memref<640x64xf32, #tpu.memory_space<hbm>>) dst(%dma_wait3A_60 : memref<640x64xf32, #tpu.memory_space<vmem_shared>>)
      tpu.yield
    }) : () -> ()
    "tpu.region"() ({
      %run_scoped3A = tpu.sem_alloc : memref<!tpu.dma_semaphore, #tpu.memory_space<semaphore_mem>>
      %dma_start3A_58 = arith.constant 0 : i32
      %dma_start3A_59 = tpu.memref_slice %arg13[%mul3A_2, %dma_start3A_58] : memref<10240x64xf32, #tpu.memory_space<vmem_shared>> -> memref<640x64xf32, #tpu.memory_space<vmem_shared>>
      %dma_start3A_60 = arith.constant 0 : i32
      %dma_start3A_61 = tpu.memref_slice %arg2[%mul3A_2, %dma_start3A_60] : memref<10240x128xf32, #tpu.memory_space<hbm>> -> memref<640x64xf32, #tpu.memory_space<hbm>>
      tpu.enqueue_dma source(%dma_start3A_61 : memref<640x64xf32, #tpu.memory_space<hbm>>) target(%dma_start3A_59 : memref<640x64xf32, #tpu.memory_space<vmem_shared>>) target_semaphore(%run_scoped3A : memref<!tpu.dma_semaphore, #tpu.memory_space<semaphore_mem>>)
      %dma_wait3A = arith.constant 0 : i32
      %dma_wait3A_62 = tpu.memref_slice %arg13[%mul3A_2, %dma_wait3A] : memref<10240x64xf32, #tpu.memory_space<vmem_shared>> -> memref<640x64xf32, #tpu.memory_space<vmem_shared>>
      %dma_wait3A_63 = arith.constant 0 : i32
      %dma_wait3A_64 = tpu.memref_slice %arg2[%mul3A_2, %dma_wait3A_63] : memref<10240x128xf32, #tpu.memory_space<hbm>> -> memref<640x64xf32, #tpu.memory_space<hbm>>
      tpu.wait_dma2 semaphore(%run_scoped3A : memref<!tpu.dma_semaphore, #tpu.memory_space<semaphore_mem>>) src(%dma_wait3A_64 : memref<640x64xf32, #tpu.memory_space<hbm>>) dst(%dma_wait3A_62 : memref<640x64xf32, #tpu.memory_space<vmem_shared>>)
      tpu.yield
    }) : () -> ()
    %barrier3A = arith.constant 0 : index
    tpu.barrier barrier_id(%barrier3A)
    %dma_start3A = arith.constant 0 : i32
    %dma_start3A_16 = tpu.memref_slice %arg8[%dma_start3A] : memref<10240xi32, #tpu.memory_space<vmem>> -> memref<128xi32, #tpu.memory_space<vmem>>
    %dma_start3A_17 = arith.constant 0 : i32
    %dma_start3A_18 = arith.constant 0 : i32
    %dma_start3A_19 = tpu.memref_slice %arg13[%dma_start3A_17, %dma_start3A_18] : memref<10240x64xf32, #tpu.memory_space<vmem_shared>> -> memref<10240x64xf32, #tpu.memory_space<vmem_shared>>
    tpu.enqueue_indirect_dma source(%dma_start3A_19 : memref<10240x64xf32, #tpu.memory_space<vmem_shared>>) target(%arg10 : memref<128x64xf32, #tpu.memory_space<vmem>>) offsets(%dma_start3A_16 : memref<128xi32, #tpu.memory_space<vmem>>) semaphore(%arg14 : memref<!tpu.dma_semaphore, #tpu.memory_space<semaphore_mem>>)
    %scan3A_20 = arith.constant 0 : i32
    %scan3A_21 = arith.constant 40 : i32
    %scan3A_22 = arith.addi %scan3A_20, %scan3A_21 : i32
    %scan3A_23 = arith.constant 1 : i32
    scf.for %scan3A_58 = %scan3A_20 to %scan3A_22 step %scan3A_23  : i32 {
      %mul3A_59 = arith.constant 2 : i32
      %mul3A_60 = arith.muli %scan3A_58, %mul3A_59 : i32
      %add3A_61 = arith.constant 0 : i32
      %add3A_62 = arith.addi %add3A_61, %mul3A_60 : i32
      %add3A_63 = arith.constant 0 : i32
      %add3A_64 = arith.addi %add3A_62, %add3A_63 : i32
      %add3A_65 = arith.constant 2 : i32
      %add3A_66 = arith.addi %add3A_64, %add3A_65 : i32
      %sub3A = arith.constant 1 : i32
      %sub3A_67 = arith.subi %add3A_66, %sub3A : i32
      %lt3A_68 = arith.constant 80 : i32
      %lt3A_69 = arith.cmpi slt, %sub3A_67, %lt3A_68 : i32
      %convert_element_type3A_70 = arith.extui %lt3A_69 : i1 to i32
      %cond3A_71 = arith.constant 0 : i32
      %cond3A_72 = arith.cmpi ne, %convert_element_type3A_70, %cond3A_71 : i32
      scf.if %cond3A_72 {
        %add3A_98 = arith.constant 0 : i32
        %add3A_99 = arith.addi %add3A_62, %add3A_98 : i32
        %add3A_100 = arith.constant 2 : i32
        %add3A_101 = arith.addi %add3A_99, %add3A_100 : i32
        %sub3A_102 = arith.constant 1 : i32
        %sub3A_103 = arith.subi %add3A_101, %sub3A_102 : i32
        %mul3A_104 = arith.constant 128 : i32
        %mul3A_105 = arith.muli %sub3A_103, %mul3A_104 : i32
        %dma_start3A_106 = tpu.memref_slice %arg8[%mul3A_105] : memref<10240xi32, #tpu.memory_space<vmem>> -> memref<128xi32, #tpu.memory_space<vmem>>
        %dma_start3A_107 = arith.constant 0 : i32
        %dma_start3A_108 = arith.constant 0 : i32
        %dma_start3A_109 = tpu.memref_slice %arg13[%dma_start3A_107, %dma_start3A_108] : memref<10240x64xf32, #tpu.memory_space<vmem_shared>> -> memref<10240x64xf32, #tpu.memory_space<vmem_shared>>
        tpu.enqueue_indirect_dma source(%dma_start3A_109 : memref<10240x64xf32, #tpu.memory_space<vmem_shared>>) target(%arg11 : memref<128x64xf32, #tpu.memory_space<vmem>>) offsets(%dma_start3A_106 : memref<128xi32, #tpu.memory_space<vmem>>) semaphore(%arg15 : memref<!tpu.dma_semaphore, #tpu.memory_space<semaphore_mem>>)
      } else {
      }
      %add3A_73 = arith.constant 0 : i32
      %add3A_74 = arith.addi %add3A_62, %add3A_73 : i32
      %lt3A_75 = arith.constant 80 : i32
      %lt3A_76 = arith.cmpi slt, %add3A_74, %lt3A_75 : i32
      %convert_element_type3A_77 = arith.extui %lt3A_76 : i1 to i32
      %cond3A_78 = arith.constant 0 : i32
      %cond3A_79 = arith.cmpi ne, %convert_element_type3A_77, %cond3A_78 : i32
      scf.if %cond3A_79 {
        %add3A_98 = arith.constant 0 : i32
        %add3A_99 = arith.addi %add3A_62, %add3A_98 : i32
        %mul3A_100 = arith.constant 128 : i32
        %mul3A_101 = arith.muli %add3A_99, %mul3A_100 : i32
        %dma_wait3A = tpu.memref_slice %arg8[%mul3A_101] : memref<10240xi32, #tpu.memory_space<vmem>> -> memref<128xi32, #tpu.memory_space<vmem>>
        %dma_wait3A_102 = arith.constant 0 : i32
        %dma_wait3A_103 = arith.constant 0 : i32
        %dma_wait3A_104 = tpu.memref_slice %arg13[%dma_wait3A_102, %dma_wait3A_103] : memref<10240x64xf32, #tpu.memory_space<vmem_shared>> -> memref<10240x64xf32, #tpu.memory_space<vmem_shared>>
        tpu.wait_indirect_dma semaphore(%arg14 : memref<!tpu.dma_semaphore, #tpu.memory_space<semaphore_mem>>) src(%dma_wait3A_104 : memref<10240x64xf32, #tpu.memory_space<vmem_shared>>) dst(%arg10 : memref<128x64xf32, #tpu.memory_space<vmem>>)
        %add3A_105 = arith.constant 0 : i32
        %add3A_106 = arith.addi %add3A_62, %add3A_105 : i32
        %mul3A_107 = arith.constant 128 : i32
        %mul3A_108 = arith.muli %add3A_106, %mul3A_107 : i32
        "tpu.region"() ({
          %run_scoped3A = tpu.sem_alloc : memref<!tpu.dma_semaphore, #tpu.memory_space<semaphore_mem>>
          %dma_start3A_158 = tpu.memref_slice %arg9[%mul3A_108] : memref<10240xi32, #tpu.memory_space<vmem>> -> memref<128xi32, #tpu.memory_space<vmem>>
          %dma_start3A_159 = arith.constant 0 : i32
          %dma_start3A_160 = arith.constant 0 : i32
          %dma_start3A_161 = tpu.memref_slice %arg12[%dma_start3A_159, %dma_start3A_160] : memref<10240x64xf32, #tpu.memory_space<vmem_shared>> -> memref<10240x64xf32, #tpu.memory_space<vmem_shared>>
          tpu.enqueue_indirect_dma source(%arg10 : memref<128x64xf32, #tpu.memory_space<vmem>>) target(%dma_start3A_161 : memref<10240x64xf32, #tpu.memory_space<vmem_shared>>) offsets(%dma_start3A_158 : memref<128xi32, #tpu.memory_space<vmem>>) semaphore(%run_scoped3A : memref<!tpu.dma_semaphore, #tpu.memory_space<semaphore_mem>>) {add = true}
          %dma_wait3A_162 = tpu.memref_slice %arg9[%mul3A_108] : memref<10240xi32, #tpu.memory_space<vmem>> -> memref<128xi32, #tpu.memory_space<vmem>>
          %dma_wait3A_163 = arith.constant 0 : i32
          %dma_wait3A_164 = arith.constant 0 : i32
          %dma_wait3A_165 = tpu.memref_slice %arg12[%dma_wait3A_163, %dma_wait3A_164] : memref<10240x64xf32, #tpu.memory_space<vmem_shared>> -> memref<10240x64xf32, #tpu.memory_space<vmem_shared>>
          tpu.wait_indirect_dma semaphore(%run_scoped3A : memref<!tpu.dma_semaphore, #tpu.memory_space<semaphore_mem>>) src(%arg10 : memref<128x64xf32, #tpu.memory_space<vmem>>) dst(%dma_wait3A_165 : memref<10240x64xf32, #tpu.memory_space<vmem_shared>>)
          tpu.yield
        }) : () -> ()
        %add3A_109 = arith.constant 0 : i32
        %add3A_110 = arith.addi %add3A_62, %add3A_109 : i32
        %mul3A_111 = arith.constant 128 : i32
        %mul3A_112 = arith.muli %add3A_110, %mul3A_111 : i32
        %add3A_113 = arith.constant 0 : i32
        %add3A_114 = arith.addi %mul3A_112, %add3A_113 : i32
        %get3A = arith.index_cast %add3A_114 : i32 to index
        %get3A_115 = tpu.vector_load %arg9[%get3A] {strides = array<i32>} : memref<10240xi32, #tpu.memory_space<vmem>>, vector<16xi32>,
        tpu.vector_store_idx %arg16[%get3A_115], %broadcast_in_dim3A_15 {add = true} : memref<10240xf32, #tpu.memory_space<vmem>>[vector<16xi32>], vector<16xf32>,
        %mul3A_116 = arith.constant 128 : i32
        %mul3A_117 = arith.muli %add3A_110, %mul3A_116 : i32
        %add3A_118 = arith.constant 16 : i32
        %add3A_119 = arith.addi %mul3A_117, %add3A_118 : i32
        %get3A_120 = arith.index_cast %add3A_119 : i32 to index
        %get3A_121 = tpu.vector_load %arg9[%get3A_120] {strides = array<i32>} : memref<10240xi32, #tpu.memory_space<vmem>>, vector<16xi32>,
        tpu.vector_store_idx %arg16[%get3A_121], %broadcast_in_dim3A_15 {add = true} : memref<10240xf32, #tpu.memory_space<vmem>>[vector<16xi32>], vector<16xf32>,
        %mul3A_122 = arith.constant 128 : i32
        %mul3A_123 = arith.muli %add3A_110, %mul3A_122 : i32
        %add3A_124 = arith.constant 32 : i32
        %add3A_125 = arith.addi %mul3A_123, %add3A_124 : i32
        %get3A_126 = arith.index_cast %add3A_125 : i32 to index
        %get3A_127 = tpu.vector_load %arg9[%get3A_126] {strides = array<i32>} : memref<10240xi32, #tpu.memory_space<vmem>>, vector<16xi32>,
        tpu.vector_store_idx %arg16[%get3A_127], %broadcast_in_dim3A_15 {add = true} : memref<10240xf32, #tpu.memory_space<vmem>>[vector<16xi32>], vector<16xf32>,
        %mul3A_128 = arith.constant 128 : i32
        %mul3A_129 = arith.muli %add3A_110, %mul3A_128 : i32
        %add3A_130 = arith.constant 48 : i32
        %add3A_131 = arith.addi %mul3A_129, %add3A_130 : i32
        %get3A_132 = arith.index_cast %add3A_131 : i32 to index
        %get3A_133 = tpu.vector_load %arg9[%get3A_132] {strides = array<i32>} : memref<10240xi32, #tpu.memory_space<vmem>>, vector<16xi32>,
        tpu.vector_store_idx %arg16[%get3A_133], %broadcast_in_dim3A_15 {add = true} : memref<10240xf32, #tpu.memory_space<vmem>>[vector<16xi32>], vector<16xf32>,
        %mul3A_134 = arith.constant 128 : i32
        %mul3A_135 = arith.muli %add3A_110, %mul3A_134 : i32
        %add3A_136 = arith.constant 64 : i32
        %add3A_137 = arith.addi %mul3A_135, %add3A_136 : i32
        %get3A_138 = arith.index_cast %add3A_137 : i32 to index
        %get3A_139 = tpu.vector_load %arg9[%get3A_138] {strides = array<i32>} : memref<10240xi32, #tpu.memory_space<vmem>>, vector<16xi32>,
        tpu.vector_store_idx %arg16[%get3A_139], %broadcast_in_dim3A_15 {add = true} : memref<10240xf32, #tpu.memory_space<vmem>>[vector<16xi32>], vector<16xf32>,
        %mul3A_140 = arith.constant 128 : i32
        %mul3A_141 = arith.muli %add3A_110, %mul3A_140 : i32
        %add3A_142 = arith.constant 80 : i32
        %add3A_143 = arith.addi %mul3A_141, %add3A_142 : i32
        %get3A_144 = arith.index_cast %add3A_143 : i32 to index
        %get3A_145 = tpu.vector_load %arg9[%get3A_144] {strides = array<i32>} : memref<10240xi32, #tpu.memory_space<vmem>>, vector<16xi32>,
        tpu.vector_store_idx %arg16[%get3A_145], %broadcast_in_dim3A_15 {add = true} : memref<10240xf32, #tpu.memory_space<vmem>>[vector<16xi32>], vector<16xf32>,
        %mul3A_146 = arith.constant 128 : i32
        %mul3A_147 = arith.muli %add3A_110, %mul3A_146 : i32
        %add3A_148 = arith.constant 96 : i32
        %add3A_149 = arith.addi %mul3A_147, %add3A_148 : i32
        %get3A_150 = arith.index_cast %add3A_149 : i32 to index
        %get3A_151 = tpu.vector_load %arg9[%get3A_150] {strides = array<i32>} : memref<10240xi32, #tpu.memory_space<vmem>>, vector<16xi32>,
        tpu.vector_store_idx %arg16[%get3A_151], %broadcast_in_dim3A_15 {add = true} : memref<10240xf32, #tpu.memory_space<vmem>>[vector<16xi32>], vector<16xf32>,
        %mul3A_152 = arith.constant 128 : i32
        %mul3A_153 = arith.muli %add3A_110, %mul3A_152 : i32
        %add3A_154 = arith.constant 112 : i32
        %add3A_155 = arith.addi %mul3A_153, %add3A_154 : i32
        %get3A_156 = arith.index_cast %add3A_155 : i32 to index
        %get3A_157 = tpu.vector_load %arg9[%get3A_156] {strides = array<i32>} : memref<10240xi32, #tpu.memory_space<vmem>>, vector<16xi32>,
        tpu.vector_store_idx %arg16[%get3A_157], %broadcast_in_dim3A_15 {add = true} : memref<10240xf32, #tpu.memory_space<vmem>>[vector<16xi32>], vector<16xf32>,
      } else {
      }
      %add3A_80 = arith.constant 1 : i32
      %add3A_81 = arith.addi %add3A_62, %add3A_80 : i32
      %add3A_82 = arith.constant 2 : i32
      %add3A_83 = arith.addi %add3A_81, %add3A_82 : i32
      %sub3A_84 = arith.constant 1 : i32
      %sub3A_85 = arith.subi %add3A_83, %sub3A_84 : i32
      %lt3A_86 = arith.constant 80 : i32
      %lt3A_87 = arith.cmpi slt, %sub3A_85, %lt3A_86 : i32
      %convert_element_type3A_88 = arith.extui %lt3A_87 : i1 to i32
      %cond3A_89 = arith.constant 0 : i32
      %cond3A_90 = arith.cmpi ne, %convert_element_type3A_88, %cond3A_89 : i32
      scf.if %cond3A_90 {
        %add3A_98 = arith.constant 1 : i32
        %add3A_99 = arith.addi %add3A_62, %add3A_98 : i32
        %add3A_100 = arith.constant 2 : i32
        %add3A_101 = arith.addi %add3A_99, %add3A_100 : i32
        %sub3A_102 = arith.constant 1 : i32
        %sub3A_103 = arith.subi %add3A_101, %sub3A_102 : i32
        %mul3A_104 = arith.constant 128 : i32
        %mul3A_105 = arith.muli %sub3A_103, %mul3A_104 : i32
        %dma_start3A_106 = tpu.memref_slice %arg8[%mul3A_105] : memref<10240xi32, #tpu.memory_space<vmem>> -> memref<128xi32, #tpu.memory_space<vmem>>
        %dma_start3A_107 = arith.constant 0 : i32
        %dma_start3A_108 = arith.constant 0 : i32
        %dma_start3A_109 = tpu.memref_slice %arg13[%dma_start3A_107, %dma_start3A_108] : memref<10240x64xf32, #tpu.memory_space<vmem_shared>> -> memref<10240x64xf32, #tpu.memory_space<vmem_shared>>
        tpu.enqueue_indirect_dma source(%dma_start3A_109 : memref<10240x64xf32, #tpu.memory_space<vmem_shared>>) target(%arg10 : memref<128x64xf32, #tpu.memory_space<vmem>>) offsets(%dma_start3A_106 : memref<128xi32, #tpu.memory_space<vmem>>) semaphore(%arg14 : memref<!tpu.dma_semaphore, #tpu.memory_space<semaphore_mem>>)
      } else {
      }
      %add3A_91 = arith.constant 1 : i32
      %add3A_92 = arith.addi %add3A_62, %add3A_91 : i32
      %lt3A_93 = arith.constant 80 : i32
      %lt3A_94 = arith.cmpi slt, %add3A_92, %lt3A_93 : i32
      %convert_element_type3A_95 = arith.extui %lt3A_94 : i1 to i32
      %cond3A_96 = arith.constant 0 : i32
      %cond3A_97 = arith.cmpi ne, %convert_element_type3A_95, %cond3A_96 : i32
      scf.if %cond3A_97 {
        %add3A_98 = arith.constant 1 : i32
        %add3A_99 = arith.addi %add3A_62, %add3A_98 : i32
        %mul3A_100 = arith.constant 128 : i32
        %mul3A_101 = arith.muli %add3A_99, %mul3A_100 : i32
        %dma_wait3A = tpu.memref_slice %arg8[%mul3A_101] : memref<10240xi32, #tpu.memory_space<vmem>> -> memref<128xi32, #tpu.memory_space<vmem>>
        %dma_wait3A_102 = arith.constant 0 : i32
        %dma_wait3A_103 = arith.constant 0 : i32
        %dma_wait3A_104 = tpu.memref_slice %arg13[%dma_wait3A_102, %dma_wait3A_103] : memref<10240x64xf32, #tpu.memory_space<vmem_shared>> -> memref<10240x64xf32, #tpu.memory_space<vmem_shared>>
        tpu.wait_indirect_dma semaphore(%arg15 : memref<!tpu.dma_semaphore, #tpu.memory_space<semaphore_mem>>) src(%dma_wait3A_104 : memref<10240x64xf32, #tpu.memory_space<vmem_shared>>) dst(%arg11 : memref<128x64xf32, #tpu.memory_space<vmem>>)
        %add3A_105 = arith.constant 1 : i32
        %add3A_106 = arith.addi %add3A_62, %add3A_105 : i32
        %mul3A_107 = arith.constant 128 : i32
        %mul3A_108 = arith.muli %add3A_106, %mul3A_107 : i32
        "tpu.region"() ({
          %run_scoped3A = tpu.sem_alloc : memref<!tpu.dma_semaphore, #tpu.memory_space<semaphore_mem>>
          %dma_start3A_158 = tpu.memref_slice %arg9[%mul3A_108] : memref<10240xi32, #tpu.memory_space<vmem>> -> memref<128xi32, #tpu.memory_space<vmem>>
          %dma_start3A_159 = arith.constant 0 : i32
          %dma_start3A_160 = arith.constant 0 : i32
          %dma_start3A_161 = tpu.memref_slice %arg12[%dma_start3A_159, %dma_start3A_160] : memref<10240x64xf32, #tpu.memory_space<vmem_shared>> -> memref<10240x64xf32, #tpu.memory_space<vmem_shared>>
          tpu.enqueue_indirect_dma source(%arg11 : memref<128x64xf32, #tpu.memory_space<vmem>>) target(%dma_start3A_161 : memref<10240x64xf32, #tpu.memory_space<vmem_shared>>) offsets(%dma_start3A_158 : memref<128xi32, #tpu.memory_space<vmem>>) semaphore(%run_scoped3A : memref<!tpu.dma_semaphore, #tpu.memory_space<semaphore_mem>>) {add = true}
          %dma_wait3A_162 = tpu.memref_slice %arg9[%mul3A_108] : memref<10240xi32, #tpu.memory_space<vmem>> -> memref<128xi32, #tpu.memory_space<vmem>>
          %dma_wait3A_163 = arith.constant 0 : i32
          %dma_wait3A_164 = arith.constant 0 : i32
          %dma_wait3A_165 = tpu.memref_slice %arg12[%dma_wait3A_163, %dma_wait3A_164] : memref<10240x64xf32, #tpu.memory_space<vmem_shared>> -> memref<10240x64xf32, #tpu.memory_space<vmem_shared>>
          tpu.wait_indirect_dma semaphore(%run_scoped3A : memref<!tpu.dma_semaphore, #tpu.memory_space<semaphore_mem>>) src(%arg11 : memref<128x64xf32, #tpu.memory_space<vmem>>) dst(%dma_wait3A_165 : memref<10240x64xf32, #tpu.memory_space<vmem_shared>>)
          tpu.yield
        }) : () -> ()
        %add3A_109 = arith.constant 1 : i32
        %add3A_110 = arith.addi %add3A_62, %add3A_109 : i32
        %mul3A_111 = arith.constant 128 : i32
        %mul3A_112 = arith.muli %add3A_110, %mul3A_111 : i32
        %add3A_113 = arith.constant 0 : i32
        %add3A_114 = arith.addi %mul3A_112, %add3A_113 : i32
        %get3A = arith.index_cast %add3A_114 : i32 to index
        %get3A_115 = tpu.vector_load %arg9[%get3A] {strides = array<i32>} : memref<10240xi32, #tpu.memory_space<vmem>>, vector<16xi32>,
        tpu.vector_store_idx %arg16[%get3A_115], %broadcast_in_dim3A_15 {add = true} : memref<10240xf32, #tpu.memory_space<vmem>>[vector<16xi32>], vector<16xf32>,
        %mul3A_116 = arith.constant 128 : i32
        %mul3A_117 = arith.muli %add3A_110, %mul3A_116 : i32
        %add3A_118 = arith.constant 16 : i32
        %add3A_119 = arith.addi %mul3A_117, %add3A_118 : i32
        %get3A_120 = arith.index_cast %add3A_119 : i32 to index
        %get3A_121 = tpu.vector_load %arg9[%get3A_120] {strides = array<i32>} : memref<10240xi32, #tpu.memory_space<vmem>>, vector<16xi32>,
        tpu.vector_store_idx %arg16[%get3A_121], %broadcast_in_dim3A_15 {add = true} : memref<10240xf32, #tpu.memory_space<vmem>>[vector<16xi32>], vector<16xf32>,
        %mul3A_122 = arith.constant 128 : i32
        %mul3A_123 = arith.muli %add3A_110, %mul3A_122 : i32
        %add3A_124 = arith.constant 32 : i32
        %add3A_125 = arith.addi %mul3A_123, %add3A_124 : i32
        %get3A_126 = arith.index_cast %add3A_125 : i32 to index
        %get3A_127 = tpu.vector_load %arg9[%get3A_126] {strides = array<i32>} : memref<10240xi32, #tpu.memory_space<vmem>>, vector<16xi32>,
        tpu.vector_store_idx %arg16[%get3A_127], %broadcast_in_dim3A_15 {add = true} : memref<10240xf32, #tpu.memory_space<vmem>>[vector<16xi32>], vector<16xf32>,
        %mul3A_128 = arith.constant 128 : i32
        %mul3A_129 = arith.muli %add3A_110, %mul3A_128 : i32
        %add3A_130 = arith.constant 48 : i32
        %add3A_131 = arith.addi %mul3A_129, %add3A_130 : i32
        %get3A_132 = arith.index_cast %add3A_131 : i32 to index
        %get3A_133 = tpu.vector_load %arg9[%get3A_132] {strides = array<i32>} : memref<10240xi32, #tpu.memory_space<vmem>>, vector<16xi32>,
        tpu.vector_store_idx %arg16[%get3A_133], %broadcast_in_dim3A_15 {add = true} : memref<10240xf32, #tpu.memory_space<vmem>>[vector<16xi32>], vector<16xf32>,
        %mul3A_134 = arith.constant 128 : i32
        %mul3A_135 = arith.muli %add3A_110, %mul3A_134 : i32
        %add3A_136 = arith.constant 64 : i32
        %add3A_137 = arith.addi %mul3A_135, %add3A_136 : i32
        %get3A_138 = arith.index_cast %add3A_137 : i32 to index
        %get3A_139 = tpu.vector_load %arg9[%get3A_138] {strides = array<i32>} : memref<10240xi32, #tpu.memory_space<vmem>>, vector<16xi32>,
        tpu.vector_store_idx %arg16[%get3A_139], %broadcast_in_dim3A_15 {add = true} : memref<10240xf32, #tpu.memory_space<vmem>>[vector<16xi32>], vector<16xf32>,
        %mul3A_140 = arith.constant 128 : i32
        %mul3A_141 = arith.muli %add3A_110, %mul3A_140 : i32
        %add3A_142 = arith.constant 80 : i32
        %add3A_143 = arith.addi %mul3A_141, %add3A_142 : i32
        %get3A_144 = arith.index_cast %add3A_143 : i32 to index
        %get3A_145 = tpu.vector_load %arg9[%get3A_144] {strides = array<i32>} : memref<10240xi32, #tpu.memory_space<vmem>>, vector<16xi32>,
        tpu.vector_store_idx %arg16[%get3A_145], %broadcast_in_dim3A_15 {add = true} : memref<10240xf32, #tpu.memory_space<vmem>>[vector<16xi32>], vector<16xf32>,
        %mul3A_146 = arith.constant 128 : i32
        %mul3A_147 = arith.muli %add3A_110, %mul3A_146 : i32
        %add3A_148 = arith.constant 96 : i32
        %add3A_149 = arith.addi %mul3A_147, %add3A_148 : i32
        %get3A_150 = arith.index_cast %add3A_149 : i32 to index
        %get3A_151 = tpu.vector_load %arg9[%get3A_150] {strides = array<i32>} : memref<10240xi32, #tpu.memory_space<vmem>>, vector<16xi32>,
        tpu.vector_store_idx %arg16[%get3A_151], %broadcast_in_dim3A_15 {add = true} : memref<10240xf32, #tpu.memory_space<vmem>>[vector<16xi32>], vector<16xf32>,
        %mul3A_152 = arith.constant 128 : i32
        %mul3A_153 = arith.muli %add3A_110, %mul3A_152 : i32
        %add3A_154 = arith.constant 112 : i32
        %add3A_155 = arith.addi %mul3A_153, %add3A_154 : i32
        %get3A_156 = arith.index_cast %add3A_155 : i32 to index
        %get3A_157 = tpu.vector_load %arg9[%get3A_156] {strides = array<i32>} : memref<10240xi32, #tpu.memory_space<vmem>>, vector<16xi32>,
        tpu.vector_store_idx %arg16[%get3A_157], %broadcast_in_dim3A_15 {add = true} : memref<10240xf32, #tpu.memory_space<vmem>>[vector<16xi32>], vector<16xf32>,
      } else {
      }
    }
    %scan3A_24 = arith.constant 40 : i32
    %barrier3A_25 = arith.constant 0 : index
    tpu.barrier barrier_id(%barrier3A_25)
    %eq3A_26 = arith.constant 0 : i32
    %eq3A_27 = arith.cmpi eq, %arg0, %eq3A_26 : i32
    %convert_element_type3A_28 = arith.extui %eq3A_27 : i1 to i32
    %cond3A_29 = arith.constant 0 : i32
    %cond3A_30 = arith.cmpi ne, %convert_element_type3A_28, %cond3A_29 : i32
    scf.if %cond3A_30 {
      "tpu.region"() ({
        %run_scoped3A = tpu.sem_alloc : memref<!tpu.dma_semaphore, #tpu.memory_space<semaphore_mem>>
        %dma_start3A_58 = arith.constant 0 : i32
        %dma_start3A_59 = tpu.memref_slice %arg5[%mul3A_2, %dma_start3A_58] : memref<10240x128xf32, #tpu.memory_space<hbm>> -> memref<640x64xf32, #tpu.memory_space<hbm>>
        %dma_start3A_60 = arith.constant 0 : i32
        %dma_start3A_61 = tpu.memref_slice %arg12[%mul3A_2, %dma_start3A_60] : memref<10240x64xf32, #tpu.memory_space<vmem_shared>> -> memref<640x64xf32, #tpu.memory_space<vmem_shared>>
        tpu.enqueue_dma source(%dma_start3A_61 : memref<640x64xf32, #tpu.memory_space<vmem_shared>>) target(%dma_start3A_59 : memref<640x64xf32, #tpu.memory_space<hbm>>) target_semaphore(%run_scoped3A : memref<!tpu.dma_semaphore, #tpu.memory_space<semaphore_mem>>)
        %dma_wait3A = arith.constant 0 : i32
        %dma_wait3A_62 = tpu.memref_slice %arg5[%mul3A_2, %dma_wait3A] : memref<10240x128xf32, #tpu.memory_space<hbm>> -> memref<640x64xf32, #tpu.memory_space<hbm>>
        %dma_wait3A_63 = arith.constant 0 : i32
        %dma_wait3A_64 = tpu.memref_slice %arg12[%mul3A_2, %dma_wait3A_63] : memref<10240x64xf32, #tpu.memory_space<vmem_shared>> -> memref<640x64xf32, #tpu.memory_space<vmem_shared>>
        tpu.wait_dma2 semaphore(%run_scoped3A : memref<!tpu.dma_semaphore, #tpu.memory_space<semaphore_mem>>) src(%dma_wait3A_64 : memref<640x64xf32, #tpu.memory_space<vmem_shared>>) dst(%dma_wait3A_62 : memref<640x64xf32, #tpu.memory_space<hbm>>)
        tpu.yield
      }) : () -> ()
    } else {
    }
    %eq3A_31 = arith.constant 1 : i32
    %eq3A_32 = arith.cmpi eq, %arg0, %eq3A_31 : i32
    %convert_element_type3A_33 = arith.extui %eq3A_32 : i1 to i32
    %cond3A_34 = arith.constant 0 : i32
    %cond3A_35 = arith.cmpi ne, %convert_element_type3A_33, %cond3A_34 : i32
    scf.if %cond3A_35 {
      "tpu.region"() ({
        %run_scoped3A = tpu.sem_alloc : memref<!tpu.dma_semaphore, #tpu.memory_space<semaphore_mem>>
        %dma_start3A_58 = arith.constant 0 : i32
        %dma_start3A_59 = tpu.memref_slice %arg6[%mul3A_2, %dma_start3A_58] : memref<10240x128xf32, #tpu.memory_space<hbm>> -> memref<640x64xf32, #tpu.memory_space<hbm>>
        %dma_start3A_60 = arith.constant 0 : i32
        %dma_start3A_61 = tpu.memref_slice %arg12[%mul3A_2, %dma_start3A_60] : memref<10240x64xf32, #tpu.memory_space<vmem_shared>> -> memref<640x64xf32, #tpu.memory_space<vmem_shared>>
        tpu.enqueue_dma source(%dma_start3A_61 : memref<640x64xf32, #tpu.memory_space<vmem_shared>>) target(%dma_start3A_59 : memref<640x64xf32, #tpu.memory_space<hbm>>) target_semaphore(%run_scoped3A : memref<!tpu.dma_semaphore, #tpu.memory_space<semaphore_mem>>)
        %dma_wait3A = arith.constant 0 : i32
        %dma_wait3A_62 = tpu.memref_slice %arg6[%mul3A_2, %dma_wait3A] : memref<10240x128xf32, #tpu.memory_space<hbm>> -> memref<640x64xf32, #tpu.memory_space<hbm>>
        %dma_wait3A_63 = arith.constant 0 : i32
        %dma_wait3A_64 = tpu.memref_slice %arg12[%mul3A_2, %dma_wait3A_63] : memref<10240x64xf32, #tpu.memory_space<vmem_shared>> -> memref<640x64xf32, #tpu.memory_space<vmem_shared>>
        tpu.wait_dma2 semaphore(%run_scoped3A : memref<!tpu.dma_semaphore, #tpu.memory_space<semaphore_mem>>) src(%dma_wait3A_64 : memref<640x64xf32, #tpu.memory_space<vmem_shared>>) dst(%dma_wait3A_62 : memref<640x64xf32, #tpu.memory_space<hbm>>)
        tpu.yield
      }) : () -> ()
    } else {
    }
    "tpu.region"() ({
      %run_scoped3A = tpu.sem_alloc : memref<!tpu.dma_semaphore, #tpu.memory_space<semaphore_mem>>
      %dma_start3A_58 = arith.constant 0 : i32
      %dma_start3A_59 = tpu.memref_slice %arg12[%mul3A_2, %dma_start3A_58] : memref<10240x64xf32, #tpu.memory_space<vmem_shared>> -> memref<640x64xf32, #tpu.memory_space<vmem_shared>>
      tpu.enqueue_dma source(%arg4 : memref<640x64xf32, #tpu.memory_space<hbm>>) target(%dma_start3A_59 : memref<640x64xf32, #tpu.memory_space<vmem_shared>>) target_semaphore(%run_scoped3A : memref<!tpu.dma_semaphore, #tpu.memory_space<semaphore_mem>>)
      %dma_wait3A = arith.constant 0 : i32
      %dma_wait3A_60 = tpu.memref_slice %arg12[%mul3A_2, %dma_wait3A] : memref<10240x64xf32, #tpu.memory_space<vmem_shared>> -> memref<640x64xf32, #tpu.memory_space<vmem_shared>>
      tpu.wait_dma2 semaphore(%run_scoped3A : memref<!tpu.dma_semaphore, #tpu.memory_space<semaphore_mem>>) src(%arg4 : memref<640x64xf32, #tpu.memory_space<hbm>>) dst(%dma_wait3A_60 : memref<640x64xf32, #tpu.memory_space<vmem_shared>>)
      tpu.yield
    }) : () -> ()
    "tpu.region"() ({
      %run_scoped3A = tpu.sem_alloc : memref<!tpu.dma_semaphore, #tpu.memory_space<semaphore_mem>>
      %dma_start3A_58 = arith.constant 0 : i32
      %dma_start3A_59 = tpu.memref_slice %arg13[%mul3A_2, %dma_start3A_58] : memref<10240x64xf32, #tpu.memory_space<vmem_shared>> -> memref<640x64xf32, #tpu.memory_space<vmem_shared>>
      %dma_start3A_60 = arith.constant 64 : i32
      %dma_start3A_61 = tpu.memref_slice %arg2[%mul3A_2, %dma_start3A_60] : memref<10240x128xf32, #tpu.memory_space<hbm>> -> memref<640x64xf32, #tpu.memory_space<hbm>>
      tpu.enqueue_dma source(%dma_start3A_61 : memref<640x64xf32, #tpu.memory_space<hbm>>) target(%dma_start3A_59 : memref<640x64xf32, #tpu.memory_space<vmem_shared>>) target_semaphore(%run_scoped3A : memref<!tpu.dma_semaphore, #tpu.memory_space<semaphore_mem>>)
      %dma_wait3A = arith.constant 0 : i32
      %dma_wait3A_62 = tpu.memref_slice %arg13[%mul3A_2, %dma_wait3A] : memref<10240x64xf32, #tpu.memory_space<vmem_shared>> -> memref<640x64xf32, #tpu.memory_space<vmem_shared>>
      %dma_wait3A_63 = arith.constant 64 : i32
      %dma_wait3A_64 = tpu.memref_slice %arg2[%mul3A_2, %dma_wait3A_63] : memref<10240x128xf32, #tpu.memory_space<hbm>> -> memref<640x64xf32, #tpu.memory_space<hbm>>
      tpu.wait_dma2 semaphore(%run_scoped3A : memref<!tpu.dma_semaphore, #tpu.memory_space<semaphore_mem>>) src(%dma_wait3A_64 : memref<640x64xf32, #tpu.memory_space<hbm>>) dst(%dma_wait3A_62 : memref<640x64xf32, #tpu.memory_space<vmem_shared>>)
      tpu.yield
    }) : () -> ()
    %barrier3A_36 = arith.constant 0 : index
    tpu.barrier barrier_id(%barrier3A_36)
    %dma_start3A_37 = arith.constant 0 : i32
    %dma_start3A_38 = tpu.memref_slice %arg8[%dma_start3A_37] : memref<10240xi32, #tpu.memory_space<vmem>> -> memref<128xi32, #tpu.memory_space<vmem>>
    %dma_start3A_39 = arith.constant 0 : i32
    %dma_start3A_40 = arith.constant 0 : i32
    %dma_start3A_41 = tpu.memref_slice %arg13[%dma_start3A_39, %dma_start3A_40] : memref<10240x64xf32, #tpu.memory_space<vmem_shared>> -> memref<10240x64xf32, #tpu.memory_space<vmem_shared>>
    tpu.enqueue_indirect_dma source(%dma_start3A_41 : memref<10240x64xf32, #tpu.memory_space<vmem_shared>>) target(%arg10 : memref<128x64xf32, #tpu.memory_space<vmem>>) offsets(%dma_start3A_38 : memref<128xi32, #tpu.memory_space<vmem>>) semaphore(%arg14 : memref<!tpu.dma_semaphore, #tpu.memory_space<semaphore_mem>>)
    %scan3A_42 = arith.constant 0 : i32
    %scan3A_43 = arith.constant 40 : i32
    %scan3A_44 = arith.addi %scan3A_42, %scan3A_43 : i32
    %scan3A_45 = arith.constant 1 : i32
    scf.for %scan3A_58 = %scan3A_42 to %scan3A_44 step %scan3A_45  : i32 {
      %mul3A_59 = arith.constant 2 : i32
      %mul3A_60 = arith.muli %scan3A_58, %mul3A_59 : i32
      %add3A_61 = arith.constant 0 : i32
      %add3A_62 = arith.addi %add3A_61, %mul3A_60 : i32
      %add3A_63 = arith.constant 0 : i32
      %add3A_64 = arith.addi %add3A_62, %add3A_63 : i32
      %add3A_65 = arith.constant 2 : i32
      %add3A_66 = arith.addi %add3A_64, %add3A_65 : i32
      %sub3A = arith.constant 1 : i32
      %sub3A_67 = arith.subi %add3A_66, %sub3A : i32
      %lt3A_68 = arith.constant 80 : i32
      %lt3A_69 = arith.cmpi slt, %sub3A_67, %lt3A_68 : i32
      %convert_element_type3A_70 = arith.extui %lt3A_69 : i1 to i32
      %cond3A_71 = arith.constant 0 : i32
      %cond3A_72 = arith.cmpi ne, %convert_element_type3A_70, %cond3A_71 : i32
      scf.if %cond3A_72 {
        %add3A_98 = arith.constant 0 : i32
        %add3A_99 = arith.addi %add3A_62, %add3A_98 : i32
        %add3A_100 = arith.constant 2 : i32
        %add3A_101 = arith.addi %add3A_99, %add3A_100 : i32
        %sub3A_102 = arith.constant 1 : i32
        %sub3A_103 = arith.subi %add3A_101, %sub3A_102 : i32
        %mul3A_104 = arith.constant 128 : i32
        %mul3A_105 = arith.muli %sub3A_103, %mul3A_104 : i32
        %dma_start3A_106 = tpu.memref_slice %arg8[%mul3A_105] : memref<10240xi32, #tpu.memory_space<vmem>> -> memref<128xi32, #tpu.memory_space<vmem>>
        %dma_start3A_107 = arith.constant 0 : i32
        %dma_start3A_108 = arith.constant 0 : i32
        %dma_start3A_109 = tpu.memref_slice %arg13[%dma_start3A_107, %dma_start3A_108] : memref<10240x64xf32, #tpu.memory_space<vmem_shared>> -> memref<10240x64xf32, #tpu.memory_space<vmem_shared>>
        tpu.enqueue_indirect_dma source(%dma_start3A_109 : memref<10240x64xf32, #tpu.memory_space<vmem_shared>>) target(%arg11 : memref<128x64xf32, #tpu.memory_space<vmem>>) offsets(%dma_start3A_106 : memref<128xi32, #tpu.memory_space<vmem>>) semaphore(%arg15 : memref<!tpu.dma_semaphore, #tpu.memory_space<semaphore_mem>>)
      } else {
      }
      %add3A_73 = arith.constant 0 : i32
      %add3A_74 = arith.addi %add3A_62, %add3A_73 : i32
      %lt3A_75 = arith.constant 80 : i32
      %lt3A_76 = arith.cmpi slt, %add3A_74, %lt3A_75 : i32
      %convert_element_type3A_77 = arith.extui %lt3A_76 : i1 to i32
      %cond3A_78 = arith.constant 0 : i32
      %cond3A_79 = arith.cmpi ne, %convert_element_type3A_77, %cond3A_78 : i32
      scf.if %cond3A_79 {
        %add3A_98 = arith.constant 0 : i32
        %add3A_99 = arith.addi %add3A_62, %add3A_98 : i32
        %mul3A_100 = arith.constant 128 : i32
        %mul3A_101 = arith.muli %add3A_99, %mul3A_100 : i32
        %dma_wait3A = tpu.memref_slice %arg8[%mul3A_101] : memref<10240xi32, #tpu.memory_space<vmem>> -> memref<128xi32, #tpu.memory_space<vmem>>
        %dma_wait3A_102 = arith.constant 0 : i32
        %dma_wait3A_103 = arith.constant 0 : i32
        %dma_wait3A_104 = tpu.memref_slice %arg13[%dma_wait3A_102, %dma_wait3A_103] : memref<10240x64xf32, #tpu.memory_space<vmem_shared>> -> memref<10240x64xf32, #tpu.memory_space<vmem_shared>>
        tpu.wait_indirect_dma semaphore(%arg14 : memref<!tpu.dma_semaphore, #tpu.memory_space<semaphore_mem>>) src(%dma_wait3A_104 : memref<10240x64xf32, #tpu.memory_space<vmem_shared>>) dst(%arg10 : memref<128x64xf32, #tpu.memory_space<vmem>>)
        %add3A_105 = arith.constant 0 : i32
        %add3A_106 = arith.addi %add3A_62, %add3A_105 : i32
        %mul3A_107 = arith.constant 128 : i32
        %mul3A_108 = arith.muli %add3A_106, %mul3A_107 : i32
        "tpu.region"() ({
          %run_scoped3A = tpu.sem_alloc : memref<!tpu.dma_semaphore, #tpu.memory_space<semaphore_mem>>
          %dma_start3A_109 = tpu.memref_slice %arg9[%mul3A_108] : memref<10240xi32, #tpu.memory_space<vmem>> -> memref<128xi32, #tpu.memory_space<vmem>>
          %dma_start3A_110 = arith.constant 0 : i32
          %dma_start3A_111 = arith.constant 0 : i32
          %dma_start3A_112 = tpu.memref_slice %arg12[%dma_start3A_110, %dma_start3A_111] : memref<10240x64xf32, #tpu.memory_space<vmem_shared>> -> memref<10240x64xf32, #tpu.memory_space<vmem_shared>>
          tpu.enqueue_indirect_dma source(%arg10 : memref<128x64xf32, #tpu.memory_space<vmem>>) target(%dma_start3A_112 : memref<10240x64xf32, #tpu.memory_space<vmem_shared>>) offsets(%dma_start3A_109 : memref<128xi32, #tpu.memory_space<vmem>>) semaphore(%run_scoped3A : memref<!tpu.dma_semaphore, #tpu.memory_space<semaphore_mem>>) {add = true}
          %dma_wait3A_113 = tpu.memref_slice %arg9[%mul3A_108] : memref<10240xi32, #tpu.memory_space<vmem>> -> memref<128xi32, #tpu.memory_space<vmem>>
          %dma_wait3A_114 = arith.constant 0 : i32
          %dma_wait3A_115 = arith.constant 0 : i32
          %dma_wait3A_116 = tpu.memref_slice %arg12[%dma_wait3A_114, %dma_wait3A_115] : memref<10240x64xf32, #tpu.memory_space<vmem_shared>> -> memref<10240x64xf32, #tpu.memory_space<vmem_shared>>
          tpu.wait_indirect_dma semaphore(%run_scoped3A : memref<!tpu.dma_semaphore, #tpu.memory_space<semaphore_mem>>) src(%arg10 : memref<128x64xf32, #tpu.memory_space<vmem>>) dst(%dma_wait3A_116 : memref<10240x64xf32, #tpu.memory_space<vmem_shared>>)
          tpu.yield
        }) : () -> ()
      } else {
      }
      %add3A_80 = arith.constant 1 : i32
      %add3A_81 = arith.addi %add3A_62, %add3A_80 : i32
      %add3A_82 = arith.constant 2 : i32
      %add3A_83 = arith.addi %add3A_81, %add3A_82 : i32
      %sub3A_84 = arith.constant 1 : i32
      %sub3A_85 = arith.subi %add3A_83, %sub3A_84 : i32
      %lt3A_86 = arith.constant 80 : i32
      %lt3A_87 = arith.cmpi slt, %sub3A_85, %lt3A_86 : i32
      %convert_element_type3A_88 = arith.extui %lt3A_87 : i1 to i32
      %cond3A_89 = arith.constant 0 : i32
      %cond3A_90 = arith.cmpi ne, %convert_element_type3A_88, %cond3A_89 : i32
      scf.if %cond3A_90 {
        %add3A_98 = arith.constant 1 : i32
        %add3A_99 = arith.addi %add3A_62, %add3A_98 : i32
        %add3A_100 = arith.constant 2 : i32
        %add3A_101 = arith.addi %add3A_99, %add3A_100 : i32
        %sub3A_102 = arith.constant 1 : i32
        %sub3A_103 = arith.subi %add3A_101, %sub3A_102 : i32
        %mul3A_104 = arith.constant 128 : i32
        %mul3A_105 = arith.muli %sub3A_103, %mul3A_104 : i32
        %dma_start3A_106 = tpu.memref_slice %arg8[%mul3A_105] : memref<10240xi32, #tpu.memory_space<vmem>> -> memref<128xi32, #tpu.memory_space<vmem>>
        %dma_start3A_107 = arith.constant 0 : i32
        %dma_start3A_108 = arith.constant 0 : i32
        %dma_start3A_109 = tpu.memref_slice %arg13[%dma_start3A_107, %dma_start3A_108] : memref<10240x64xf32, #tpu.memory_space<vmem_shared>> -> memref<10240x64xf32, #tpu.memory_space<vmem_shared>>
        tpu.enqueue_indirect_dma source(%dma_start3A_109 : memref<10240x64xf32, #tpu.memory_space<vmem_shared>>) target(%arg10 : memref<128x64xf32, #tpu.memory_space<vmem>>) offsets(%dma_start3A_106 : memref<128xi32, #tpu.memory_space<vmem>>) semaphore(%arg14 : memref<!tpu.dma_semaphore, #tpu.memory_space<semaphore_mem>>)
      } else {
      }
      %add3A_91 = arith.constant 1 : i32
      %add3A_92 = arith.addi %add3A_62, %add3A_91 : i32
      %lt3A_93 = arith.constant 80 : i32
      %lt3A_94 = arith.cmpi slt, %add3A_92, %lt3A_93 : i32
      %convert_element_type3A_95 = arith.extui %lt3A_94 : i1 to i32
      %cond3A_96 = arith.constant 0 : i32
      %cond3A_97 = arith.cmpi ne, %convert_element_type3A_95, %cond3A_96 : i32
      scf.if %cond3A_97 {
        %add3A_98 = arith.constant 1 : i32
        %add3A_99 = arith.addi %add3A_62, %add3A_98 : i32
        %mul3A_100 = arith.constant 128 : i32
        %mul3A_101 = arith.muli %add3A_99, %mul3A_100 : i32
        %dma_wait3A = tpu.memref_slice %arg8[%mul3A_101] : memref<10240xi32, #tpu.memory_space<vmem>> -> memref<128xi32, #tpu.memory_space<vmem>>
        %dma_wait3A_102 = arith.constant 0 : i32
        %dma_wait3A_103 = arith.constant 0 : i32
        %dma_wait3A_104 = tpu.memref_slice %arg13[%dma_wait3A_102, %dma_wait3A_103] : memref<10240x64xf32, #tpu.memory_space<vmem_shared>> -> memref<10240x64xf32, #tpu.memory_space<vmem_shared>>
        tpu.wait_indirect_dma semaphore(%arg15 : memref<!tpu.dma_semaphore, #tpu.memory_space<semaphore_mem>>) src(%dma_wait3A_104 : memref<10240x64xf32, #tpu.memory_space<vmem_shared>>) dst(%arg11 : memref<128x64xf32, #tpu.memory_space<vmem>>)
        %add3A_105 = arith.constant 1 : i32
        %add3A_106 = arith.addi %add3A_62, %add3A_105 : i32
        %mul3A_107 = arith.constant 128 : i32
        %mul3A_108 = arith.muli %add3A_106, %mul3A_107 : i32
        "tpu.region"() ({
          %run_scoped3A = tpu.sem_alloc : memref<!tpu.dma_semaphore, #tpu.memory_space<semaphore_mem>>
          %dma_start3A_109 = tpu.memref_slice %arg9[%mul3A_108] : memref<10240xi32, #tpu.memory_space<vmem>> -> memref<128xi32, #tpu.memory_space<vmem>>
          %dma_start3A_110 = arith.constant 0 : i32
          %dma_start3A_111 = arith.constant 0 : i32
          %dma_start3A_112 = tpu.memref_slice %arg12[%dma_start3A_110, %dma_start3A_111] : memref<10240x64xf32, #tpu.memory_space<vmem_shared>> -> memref<10240x64xf32, #tpu.memory_space<vmem_shared>>
          tpu.enqueue_indirect_dma source(%arg11 : memref<128x64xf32, #tpu.memory_space<vmem>>) target(%dma_start3A_112 : memref<10240x64xf32, #tpu.memory_space<vmem_shared>>) offsets(%dma_start3A_109 : memref<128xi32, #tpu.memory_space<vmem>>) semaphore(%run_scoped3A : memref<!tpu.dma_semaphore, #tpu.memory_space<semaphore_mem>>) {add = true}
          %dma_wait3A_113 = tpu.memref_slice %arg9[%mul3A_108] : memref<10240xi32, #tpu.memory_space<vmem>> -> memref<128xi32, #tpu.memory_space<vmem>>
          %dma_wait3A_114 = arith.constant 0 : i32
          %dma_wait3A_115 = arith.constant 0 : i32
          %dma_wait3A_116 = tpu.memref_slice %arg12[%dma_wait3A_114, %dma_wait3A_115] : memref<10240x64xf32, #tpu.memory_space<vmem_shared>> -> memref<10240x64xf32, #tpu.memory_space<vmem_shared>>
          tpu.wait_indirect_dma semaphore(%run_scoped3A : memref<!tpu.dma_semaphore, #tpu.memory_space<semaphore_mem>>) src(%arg11 : memref<128x64xf32, #tpu.memory_space<vmem>>) dst(%dma_wait3A_116 : memref<10240x64xf32, #tpu.memory_space<vmem_shared>>)
          tpu.yield
        }) : () -> ()
      } else {
      }
    }
    %scan3A_46 = arith.constant 40 : i32
    %barrier3A_47 = arith.constant 0 : index
    tpu.barrier barrier_id(%barrier3A_47)
    %eq3A_48 = arith.constant 0 : i32
    %eq3A_49 = arith.cmpi eq, %arg0, %eq3A_48 : i32
    %convert_element_type3A_50 = arith.extui %eq3A_49 : i1 to i32
    %cond3A_51 = arith.constant 0 : i32
    %cond3A_52 = arith.cmpi ne, %convert_element_type3A_50, %cond3A_51 : i32
    scf.if %cond3A_52 {
      "tpu.region"() ({
        %run_scoped3A = tpu.sem_alloc : memref<!tpu.dma_semaphore, #tpu.memory_space<semaphore_mem>>
        %dma_start3A_58 = arith.constant 64 : i32
        %dma_start3A_59 = tpu.memref_slice %arg5[%mul3A_2, %dma_start3A_58] : memref<10240x128xf32, #tpu.memory_space<hbm>> -> memref<640x64xf32, #tpu.memory_space<hbm>>
        %dma_start3A_60 = arith.constant 0 : i32
        %dma_start3A_61 = tpu.memref_slice %arg12[%mul3A_2, %dma_start3A_60] : memref<10240x64xf32, #tpu.memory_space<vmem_shared>> -> memref<640x64xf32, #tpu.memory_space<vmem_shared>>
        tpu.enqueue_dma source(%dma_start3A_61 : memref<640x64xf32, #tpu.memory_space<vmem_shared>>) target(%dma_start3A_59 : memref<640x64xf32, #tpu.memory_space<hbm>>) target_semaphore(%run_scoped3A : memref<!tpu.dma_semaphore, #tpu.memory_space<semaphore_mem>>)
        %dma_wait3A = arith.constant 64 : i32
        %dma_wait3A_62 = tpu.memref_slice %arg5[%mul3A_2, %dma_wait3A] : memref<10240x128xf32, #tpu.memory_space<hbm>> -> memref<640x64xf32, #tpu.memory_space<hbm>>
        %dma_wait3A_63 = arith.constant 0 : i32
        %dma_wait3A_64 = tpu.memref_slice %arg12[%mul3A_2, %dma_wait3A_63] : memref<10240x64xf32, #tpu.memory_space<vmem_shared>> -> memref<640x64xf32, #tpu.memory_space<vmem_shared>>
        tpu.wait_dma2 semaphore(%run_scoped3A : memref<!tpu.dma_semaphore, #tpu.memory_space<semaphore_mem>>) src(%dma_wait3A_64 : memref<640x64xf32, #tpu.memory_space<vmem_shared>>) dst(%dma_wait3A_62 : memref<640x64xf32, #tpu.memory_space<hbm>>)
        tpu.yield
      }) : () -> ()
    } else {
    }
    %eq3A_53 = arith.constant 1 : i32
    %eq3A_54 = arith.cmpi eq, %arg0, %eq3A_53 : i32
    %convert_element_type3A_55 = arith.extui %eq3A_54 : i1 to i32
    %cond3A_56 = arith.constant 0 : i32
    %cond3A_57 = arith.cmpi ne, %convert_element_type3A_55, %cond3A_56 : i32
    scf.if %cond3A_57 {
      "tpu.region"() ({
        %run_scoped3A = tpu.sem_alloc : memref<!tpu.dma_semaphore, #tpu.memory_space<semaphore_mem>>
        %dma_start3A_58 = arith.constant 64 : i32
        %dma_start3A_59 = tpu.memref_slice %arg6[%mul3A_2, %dma_start3A_58] : memref<10240x128xf32, #tpu.memory_space<hbm>> -> memref<640x64xf32, #tpu.memory_space<hbm>>
        %dma_start3A_60 = arith.constant 0 : i32
        %dma_start3A_61 = tpu.memref_slice %arg12[%mul3A_2, %dma_start3A_60] : memref<10240x64xf32, #tpu.memory_space<vmem_shared>> -> memref<640x64xf32, #tpu.memory_space<vmem_shared>>
        tpu.enqueue_dma source(%dma_start3A_61 : memref<640x64xf32, #tpu.memory_space<vmem_shared>>) target(%dma_start3A_59 : memref<640x64xf32, #tpu.memory_space<hbm>>) target_semaphore(%run_scoped3A : memref<!tpu.dma_semaphore, #tpu.memory_space<semaphore_mem>>)
        %dma_wait3A = arith.constant 64 : i32
        %dma_wait3A_62 = tpu.memref_slice %arg6[%mul3A_2, %dma_wait3A] : memref<10240x128xf32, #tpu.memory_space<hbm>> -> memref<640x64xf32, #tpu.memory_space<hbm>>
        %dma_wait3A_63 = arith.constant 0 : i32
        %dma_wait3A_64 = tpu.memref_slice %arg12[%mul3A_2, %dma_wait3A_63] : memref<10240x64xf32, #tpu.memory_space<vmem_shared>> -> memref<640x64xf32, #tpu.memory_space<vmem_shared>>
        tpu.wait_dma2 semaphore(%run_scoped3A : memref<!tpu.dma_semaphore, #tpu.memory_space<semaphore_mem>>) src(%dma_wait3A_64 : memref<640x64xf32, #tpu.memory_space<vmem_shared>>) dst(%dma_wait3A_62 : memref<640x64xf32, #tpu.memory_space<hbm>>)
        tpu.yield
      }) : () -> ()
    } else {
    }
    "tpu.region"() ({
      %run_scoped3A = tpu.sem_alloc : memref<!tpu.dma_semaphore, #tpu.memory_space<semaphore_mem>>
      %dma_start3A_58 = arith.constant 0 : i32
      %dma_start3A_59 = tpu.memref_slice %arg7[%add3A, %dma_start3A_58] : memref<32x10240xf32, #tpu.memory_space<hbm>> -> memref<1x10240xf32, #tpu.memory_space<hbm>>
      %dma_start3A_60 = tpu.memref_squeeze %dma_start3A_59 : memref<1x10240xf32, #tpu.memory_space<hbm>> -> memref<10240xf32, #tpu.memory_space<hbm>>
      %dma_start3A_61 = arith.constant 0 : i32
      %dma_start3A_62 = tpu.memref_slice %arg7[%add3A, %dma_start3A_61] : memref<32x10240xf32, #tpu.memory_space<hbm>> -> memref<1x10240xf32, #tpu.memory_space<hbm>>
      %dma_start3A_63 = tpu.memref_squeeze %dma_start3A_62 : memref<1x10240xf32, #tpu.memory_space<hbm>> -> memref<10240xf32, #tpu.memory_space<hbm>>
      tpu.enqueue_dma source(%arg16 : memref<10240xf32, #tpu.memory_space<vmem>>) target(%dma_start3A_63 : memref<10240xf32, #tpu.memory_space<hbm>>) target_semaphore(%run_scoped3A : memref<!tpu.dma_semaphore, #tpu.memory_space<semaphore_mem>>)
      %dma_wait3A = arith.constant 0 : i32
      %dma_wait3A_64 = tpu.memref_slice %arg7[%add3A, %dma_wait3A] : memref<32x10240xf32, #tpu.memory_space<hbm>> -> memref<1x10240xf32, #tpu.memory_space<hbm>>
      %dma_wait3A_65 = tpu.memref_squeeze %dma_wait3A_64 : memref<1x10240xf32, #tpu.memory_space<hbm>> -> memref<10240xf32, #tpu.memory_space<hbm>>
      %dma_wait3A_66 = arith.constant 0 : i32
      %dma_wait3A_67 = tpu.memref_slice %arg7[%add3A, %dma_wait3A_66] : memref<32x10240xf32, #tpu.memory_space<hbm>> -> memref<1x10240xf32, #tpu.memory_space<hbm>>
      %dma_wait3A_68 = tpu.memref_squeeze %dma_wait3A_67 : memref<1x10240xf32, #tpu.memory_space<hbm>> -> memref<10240xf32, #tpu.memory_space<hbm>>
      tpu.wait_dma2 semaphore(%run_scoped3A : memref<!tpu.dma_semaphore, #tpu.memory_space<semaphore_mem>>) src(%arg16 : memref<10240xf32, #tpu.memory_space<vmem>>) dst(%dma_wait3A_68 : memref<10240xf32, #tpu.memory_space<hbm>>)
      tpu.yield
    }) : () -> ()
    return
  }
}

#map = affine_map<(d0, d1) -> (0, 0)>
module attributes {stable_mosaic.version = 14 : i64} {
  func.func @agg(%arg0: i32, %arg1: i32, %arg2: memref<10240x128xf32, #tpu.memory_space<hbm>>, %arg3: memref<2x320000xi32, #tpu.memory_space<hbm>>, %arg4: memref<640x64xf32, #tpu.memory_space<hbm>>, %arg5: memref<10240x128xf32, #tpu.memory_space<hbm>>, %arg6: memref<10240x128xf32, #tpu.memory_space<hbm>>, %arg7: memref<10240xi32, #tpu.memory_space<vmem>>, %arg8: memref<10240xi32, #tpu.memory_space<vmem>>, %arg9: memref<128x64xf32, #tpu.memory_space<vmem>>, %arg10: memref<128x64xf32, #tpu.memory_space<vmem>>, %arg11: memref<128x64xf32, #tpu.memory_space<vmem>>, %arg12: memref<10240x64xf32, #tpu.memory_space<vmem_shared>>, %arg13: memref<10240x64xf32, #tpu.memory_space<vmem_shared>>, %arg14: memref<!tpu.dma_semaphore, #tpu.memory_space<semaphore_mem>>, %arg15: memref<!tpu.dma_semaphore, #tpu.memory_space<semaphore_mem>>, %arg16: memref<!tpu.dma_semaphore, #tpu.memory_space<semaphore_mem>>) attributes {dimension_semantics = [#tpu.dimension_semantics<core_parallel>, #tpu.dimension_semantics<subcore_parallel>], iteration_bounds = array<i64: 2, 16>, scalar_prefetch = 0 : i64, scratch_operands = 10 : i64, tpu.core_type = #tpu.core_type<sc_vector_subcore>, window_params = [{transform_indices = #map}, {transform_indices = #map}, {transform_indices = #map}, {transform_indices = #map}, {transform_indices = #map}]} {
    %mul3A = arith.constant 2 : i32
    %mul3A_0 = arith.muli %arg1, %mul3A : i32
    %add3A = arith.addi %mul3A_0, %arg0 : i32
    %mul3A_1 = arith.constant 640 : i32
    %mul3A_2 = arith.muli %arg1, %mul3A_1 : i32
    %mul3A_3 = arith.constant 10240 : i32
    %mul3A_4 = arith.muli %add3A, %mul3A_3 : i32
    %lt3A = arith.constant 31 : i32
    %lt3A_5 = arith.cmpi slt, %add3A, %lt3A : i32
    %convert_element_type3A = arith.extui %lt3A_5 : i1 to i32
    %cond3A = arith.constant 0 : i32
    %cond3A_6 = arith.cmpi ne, %convert_element_type3A, %cond3A : i32
    scf.if %cond3A_6 {
      %run_scoped3A = arith.constant 0 : i32
      "tpu.region"() ({
        %run_scoped3A_64 = tpu.sem_alloc : memref<!tpu.dma_semaphore, #tpu.memory_space<semaphore_mem>>
        %dma_start3A_65 = tpu.memref_slice %arg3[%run_scoped3A, %mul3A_4] : memref<2x320000xi32, #tpu.memory_space<hbm>> -> memref<1x10240xi32, #tpu.memory_space<hbm>>
        %dma_start3A_66 = tpu.memref_squeeze %dma_start3A_65 : memref<1x10240xi32, #tpu.memory_space<hbm>> -> memref<10240xi32, #tpu.memory_space<hbm>>
        %dma_start3A_67 = tpu.memref_slice %arg3[%run_scoped3A, %mul3A_4] : memref<2x320000xi32, #tpu.memory_space<hbm>> -> memref<1x10240xi32, #tpu.memory_space<hbm>>
        %dma_start3A_68 = tpu.memref_squeeze %dma_start3A_67 : memref<1x10240xi32, #tpu.memory_space<hbm>> -> memref<10240xi32, #tpu.memory_space<hbm>>
        tpu.enqueue_dma source(%dma_start3A_68 : memref<10240xi32, #tpu.memory_space<hbm>>) target(%arg7 : memref<10240xi32, #tpu.memory_space<vmem>>) target_semaphore(%run_scoped3A_64 : memref<!tpu.dma_semaphore, #tpu.memory_space<semaphore_mem>>)
        %dma_wait3A = tpu.memref_slice %arg3[%run_scoped3A, %mul3A_4] : memref<2x320000xi32, #tpu.memory_space<hbm>> -> memref<1x10240xi32, #tpu.memory_space<hbm>>
        %dma_wait3A_69 = tpu.memref_squeeze %dma_wait3A : memref<1x10240xi32, #tpu.memory_space<hbm>> -> memref<10240xi32, #tpu.memory_space<hbm>>
        %dma_wait3A_70 = tpu.memref_slice %arg3[%run_scoped3A, %mul3A_4] : memref<2x320000xi32, #tpu.memory_space<hbm>> -> memref<1x10240xi32, #tpu.memory_space<hbm>>
        %dma_wait3A_71 = tpu.memref_squeeze %dma_wait3A_70 : memref<1x10240xi32, #tpu.memory_space<hbm>> -> memref<10240xi32, #tpu.memory_space<hbm>>
        tpu.wait_dma2 semaphore(%run_scoped3A_64 : memref<!tpu.dma_semaphore, #tpu.memory_space<semaphore_mem>>) src(%dma_wait3A_71 : memref<10240xi32, #tpu.memory_space<hbm>>) dst(%arg7 : memref<10240xi32, #tpu.memory_space<vmem>>)
        tpu.yield
      }) : () -> ()
      %run_scoped3A_63 = arith.constant 1 : i32
      "tpu.region"() ({
        %run_scoped3A_64 = tpu.sem_alloc : memref<!tpu.dma_semaphore, #tpu.memory_space<semaphore_mem>>
        %dma_start3A_65 = tpu.memref_slice %arg3[%run_scoped3A_63, %mul3A_4] : memref<2x320000xi32, #tpu.memory_space<hbm>> -> memref<1x10240xi32, #tpu.memory_space<hbm>>
        %dma_start3A_66 = tpu.memref_squeeze %dma_start3A_65 : memref<1x10240xi32, #tpu.memory_space<hbm>> -> memref<10240xi32, #tpu.memory_space<hbm>>
        %dma_start3A_67 = tpu.memref_slice %arg3[%run_scoped3A_63, %mul3A_4] : memref<2x320000xi32, #tpu.memory_space<hbm>> -> memref<1x10240xi32, #tpu.memory_space<hbm>>
        %dma_start3A_68 = tpu.memref_squeeze %dma_start3A_67 : memref<1x10240xi32, #tpu.memory_space<hbm>> -> memref<10240xi32, #tpu.memory_space<hbm>>
        tpu.enqueue_dma source(%dma_start3A_68 : memref<10240xi32, #tpu.memory_space<hbm>>) target(%arg8 : memref<10240xi32, #tpu.memory_space<vmem>>) target_semaphore(%run_scoped3A_64 : memref<!tpu.dma_semaphore, #tpu.memory_space<semaphore_mem>>)
        %dma_wait3A = tpu.memref_slice %arg3[%run_scoped3A_63, %mul3A_4] : memref<2x320000xi32, #tpu.memory_space<hbm>> -> memref<1x10240xi32, #tpu.memory_space<hbm>>
        %dma_wait3A_69 = tpu.memref_squeeze %dma_wait3A : memref<1x10240xi32, #tpu.memory_space<hbm>> -> memref<10240xi32, #tpu.memory_space<hbm>>
        %dma_wait3A_70 = tpu.memref_slice %arg3[%run_scoped3A_63, %mul3A_4] : memref<2x320000xi32, #tpu.memory_space<hbm>> -> memref<1x10240xi32, #tpu.memory_space<hbm>>
        %dma_wait3A_71 = tpu.memref_squeeze %dma_wait3A_70 : memref<1x10240xi32, #tpu.memory_space<hbm>> -> memref<10240xi32, #tpu.memory_space<hbm>>
        tpu.wait_dma2 semaphore(%run_scoped3A_64 : memref<!tpu.dma_semaphore, #tpu.memory_space<semaphore_mem>>) src(%dma_wait3A_71 : memref<10240xi32, #tpu.memory_space<hbm>>) dst(%arg8 : memref<10240xi32, #tpu.memory_space<vmem>>)
        tpu.yield
      }) : () -> ()
    } else {
    }
    %eq3A = arith.constant 31 : i32
    %eq3A_7 = arith.cmpi eq, %add3A, %eq3A : i32
    %convert_element_type3A_8 = arith.extui %eq3A_7 : i1 to i32
    %cond3A_9 = arith.constant 0 : i32
    %cond3A_10 = arith.cmpi ne, %convert_element_type3A_8, %cond3A_9 : i32
    scf.if %cond3A_10 {
      %run_scoped3A = arith.constant 0 : i32
      "tpu.region"() ({
        %run_scoped3A_69 = tpu.sem_alloc : memref<!tpu.dma_semaphore, #tpu.memory_space<semaphore_mem>>
        %dma_start3A_70 = arith.constant 0 : i32
        %dma_start3A_71 = tpu.memref_slice %arg7[%dma_start3A_70] : memref<10240xi32, #tpu.memory_space<vmem>> -> memref<2560xi32, #tpu.memory_space<vmem>>
        %dma_start3A_72 = arith.constant 317440 : i32
        %dma_start3A_73 = tpu.memref_slice %arg3[%run_scoped3A, %dma_start3A_72] : memref<2x320000xi32, #tpu.memory_space<hbm>> -> memref<1x2560xi32, #tpu.memory_space<hbm>>
        %dma_start3A_74 = tpu.memref_squeeze %dma_start3A_73 : memref<1x2560xi32, #tpu.memory_space<hbm>> -> memref<2560xi32, #tpu.memory_space<hbm>>
        %dma_start3A_75 = arith.constant 0 : i32
        %dma_start3A_76 = tpu.memref_slice %arg7[%dma_start3A_75] : memref<10240xi32, #tpu.memory_space<vmem>> -> memref<2560xi32, #tpu.memory_space<vmem>>
        %dma_start3A_77 = arith.constant 317440 : i32
        %dma_start3A_78 = tpu.memref_slice %arg3[%run_scoped3A, %dma_start3A_77] : memref<2x320000xi32, #tpu.memory_space<hbm>> -> memref<1x2560xi32, #tpu.memory_space<hbm>>
        %dma_start3A_79 = tpu.memref_squeeze %dma_start3A_78 : memref<1x2560xi32, #tpu.memory_space<hbm>> -> memref<2560xi32, #tpu.memory_space<hbm>>
        tpu.enqueue_dma source(%dma_start3A_79 : memref<2560xi32, #tpu.memory_space<hbm>>) target(%dma_start3A_76 : memref<2560xi32, #tpu.memory_space<vmem>>) target_semaphore(%run_scoped3A_69 : memref<!tpu.dma_semaphore, #tpu.memory_space<semaphore_mem>>)
        %dma_wait3A = arith.constant 0 : i32
        %dma_wait3A_80 = tpu.memref_slice %arg7[%dma_wait3A] : memref<10240xi32, #tpu.memory_space<vmem>> -> memref<2560xi32, #tpu.memory_space<vmem>>
        %dma_wait3A_81 = arith.constant 317440 : i32
        %dma_wait3A_82 = tpu.memref_slice %arg3[%run_scoped3A, %dma_wait3A_81] : memref<2x320000xi32, #tpu.memory_space<hbm>> -> memref<1x2560xi32, #tpu.memory_space<hbm>>
        %dma_wait3A_83 = tpu.memref_squeeze %dma_wait3A_82 : memref<1x2560xi32, #tpu.memory_space<hbm>> -> memref<2560xi32, #tpu.memory_space<hbm>>
        %dma_wait3A_84 = arith.constant 0 : i32
        %dma_wait3A_85 = tpu.memref_slice %arg7[%dma_wait3A_84] : memref<10240xi32, #tpu.memory_space<vmem>> -> memref<2560xi32, #tpu.memory_space<vmem>>
        %dma_wait3A_86 = arith.constant 317440 : i32
        %dma_wait3A_87 = tpu.memref_slice %arg3[%run_scoped3A, %dma_wait3A_86] : memref<2x320000xi32, #tpu.memory_space<hbm>> -> memref<1x2560xi32, #tpu.memory_space<hbm>>
        %dma_wait3A_88 = tpu.memref_squeeze %dma_wait3A_87 : memref<1x2560xi32, #tpu.memory_space<hbm>> -> memref<2560xi32, #tpu.memory_space<hbm>>
        tpu.wait_dma2 semaphore(%run_scoped3A_69 : memref<!tpu.dma_semaphore, #tpu.memory_space<semaphore_mem>>) src(%dma_wait3A_88 : memref<2560xi32, #tpu.memory_space<hbm>>) dst(%dma_wait3A_85 : memref<2560xi32, #tpu.memory_space<vmem>>)
        tpu.yield
      }) : () -> ()
      %run_scoped3A_63 = arith.constant 1 : i32
      "tpu.region"() ({
        %run_scoped3A_69 = tpu.sem_alloc : memref<!tpu.dma_semaphore, #tpu.memory_space<semaphore_mem>>
        %dma_start3A_70 = arith.constant 0 : i32
        %dma_start3A_71 = tpu.memref_slice %arg8[%dma_start3A_70] : memref<10240xi32, #tpu.memory_space<vmem>> -> memref<2560xi32, #tpu.memory_space<vmem>>
        %dma_start3A_72 = arith.constant 317440 : i32
        %dma_start3A_73 = tpu.memref_slice %arg3[%run_scoped3A_63, %dma_start3A_72] : memref<2x320000xi32, #tpu.memory_space<hbm>> -> memref<1x2560xi32, #tpu.memory_space<hbm>>
        %dma_start3A_74 = tpu.memref_squeeze %dma_start3A_73 : memref<1x2560xi32, #tpu.memory_space<hbm>> -> memref<2560xi32, #tpu.memory_space<hbm>>
        %dma_start3A_75 = arith.constant 0 : i32
        %dma_start3A_76 = tpu.memref_slice %arg8[%dma_start3A_75] : memref<10240xi32, #tpu.memory_space<vmem>> -> memref<2560xi32, #tpu.memory_space<vmem>>
        %dma_start3A_77 = arith.constant 317440 : i32
        %dma_start3A_78 = tpu.memref_slice %arg3[%run_scoped3A_63, %dma_start3A_77] : memref<2x320000xi32, #tpu.memory_space<hbm>> -> memref<1x2560xi32, #tpu.memory_space<hbm>>
        %dma_start3A_79 = tpu.memref_squeeze %dma_start3A_78 : memref<1x2560xi32, #tpu.memory_space<hbm>> -> memref<2560xi32, #tpu.memory_space<hbm>>
        tpu.enqueue_dma source(%dma_start3A_79 : memref<2560xi32, #tpu.memory_space<hbm>>) target(%dma_start3A_76 : memref<2560xi32, #tpu.memory_space<vmem>>) target_semaphore(%run_scoped3A_69 : memref<!tpu.dma_semaphore, #tpu.memory_space<semaphore_mem>>)
        %dma_wait3A = arith.constant 0 : i32
        %dma_wait3A_80 = tpu.memref_slice %arg8[%dma_wait3A] : memref<10240xi32, #tpu.memory_space<vmem>> -> memref<2560xi32, #tpu.memory_space<vmem>>
        %dma_wait3A_81 = arith.constant 317440 : i32
        %dma_wait3A_82 = tpu.memref_slice %arg3[%run_scoped3A_63, %dma_wait3A_81] : memref<2x320000xi32, #tpu.memory_space<hbm>> -> memref<1x2560xi32, #tpu.memory_space<hbm>>
        %dma_wait3A_83 = tpu.memref_squeeze %dma_wait3A_82 : memref<1x2560xi32, #tpu.memory_space<hbm>> -> memref<2560xi32, #tpu.memory_space<hbm>>
        %dma_wait3A_84 = arith.constant 0 : i32
        %dma_wait3A_85 = tpu.memref_slice %arg8[%dma_wait3A_84] : memref<10240xi32, #tpu.memory_space<vmem>> -> memref<2560xi32, #tpu.memory_space<vmem>>
        %dma_wait3A_86 = arith.constant 317440 : i32
        %dma_wait3A_87 = tpu.memref_slice %arg3[%run_scoped3A_63, %dma_wait3A_86] : memref<2x320000xi32, #tpu.memory_space<hbm>> -> memref<1x2560xi32, #tpu.memory_space<hbm>>
        %dma_wait3A_88 = tpu.memref_squeeze %dma_wait3A_87 : memref<1x2560xi32, #tpu.memory_space<hbm>> -> memref<2560xi32, #tpu.memory_space<hbm>>
        tpu.wait_dma2 semaphore(%run_scoped3A_69 : memref<!tpu.dma_semaphore, #tpu.memory_space<semaphore_mem>>) src(%dma_wait3A_88 : memref<2560xi32, #tpu.memory_space<hbm>>) dst(%dma_wait3A_85 : memref<2560xi32, #tpu.memory_space<vmem>>)
        tpu.yield
      }) : () -> ()
      %iota3A = tpu.iota {dimensions = array<i32: 0>} : vector<16xi32>
      %scan3A_64 = arith.constant 0 : i32
      %scan3A_65 = arith.constant 480 : i32
      %scan3A_66 = arith.addi %scan3A_64, %scan3A_65 : i32
      %scan3A_67 = arith.constant 1 : i32
      scf.for %scan3A_69 = %scan3A_64 to %scan3A_66 step %scan3A_67  : i32 {
        %mul3A_70 = arith.constant 1 : i32
        %mul3A_71 = arith.muli %scan3A_69, %mul3A_70 : i32
        %add3A_72 = arith.constant 0 : i32
        %add3A_73 = arith.addi %add3A_72, %mul3A_71 : i32
        %mul3A_74 = arith.constant 16 : i32
        %mul3A_75 = arith.muli %add3A_73, %mul3A_74 : i32
        %add3A_76 = arith.constant 2560 : i32
        %add3A_77 = arith.addi %add3A_76, %mul3A_75 : i32
        %broadcast_in_dim3A_78 = arith.constant 0 : i32
        %broadcast_in_dim3A_79 = vector.broadcast %broadcast_in_dim3A_78 : i32 to vector<16xi32>
        %swap3A = arith.index_cast %add3A_77 : i32 to index
        %swap3A_80 = tpu.vector_load %arg7[%swap3A] {strides = array<i32>} : memref<10240xi32, #tpu.memory_space<vmem>>, vector<16xi32>,
        tpu.vector_store %arg7[%swap3A], %broadcast_in_dim3A_79 {strides = array<i32>} : memref<10240xi32, #tpu.memory_space<vmem>>, vector<16xi32>,
        %add3A_81 = vector.broadcast %add3A_77 : i32 to vector<16xi32>
        %add3A_82 = arith.addi %add3A_81, %iota3A : vector<16xi32>
        %and3A = arith.constant 127 : i32
        %and3A_83 = vector.broadcast %and3A : i32 to vector<16xi32>
        %and3A_84 = arith.andi %add3A_82, %and3A_83 : vector<16xi32>
        %add3A_85 = arith.constant 10000 : i32
        %add3A_86 = vector.broadcast %add3A_85 : i32 to vector<16xi32>
        %add3A_87 = arith.addi %add3A_86, %and3A_84 : vector<16xi32>
        %swap3A_88 = arith.index_cast %add3A_77 : i32 to index
        %swap3A_89 = tpu.vector_load %arg8[%swap3A_88] {strides = array<i32>} : memref<10240xi32, #tpu.memory_space<vmem>>, vector<16xi32>,
        tpu.vector_store %arg8[%swap3A_88], %add3A_87 {strides = array<i32>} : memref<10240xi32, #tpu.memory_space<vmem>>, vector<16xi32>,
      }
      %scan3A_68 = arith.constant 480 : i32
    } else {
    }
    %broadcast_in_dim3A = arith.constant 1.000000e+00 : f32
    %broadcast_in_dim3A_11 = vector.broadcast %broadcast_in_dim3A : f32 to vector<16xf32>
    "tpu.region"() ({
      %run_scoped3A = tpu.sem_alloc : memref<!tpu.dma_semaphore, #tpu.memory_space<semaphore_mem>>
      %dma_start3A_63 = arith.constant 0 : i32
      %dma_start3A_64 = tpu.memref_slice %arg12[%mul3A_2, %dma_start3A_63] : memref<10240x64xf32, #tpu.memory_space<vmem_shared>> -> memref<640x64xf32, #tpu.memory_space<vmem_shared>>
      tpu.enqueue_dma source(%arg4 : memref<640x64xf32, #tpu.memory_space<hbm>>) target(%dma_start3A_64 : memref<640x64xf32, #tpu.memory_space<vmem_shared>>) target_semaphore(%run_scoped3A : memref<!tpu.dma_semaphore, #tpu.memory_space<semaphore_mem>>)
      %dma_wait3A = arith.constant 0 : i32
      %dma_wait3A_65 = tpu.memref_slice %arg12[%mul3A_2, %dma_wait3A] : memref<10240x64xf32, #tpu.memory_space<vmem_shared>> -> memref<640x64xf32, #tpu.memory_space<vmem_shared>>
      tpu.wait_dma2 semaphore(%run_scoped3A : memref<!tpu.dma_semaphore, #tpu.memory_space<semaphore_mem>>) src(%arg4 : memref<640x64xf32, #tpu.memory_space<hbm>>) dst(%dma_wait3A_65 : memref<640x64xf32, #tpu.memory_space<vmem_shared>>)
      tpu.yield
    }) : () -> ()
    "tpu.region"() ({
      %run_scoped3A = tpu.sem_alloc : memref<!tpu.dma_semaphore, #tpu.memory_space<semaphore_mem>>
      %dma_start3A_63 = arith.constant 0 : i32
      %dma_start3A_64 = tpu.memref_slice %arg13[%mul3A_2, %dma_start3A_63] : memref<10240x64xf32, #tpu.memory_space<vmem_shared>> -> memref<640x64xf32, #tpu.memory_space<vmem_shared>>
      %dma_start3A_65 = arith.constant 0 : i32
      %dma_start3A_66 = tpu.memref_slice %arg2[%mul3A_2, %dma_start3A_65] : memref<10240x128xf32, #tpu.memory_space<hbm>> -> memref<640x64xf32, #tpu.memory_space<hbm>>
      tpu.enqueue_dma source(%dma_start3A_66 : memref<640x64xf32, #tpu.memory_space<hbm>>) target(%dma_start3A_64 : memref<640x64xf32, #tpu.memory_space<vmem_shared>>) target_semaphore(%run_scoped3A : memref<!tpu.dma_semaphore, #tpu.memory_space<semaphore_mem>>)
      %dma_wait3A = arith.constant 0 : i32
      %dma_wait3A_67 = tpu.memref_slice %arg13[%mul3A_2, %dma_wait3A] : memref<10240x64xf32, #tpu.memory_space<vmem_shared>> -> memref<640x64xf32, #tpu.memory_space<vmem_shared>>
      %dma_wait3A_68 = arith.constant 0 : i32
      %dma_wait3A_69 = tpu.memref_slice %arg2[%mul3A_2, %dma_wait3A_68] : memref<10240x128xf32, #tpu.memory_space<hbm>> -> memref<640x64xf32, #tpu.memory_space<hbm>>
      tpu.wait_dma2 semaphore(%run_scoped3A : memref<!tpu.dma_semaphore, #tpu.memory_space<semaphore_mem>>) src(%dma_wait3A_69 : memref<640x64xf32, #tpu.memory_space<hbm>>) dst(%dma_wait3A_67 : memref<640x64xf32, #tpu.memory_space<vmem_shared>>)
      tpu.yield
    }) : () -> ()
    %barrier3A = arith.constant 0 : index
    tpu.barrier barrier_id(%barrier3A)
    %dma_start3A = arith.constant 0 : i32
    %dma_start3A_12 = tpu.memref_slice %arg7[%dma_start3A] : memref<10240xi32, #tpu.memory_space<vmem>> -> memref<128xi32, #tpu.memory_space<vmem>>
    %dma_start3A_13 = arith.constant 0 : i32
    %dma_start3A_14 = arith.constant 0 : i32
    %dma_start3A_15 = tpu.memref_slice %arg13[%dma_start3A_13, %dma_start3A_14] : memref<10240x64xf32, #tpu.memory_space<vmem_shared>> -> memref<10240x64xf32, #tpu.memory_space<vmem_shared>>
    tpu.enqueue_indirect_dma source(%dma_start3A_15 : memref<10240x64xf32, #tpu.memory_space<vmem_shared>>) target(%arg9 : memref<128x64xf32, #tpu.memory_space<vmem>>) offsets(%dma_start3A_12 : memref<128xi32, #tpu.memory_space<vmem>>) semaphore(%arg14 : memref<!tpu.dma_semaphore, #tpu.memory_space<semaphore_mem>>)
    %dma_start3A_16 = arith.constant 128 : i32
    %dma_start3A_17 = tpu.memref_slice %arg7[%dma_start3A_16] : memref<10240xi32, #tpu.memory_space<vmem>> -> memref<128xi32, #tpu.memory_space<vmem>>
    %dma_start3A_18 = arith.constant 0 : i32
    %dma_start3A_19 = arith.constant 0 : i32
    %dma_start3A_20 = tpu.memref_slice %arg13[%dma_start3A_18, %dma_start3A_19] : memref<10240x64xf32, #tpu.memory_space<vmem_shared>> -> memref<10240x64xf32, #tpu.memory_space<vmem_shared>>
    tpu.enqueue_indirect_dma source(%dma_start3A_20 : memref<10240x64xf32, #tpu.memory_space<vmem_shared>>) target(%arg10 : memref<128x64xf32, #tpu.memory_space<vmem>>) offsets(%dma_start3A_17 : memref<128xi32, #tpu.memory_space<vmem>>) semaphore(%arg15 : memref<!tpu.dma_semaphore, #tpu.memory_space<semaphore_mem>>)
    %scan3A = arith.constant 0 : i32
    %scan3A_21 = arith.constant 27 : i32
    %scan3A_22 = arith.addi %scan3A, %scan3A_21 : i32
    %scan3A_23 = arith.constant 1 : i32
    scf.for %scan3A_63 = %scan3A to %scan3A_22 step %scan3A_23  : i32 {
      %mul3A_64 = arith.constant 3 : i32
      %mul3A_65 = arith.muli %scan3A_63, %mul3A_64 : i32
      %add3A_66 = arith.constant 0 : i32
      %add3A_67 = arith.addi %add3A_66, %mul3A_65 : i32
      %add3A_68 = arith.constant 0 : i32
      %add3A_69 = arith.addi %add3A_67, %add3A_68 : i32
      %add3A_70 = arith.constant 3 : i32
      %add3A_71 = arith.addi %add3A_69, %add3A_70 : i32
      %sub3A = arith.constant 1 : i32
      %sub3A_72 = arith.subi %add3A_71, %sub3A : i32
      %lt3A_73 = arith.constant 80 : i32
      %lt3A_74 = arith.cmpi slt, %sub3A_72, %lt3A_73 : i32
      %convert_element_type3A_75 = arith.extui %lt3A_74 : i1 to i32
      %cond3A_76 = arith.constant 0 : i32
      %cond3A_77 = arith.cmpi ne, %convert_element_type3A_75, %cond3A_76 : i32
      scf.if %cond3A_77 {
        %add3A_121 = arith.constant 0 : i32
        %add3A_122 = arith.addi %add3A_67, %add3A_121 : i32
        %add3A_123 = arith.constant 3 : i32
        %add3A_124 = arith.addi %add3A_122, %add3A_123 : i32
        %sub3A_125 = arith.constant 1 : i32
        %sub3A_126 = arith.subi %add3A_124, %sub3A_125 : i32
        %mul3A_127 = arith.constant 128 : i32
        %mul3A_128 = arith.muli %sub3A_126, %mul3A_127 : i32
        %dma_start3A_129 = tpu.memref_slice %arg7[%mul3A_128] : memref<10240xi32, #tpu.memory_space<vmem>> -> memref<128xi32, #tpu.memory_space<vmem>>
        %dma_start3A_130 = arith.constant 0 : i32
        %dma_start3A_131 = arith.constant 0 : i32
        %dma_start3A_132 = tpu.memref_slice %arg13[%dma_start3A_130, %dma_start3A_131] : memref<10240x64xf32, #tpu.memory_space<vmem_shared>> -> memref<10240x64xf32, #tpu.memory_space<vmem_shared>>
        tpu.enqueue_indirect_dma source(%dma_start3A_132 : memref<10240x64xf32, #tpu.memory_space<vmem_shared>>) target(%arg11 : memref<128x64xf32, #tpu.memory_space<vmem>>) offsets(%dma_start3A_129 : memref<128xi32, #tpu.memory_space<vmem>>) semaphore(%arg16 : memref<!tpu.dma_semaphore, #tpu.memory_space<semaphore_mem>>)
      } else {
      }
      %add3A_78 = arith.constant 0 : i32
      %add3A_79 = arith.addi %add3A_67, %add3A_78 : i32
      %lt3A_80 = arith.constant 80 : i32
      %lt3A_81 = arith.cmpi slt, %add3A_79, %lt3A_80 : i32
      %convert_element_type3A_82 = arith.extui %lt3A_81 : i1 to i32
      %cond3A_83 = arith.constant 0 : i32
      %cond3A_84 = arith.cmpi ne, %convert_element_type3A_82, %cond3A_83 : i32
      scf.if %cond3A_84 {
        %add3A_121 = arith.constant 0 : i32
        %add3A_122 = arith.addi %add3A_67, %add3A_121 : i32
        %mul3A_123 = arith.constant 128 : i32
        %mul3A_124 = arith.muli %add3A_122, %mul3A_123 : i32
        %dma_wait3A = tpu.memref_slice %arg7[%mul3A_124] : memref<10240xi32, #tpu.memory_space<vmem>> -> memref<128xi32, #tpu.memory_space<vmem>>
        %dma_wait3A_125 = arith.constant 0 : i32
        %dma_wait3A_126 = arith.constant 0 : i32
        %dma_wait3A_127 = tpu.memref_slice %arg13[%dma_wait3A_125, %dma_wait3A_126] : memref<10240x64xf32, #tpu.memory_space<vmem_shared>> -> memref<10240x64xf32, #tpu.memory_space<vmem_shared>>
        tpu.wait_indirect_dma semaphore(%arg14 : memref<!tpu.dma_semaphore, #tpu.memory_space<semaphore_mem>>) src(%dma_wait3A_127 : memref<10240x64xf32, #tpu.memory_space<vmem_shared>>) dst(%arg9 : memref<128x64xf32, #tpu.memory_space<vmem>>)
        %add3A_128 = arith.constant 0 : i32
        %add3A_129 = arith.addi %add3A_67, %add3A_128 : i32
        %mul3A_130 = arith.constant 128 : i32
        %mul3A_131 = arith.muli %add3A_129, %mul3A_130 : i32
        "tpu.region"() ({
          %run_scoped3A = tpu.sem_alloc : memref<!tpu.dma_semaphore, #tpu.memory_space<semaphore_mem>>
          %dma_start3A_132 = tpu.memref_slice %arg8[%mul3A_131] : memref<10240xi32, #tpu.memory_space<vmem>> -> memref<128xi32, #tpu.memory_space<vmem>>
          %dma_start3A_133 = arith.constant 0 : i32
          %dma_start3A_134 = arith.constant 0 : i32
          %dma_start3A_135 = tpu.memref_slice %arg12[%dma_start3A_133, %dma_start3A_134] : memref<10240x64xf32, #tpu.memory_space<vmem_shared>> -> memref<10240x64xf32, #tpu.memory_space<vmem_shared>>
          tpu.enqueue_indirect_dma source(%arg9 : memref<128x64xf32, #tpu.memory_space<vmem>>) target(%dma_start3A_135 : memref<10240x64xf32, #tpu.memory_space<vmem_shared>>) offsets(%dma_start3A_132 : memref<128xi32, #tpu.memory_space<vmem>>) semaphore(%run_scoped3A : memref<!tpu.dma_semaphore, #tpu.memory_space<semaphore_mem>>) {add = true}
          %dma_wait3A_136 = tpu.memref_slice %arg8[%mul3A_131] : memref<10240xi32, #tpu.memory_space<vmem>> -> memref<128xi32, #tpu.memory_space<vmem>>
          %dma_wait3A_137 = arith.constant 0 : i32
          %dma_wait3A_138 = arith.constant 0 : i32
          %dma_wait3A_139 = tpu.memref_slice %arg12[%dma_wait3A_137, %dma_wait3A_138] : memref<10240x64xf32, #tpu.memory_space<vmem_shared>> -> memref<10240x64xf32, #tpu.memory_space<vmem_shared>>
          tpu.wait_indirect_dma semaphore(%run_scoped3A : memref<!tpu.dma_semaphore, #tpu.memory_space<semaphore_mem>>) src(%arg9 : memref<128x64xf32, #tpu.memory_space<vmem>>) dst(%dma_wait3A_139 : memref<10240x64xf32, #tpu.memory_space<vmem_shared>>)
          tpu.yield
        }) : () -> ()
      } else {
      }
      %add3A_85 = arith.constant 1 : i32
      %add3A_86 = arith.addi %add3A_67, %add3A_85 : i32
      %add3A_87 = arith.constant 3 : i32
      %add3A_88 = arith.addi %add3A_86, %add3A_87 : i32
      %sub3A_89 = arith.constant 1 : i32
      %sub3A_90 = arith.subi %add3A_88, %sub3A_89 : i32
      %lt3A_91 = arith.constant 80 : i32
      %lt3A_92 = arith.cmpi slt, %sub3A_90, %lt3A_91 : i32
      %convert_element_type3A_93 = arith.extui %lt3A_92 : i1 to i32
      %cond3A_94 = arith.constant 0 : i32
      %cond3A_95 = arith.cmpi ne, %convert_element_type3A_93, %cond3A_94 : i32
      scf.if %cond3A_95 {
        %add3A_121 = arith.constant 1 : i32
        %add3A_122 = arith.addi %add3A_67, %add3A_121 : i32
        %add3A_123 = arith.constant 3 : i32
        %add3A_124 = arith.addi %add3A_122, %add3A_123 : i32
        %sub3A_125 = arith.constant 1 : i32
        %sub3A_126 = arith.subi %add3A_124, %sub3A_125 : i32
        %mul3A_127 = arith.constant 128 : i32
        %mul3A_128 = arith.muli %sub3A_126, %mul3A_127 : i32
        %dma_start3A_129 = tpu.memref_slice %arg7[%mul3A_128] : memref<10240xi32, #tpu.memory_space<vmem>> -> memref<128xi32, #tpu.memory_space<vmem>>
        %dma_start3A_130 = arith.constant 0 : i32
        %dma_start3A_131 = arith.constant 0 : i32
        %dma_start3A_132 = tpu.memref_slice %arg13[%dma_start3A_130, %dma_start3A_131] : memref<10240x64xf32, #tpu.memory_space<vmem_shared>> -> memref<10240x64xf32, #tpu.memory_space<vmem_shared>>
        tpu.enqueue_indirect_dma source(%dma_start3A_132 : memref<10240x64xf32, #tpu.memory_space<vmem_shared>>) target(%arg9 : memref<128x64xf32, #tpu.memory_space<vmem>>) offsets(%dma_start3A_129 : memref<128xi32, #tpu.memory_space<vmem>>) semaphore(%arg14 : memref<!tpu.dma_semaphore, #tpu.memory_space<semaphore_mem>>)
      } else {
      }
      %add3A_96 = arith.constant 1 : i32
      %add3A_97 = arith.addi %add3A_67, %add3A_96 : i32
      %lt3A_98 = arith.constant 80 : i32
      %lt3A_99 = arith.cmpi slt, %add3A_97, %lt3A_98 : i32
      %convert_element_type3A_100 = arith.extui %lt3A_99 : i1 to i32
      %cond3A_101 = arith.constant 0 : i32
      %cond3A_102 = arith.cmpi ne, %convert_element_type3A_100, %cond3A_101 : i32
      scf.if %cond3A_102 {
        %add3A_121 = arith.constant 1 : i32
        %add3A_122 = arith.addi %add3A_67, %add3A_121 : i32
        %mul3A_123 = arith.constant 128 : i32
        %mul3A_124 = arith.muli %add3A_122, %mul3A_123 : i32
        %dma_wait3A = tpu.memref_slice %arg7[%mul3A_124] : memref<10240xi32, #tpu.memory_space<vmem>> -> memref<128xi32, #tpu.memory_space<vmem>>
        %dma_wait3A_125 = arith.constant 0 : i32
        %dma_wait3A_126 = arith.constant 0 : i32
        %dma_wait3A_127 = tpu.memref_slice %arg13[%dma_wait3A_125, %dma_wait3A_126] : memref<10240x64xf32, #tpu.memory_space<vmem_shared>> -> memref<10240x64xf32, #tpu.memory_space<vmem_shared>>
        tpu.wait_indirect_dma semaphore(%arg15 : memref<!tpu.dma_semaphore, #tpu.memory_space<semaphore_mem>>) src(%dma_wait3A_127 : memref<10240x64xf32, #tpu.memory_space<vmem_shared>>) dst(%arg10 : memref<128x64xf32, #tpu.memory_space<vmem>>)
        %add3A_128 = arith.constant 1 : i32
        %add3A_129 = arith.addi %add3A_67, %add3A_128 : i32
        %mul3A_130 = arith.constant 128 : i32
        %mul3A_131 = arith.muli %add3A_129, %mul3A_130 : i32
        "tpu.region"() ({
          %run_scoped3A = tpu.sem_alloc : memref<!tpu.dma_semaphore, #tpu.memory_space<semaphore_mem>>
          %dma_start3A_132 = tpu.memref_slice %arg8[%mul3A_131] : memref<10240xi32, #tpu.memory_space<vmem>> -> memref<128xi32, #tpu.memory_space<vmem>>
          %dma_start3A_133 = arith.constant 0 : i32
          %dma_start3A_134 = arith.constant 0 : i32
          %dma_start3A_135 = tpu.memref_slice %arg12[%dma_start3A_133, %dma_start3A_134] : memref<10240x64xf32, #tpu.memory_space<vmem_shared>> -> memref<10240x64xf32, #tpu.memory_space<vmem_shared>>
          tpu.enqueue_indirect_dma source(%arg10 : memref<128x64xf32, #tpu.memory_space<vmem>>) target(%dma_start3A_135 : memref<10240x64xf32, #tpu.memory_space<vmem_shared>>) offsets(%dma_start3A_132 : memref<128xi32, #tpu.memory_space<vmem>>) semaphore(%run_scoped3A : memref<!tpu.dma_semaphore, #tpu.memory_space<semaphore_mem>>) {add = true}
          %dma_wait3A_136 = tpu.memref_slice %arg8[%mul3A_131] : memref<10240xi32, #tpu.memory_space<vmem>> -> memref<128xi32, #tpu.memory_space<vmem>>
          %dma_wait3A_137 = arith.constant 0 : i32
          %dma_wait3A_138 = arith.constant 0 : i32
          %dma_wait3A_139 = tpu.memref_slice %arg12[%dma_wait3A_137, %dma_wait3A_138] : memref<10240x64xf32, #tpu.memory_space<vmem_shared>> -> memref<10240x64xf32, #tpu.memory_space<vmem_shared>>
          tpu.wait_indirect_dma semaphore(%run_scoped3A : memref<!tpu.dma_semaphore, #tpu.memory_space<semaphore_mem>>) src(%arg10 : memref<128x64xf32, #tpu.memory_space<vmem>>) dst(%dma_wait3A_139 : memref<10240x64xf32, #tpu.memory_space<vmem_shared>>)
          tpu.yield
        }) : () -> ()
      } else {
      }
      %add3A_103 = arith.constant 2 : i32
      %add3A_104 = arith.addi %add3A_67, %add3A_103 : i32
      %add3A_105 = arith.constant 3 : i32
      %add3A_106 = arith.addi %add3A_104, %add3A_105 : i32
      %sub3A_107 = arith.constant 1 : i32
      %sub3A_108 = arith.subi %add3A_106, %sub3A_107 : i32
      %lt3A_109 = arith.constant 80 : i32
      %lt3A_110 = arith.cmpi slt, %sub3A_108, %lt3A_109 : i32
      %convert_element_type3A_111 = arith.extui %lt3A_110 : i1 to i32
      %cond3A_112 = arith.constant 0 : i32
      %cond3A_113 = arith.cmpi ne, %convert_element_type3A_111, %cond3A_112 : i32
      scf.if %cond3A_113 {
        %add3A_121 = arith.constant 2 : i32
        %add3A_122 = arith.addi %add3A_67, %add3A_121 : i32
        %add3A_123 = arith.constant 3 : i32
        %add3A_124 = arith.addi %add3A_122, %add3A_123 : i32
        %sub3A_125 = arith.constant 1 : i32
        %sub3A_126 = arith.subi %add3A_124, %sub3A_125 : i32
        %mul3A_127 = arith.constant 128 : i32
        %mul3A_128 = arith.muli %sub3A_126, %mul3A_127 : i32
        %dma_start3A_129 = tpu.memref_slice %arg7[%mul3A_128] : memref<10240xi32, #tpu.memory_space<vmem>> -> memref<128xi32, #tpu.memory_space<vmem>>
        %dma_start3A_130 = arith.constant 0 : i32
        %dma_start3A_131 = arith.constant 0 : i32
        %dma_start3A_132 = tpu.memref_slice %arg13[%dma_start3A_130, %dma_start3A_131] : memref<10240x64xf32, #tpu.memory_space<vmem_shared>> -> memref<10240x64xf32, #tpu.memory_space<vmem_shared>>
        tpu.enqueue_indirect_dma source(%dma_start3A_132 : memref<10240x64xf32, #tpu.memory_space<vmem_shared>>) target(%arg10 : memref<128x64xf32, #tpu.memory_space<vmem>>) offsets(%dma_start3A_129 : memref<128xi32, #tpu.memory_space<vmem>>) semaphore(%arg15 : memref<!tpu.dma_semaphore, #tpu.memory_space<semaphore_mem>>)
      } else {
      }
      %add3A_114 = arith.constant 2 : i32
      %add3A_115 = arith.addi %add3A_67, %add3A_114 : i32
      %lt3A_116 = arith.constant 80 : i32
      %lt3A_117 = arith.cmpi slt, %add3A_115, %lt3A_116 : i32
      %convert_element_type3A_118 = arith.extui %lt3A_117 : i1 to i32
      %cond3A_119 = arith.constant 0 : i32
      %cond3A_120 = arith.cmpi ne, %convert_element_type3A_118, %cond3A_119 : i32
      scf.if %cond3A_120 {
        %add3A_121 = arith.constant 2 : i32
        %add3A_122 = arith.addi %add3A_67, %add3A_121 : i32
        %mul3A_123 = arith.constant 128 : i32
        %mul3A_124 = arith.muli %add3A_122, %mul3A_123 : i32
        %dma_wait3A = tpu.memref_slice %arg7[%mul3A_124] : memref<10240xi32, #tpu.memory_space<vmem>> -> memref<128xi32, #tpu.memory_space<vmem>>
        %dma_wait3A_125 = arith.constant 0 : i32
        %dma_wait3A_126 = arith.constant 0 : i32
        %dma_wait3A_127 = tpu.memref_slice %arg13[%dma_wait3A_125, %dma_wait3A_126] : memref<10240x64xf32, #tpu.memory_space<vmem_shared>> -> memref<10240x64xf32, #tpu.memory_space<vmem_shared>>
        tpu.wait_indirect_dma semaphore(%arg16 : memref<!tpu.dma_semaphore, #tpu.memory_space<semaphore_mem>>) src(%dma_wait3A_127 : memref<10240x64xf32, #tpu.memory_space<vmem_shared>>) dst(%arg11 : memref<128x64xf32, #tpu.memory_space<vmem>>)
        %add3A_128 = arith.constant 2 : i32
        %add3A_129 = arith.addi %add3A_67, %add3A_128 : i32
        %mul3A_130 = arith.constant 128 : i32
        %mul3A_131 = arith.muli %add3A_129, %mul3A_130 : i32
        "tpu.region"() ({
          %run_scoped3A = tpu.sem_alloc : memref<!tpu.dma_semaphore, #tpu.memory_space<semaphore_mem>>
          %dma_start3A_132 = tpu.memref_slice %arg8[%mul3A_131] : memref<10240xi32, #tpu.memory_space<vmem>> -> memref<128xi32, #tpu.memory_space<vmem>>
          %dma_start3A_133 = arith.constant 0 : i32
          %dma_start3A_134 = arith.constant 0 : i32
          %dma_start3A_135 = tpu.memref_slice %arg12[%dma_start3A_133, %dma_start3A_134] : memref<10240x64xf32, #tpu.memory_space<vmem_shared>> -> memref<10240x64xf32, #tpu.memory_space<vmem_shared>>
          tpu.enqueue_indirect_dma source(%arg11 : memref<128x64xf32, #tpu.memory_space<vmem>>) target(%dma_start3A_135 : memref<10240x64xf32, #tpu.memory_space<vmem_shared>>) offsets(%dma_start3A_132 : memref<128xi32, #tpu.memory_space<vmem>>) semaphore(%run_scoped3A : memref<!tpu.dma_semaphore, #tpu.memory_space<semaphore_mem>>) {add = true}
          %dma_wait3A_136 = tpu.memref_slice %arg8[%mul3A_131] : memref<10240xi32, #tpu.memory_space<vmem>> -> memref<128xi32, #tpu.memory_space<vmem>>
          %dma_wait3A_137 = arith.constant 0 : i32
          %dma_wait3A_138 = arith.constant 0 : i32
          %dma_wait3A_139 = tpu.memref_slice %arg12[%dma_wait3A_137, %dma_wait3A_138] : memref<10240x64xf32, #tpu.memory_space<vmem_shared>> -> memref<10240x64xf32, #tpu.memory_space<vmem_shared>>
          tpu.wait_indirect_dma semaphore(%run_scoped3A : memref<!tpu.dma_semaphore, #tpu.memory_space<semaphore_mem>>) src(%arg11 : memref<128x64xf32, #tpu.memory_space<vmem>>) dst(%dma_wait3A_139 : memref<10240x64xf32, #tpu.memory_space<vmem_shared>>)
          tpu.yield
        }) : () -> ()
      } else {
      }
    }
    %scan3A_24 = arith.constant 27 : i32
    %barrier3A_25 = arith.constant 0 : index
    tpu.barrier barrier_id(%barrier3A_25)
    %eq3A_26 = arith.constant 0 : i32
    %eq3A_27 = arith.cmpi eq, %arg0, %eq3A_26 : i32
    %convert_element_type3A_28 = arith.extui %eq3A_27 : i1 to i32
    %cond3A_29 = arith.constant 0 : i32
    %cond3A_30 = arith.cmpi ne, %convert_element_type3A_28, %cond3A_29 : i32
    scf.if %cond3A_30 {
      "tpu.region"() ({
        %run_scoped3A = tpu.sem_alloc : memref<!tpu.dma_semaphore, #tpu.memory_space<semaphore_mem>>
        %dma_start3A_63 = arith.constant 0 : i32
        %dma_start3A_64 = tpu.memref_slice %arg5[%mul3A_2, %dma_start3A_63] : memref<10240x128xf32, #tpu.memory_space<hbm>> -> memref<640x64xf32, #tpu.memory_space<hbm>>
        %dma_start3A_65 = arith.constant 0 : i32
        %dma_start3A_66 = tpu.memref_slice %arg12[%mul3A_2, %dma_start3A_65] : memref<10240x64xf32, #tpu.memory_space<vmem_shared>> -> memref<640x64xf32, #tpu.memory_space<vmem_shared>>
        tpu.enqueue_dma source(%dma_start3A_66 : memref<640x64xf32, #tpu.memory_space<vmem_shared>>) target(%dma_start3A_64 : memref<640x64xf32, #tpu.memory_space<hbm>>) target_semaphore(%run_scoped3A : memref<!tpu.dma_semaphore, #tpu.memory_space<semaphore_mem>>)
        %dma_wait3A = arith.constant 0 : i32
        %dma_wait3A_67 = tpu.memref_slice %arg5[%mul3A_2, %dma_wait3A] : memref<10240x128xf32, #tpu.memory_space<hbm>> -> memref<640x64xf32, #tpu.memory_space<hbm>>
        %dma_wait3A_68 = arith.constant 0 : i32
        %dma_wait3A_69 = tpu.memref_slice %arg12[%mul3A_2, %dma_wait3A_68] : memref<10240x64xf32, #tpu.memory_space<vmem_shared>> -> memref<640x64xf32, #tpu.memory_space<vmem_shared>>
        tpu.wait_dma2 semaphore(%run_scoped3A : memref<!tpu.dma_semaphore, #tpu.memory_space<semaphore_mem>>) src(%dma_wait3A_69 : memref<640x64xf32, #tpu.memory_space<vmem_shared>>) dst(%dma_wait3A_67 : memref<640x64xf32, #tpu.memory_space<hbm>>)
        tpu.yield
      }) : () -> ()
    } else {
    }
    %eq3A_31 = arith.constant 1 : i32
    %eq3A_32 = arith.cmpi eq, %arg0, %eq3A_31 : i32
    %convert_element_type3A_33 = arith.extui %eq3A_32 : i1 to i32
    %cond3A_34 = arith.constant 0 : i32
    %cond3A_35 = arith.cmpi ne, %convert_element_type3A_33, %cond3A_34 : i32
    scf.if %cond3A_35 {
      "tpu.region"() ({
        %run_scoped3A = tpu.sem_alloc : memref<!tpu.dma_semaphore, #tpu.memory_space<semaphore_mem>>
        %dma_start3A_63 = arith.constant 0 : i32
        %dma_start3A_64 = tpu.memref_slice %arg6[%mul3A_2, %dma_start3A_63] : memref<10240x128xf32, #tpu.memory_space<hbm>> -> memref<640x64xf32, #tpu.memory_space<hbm>>
        %dma_start3A_65 = arith.constant 0 : i32
        %dma_start3A_66 = tpu.memref_slice %arg12[%mul3A_2, %dma_start3A_65] : memref<10240x64xf32, #tpu.memory_space<vmem_shared>> -> memref<640x64xf32, #tpu.memory_space<vmem_shared>>
        tpu.enqueue_dma source(%dma_start3A_66 : memref<640x64xf32, #tpu.memory_space<vmem_shared>>) target(%dma_start3A_64 : memref<640x64xf32, #tpu.memory_space<hbm>>) target_semaphore(%run_scoped3A : memref<!tpu.dma_semaphore, #tpu.memory_space<semaphore_mem>>)
        %dma_wait3A = arith.constant 0 : i32
        %dma_wait3A_67 = tpu.memref_slice %arg6[%mul3A_2, %dma_wait3A] : memref<10240x128xf32, #tpu.memory_space<hbm>> -> memref<640x64xf32, #tpu.memory_space<hbm>>
        %dma_wait3A_68 = arith.constant 0 : i32
        %dma_wait3A_69 = tpu.memref_slice %arg12[%mul3A_2, %dma_wait3A_68] : memref<10240x64xf32, #tpu.memory_space<vmem_shared>> -> memref<640x64xf32, #tpu.memory_space<vmem_shared>>
        tpu.wait_dma2 semaphore(%run_scoped3A : memref<!tpu.dma_semaphore, #tpu.memory_space<semaphore_mem>>) src(%dma_wait3A_69 : memref<640x64xf32, #tpu.memory_space<vmem_shared>>) dst(%dma_wait3A_67 : memref<640x64xf32, #tpu.memory_space<hbm>>)
        tpu.yield
      }) : () -> ()
    } else {
    }
    "tpu.region"() ({
      %run_scoped3A = tpu.sem_alloc : memref<!tpu.dma_semaphore, #tpu.memory_space<semaphore_mem>>
      %dma_start3A_63 = arith.constant 0 : i32
      %dma_start3A_64 = tpu.memref_slice %arg12[%mul3A_2, %dma_start3A_63] : memref<10240x64xf32, #tpu.memory_space<vmem_shared>> -> memref<640x64xf32, #tpu.memory_space<vmem_shared>>
      tpu.enqueue_dma source(%arg4 : memref<640x64xf32, #tpu.memory_space<hbm>>) target(%dma_start3A_64 : memref<640x64xf32, #tpu.memory_space<vmem_shared>>) target_semaphore(%run_scoped3A : memref<!tpu.dma_semaphore, #tpu.memory_space<semaphore_mem>>)
      %dma_wait3A = arith.constant 0 : i32
      %dma_wait3A_65 = tpu.memref_slice %arg12[%mul3A_2, %dma_wait3A] : memref<10240x64xf32, #tpu.memory_space<vmem_shared>> -> memref<640x64xf32, #tpu.memory_space<vmem_shared>>
      tpu.wait_dma2 semaphore(%run_scoped3A : memref<!tpu.dma_semaphore, #tpu.memory_space<semaphore_mem>>) src(%arg4 : memref<640x64xf32, #tpu.memory_space<hbm>>) dst(%dma_wait3A_65 : memref<640x64xf32, #tpu.memory_space<vmem_shared>>)
      tpu.yield
    }) : () -> ()
    "tpu.region"() ({
      %run_scoped3A = tpu.sem_alloc : memref<!tpu.dma_semaphore, #tpu.memory_space<semaphore_mem>>
      %dma_start3A_63 = arith.constant 0 : i32
      %dma_start3A_64 = tpu.memref_slice %arg13[%mul3A_2, %dma_start3A_63] : memref<10240x64xf32, #tpu.memory_space<vmem_shared>> -> memref<640x64xf32, #tpu.memory_space<vmem_shared>>
      %dma_start3A_65 = arith.constant 64 : i32
      %dma_start3A_66 = tpu.memref_slice %arg2[%mul3A_2, %dma_start3A_65] : memref<10240x128xf32, #tpu.memory_space<hbm>> -> memref<640x64xf32, #tpu.memory_space<hbm>>
      tpu.enqueue_dma source(%dma_start3A_66 : memref<640x64xf32, #tpu.memory_space<hbm>>) target(%dma_start3A_64 : memref<640x64xf32, #tpu.memory_space<vmem_shared>>) target_semaphore(%run_scoped3A : memref<!tpu.dma_semaphore, #tpu.memory_space<semaphore_mem>>)
      %dma_wait3A = arith.constant 0 : i32
      %dma_wait3A_67 = tpu.memref_slice %arg13[%mul3A_2, %dma_wait3A] : memref<10240x64xf32, #tpu.memory_space<vmem_shared>> -> memref<640x64xf32, #tpu.memory_space<vmem_shared>>
      %dma_wait3A_68 = arith.constant 64 : i32
      %dma_wait3A_69 = tpu.memref_slice %arg2[%mul3A_2, %dma_wait3A_68] : memref<10240x128xf32, #tpu.memory_space<hbm>> -> memref<640x64xf32, #tpu.memory_space<hbm>>
      tpu.wait_dma2 semaphore(%run_scoped3A : memref<!tpu.dma_semaphore, #tpu.memory_space<semaphore_mem>>) src(%dma_wait3A_69 : memref<640x64xf32, #tpu.memory_space<hbm>>) dst(%dma_wait3A_67 : memref<640x64xf32, #tpu.memory_space<vmem_shared>>)
      tpu.yield
    }) : () -> ()
    %barrier3A_36 = arith.constant 0 : index
    tpu.barrier barrier_id(%barrier3A_36)
    %dma_start3A_37 = arith.constant 0 : i32
    %dma_start3A_38 = tpu.memref_slice %arg7[%dma_start3A_37] : memref<10240xi32, #tpu.memory_space<vmem>> -> memref<128xi32, #tpu.memory_space<vmem>>
    %dma_start3A_39 = arith.constant 0 : i32
    %dma_start3A_40 = arith.constant 0 : i32
    %dma_start3A_41 = tpu.memref_slice %arg13[%dma_start3A_39, %dma_start3A_40] : memref<10240x64xf32, #tpu.memory_space<vmem_shared>> -> memref<10240x64xf32, #tpu.memory_space<vmem_shared>>
    tpu.enqueue_indirect_dma source(%dma_start3A_41 : memref<10240x64xf32, #tpu.memory_space<vmem_shared>>) target(%arg9 : memref<128x64xf32, #tpu.memory_space<vmem>>) offsets(%dma_start3A_38 : memref<128xi32, #tpu.memory_space<vmem>>) semaphore(%arg14 : memref<!tpu.dma_semaphore, #tpu.memory_space<semaphore_mem>>)
    %dma_start3A_42 = arith.constant 128 : i32
    %dma_start3A_43 = tpu.memref_slice %arg7[%dma_start3A_42] : memref<10240xi32, #tpu.memory_space<vmem>> -> memref<128xi32, #tpu.memory_space<vmem>>
    %dma_start3A_44 = arith.constant 0 : i32
    %dma_start3A_45 = arith.constant 0 : i32
    %dma_start3A_46 = tpu.memref_slice %arg13[%dma_start3A_44, %dma_start3A_45] : memref<10240x64xf32, #tpu.memory_space<vmem_shared>> -> memref<10240x64xf32, #tpu.memory_space<vmem_shared>>
    tpu.enqueue_indirect_dma source(%dma_start3A_46 : memref<10240x64xf32, #tpu.memory_space<vmem_shared>>) target(%arg10 : memref<128x64xf32, #tpu.memory_space<vmem>>) offsets(%dma_start3A_43 : memref<128xi32, #tpu.memory_space<vmem>>) semaphore(%arg15 : memref<!tpu.dma_semaphore, #tpu.memory_space<semaphore_mem>>)
    %scan3A_47 = arith.constant 0 : i32
    %scan3A_48 = arith.constant 27 : i32
    %scan3A_49 = arith.addi %scan3A_47, %scan3A_48 : i32
    %scan3A_50 = arith.constant 1 : i32
    scf.for %scan3A_63 = %scan3A_47 to %scan3A_49 step %scan3A_50  : i32 {
      %mul3A_64 = arith.constant 3 : i32
      %mul3A_65 = arith.muli %scan3A_63, %mul3A_64 : i32
      %add3A_66 = arith.constant 0 : i32
      %add3A_67 = arith.addi %add3A_66, %mul3A_65 : i32
      %add3A_68 = arith.constant 0 : i32
      %add3A_69 = arith.addi %add3A_67, %add3A_68 : i32
      %add3A_70 = arith.constant 3 : i32
      %add3A_71 = arith.addi %add3A_69, %add3A_70 : i32
      %sub3A = arith.constant 1 : i32
      %sub3A_72 = arith.subi %add3A_71, %sub3A : i32
      %lt3A_73 = arith.constant 80 : i32
      %lt3A_74 = arith.cmpi slt, %sub3A_72, %lt3A_73 : i32
      %convert_element_type3A_75 = arith.extui %lt3A_74 : i1 to i32
      %cond3A_76 = arith.constant 0 : i32
      %cond3A_77 = arith.cmpi ne, %convert_element_type3A_75, %cond3A_76 : i32
      scf.if %cond3A_77 {
        %add3A_121 = arith.constant 0 : i32
        %add3A_122 = arith.addi %add3A_67, %add3A_121 : i32
        %add3A_123 = arith.constant 3 : i32
        %add3A_124 = arith.addi %add3A_122, %add3A_123 : i32
        %sub3A_125 = arith.constant 1 : i32
        %sub3A_126 = arith.subi %add3A_124, %sub3A_125 : i32
        %mul3A_127 = arith.constant 128 : i32
        %mul3A_128 = arith.muli %sub3A_126, %mul3A_127 : i32
        %dma_start3A_129 = tpu.memref_slice %arg7[%mul3A_128] : memref<10240xi32, #tpu.memory_space<vmem>> -> memref<128xi32, #tpu.memory_space<vmem>>
        %dma_start3A_130 = arith.constant 0 : i32
        %dma_start3A_131 = arith.constant 0 : i32
        %dma_start3A_132 = tpu.memref_slice %arg13[%dma_start3A_130, %dma_start3A_131] : memref<10240x64xf32, #tpu.memory_space<vmem_shared>> -> memref<10240x64xf32, #tpu.memory_space<vmem_shared>>
        tpu.enqueue_indirect_dma source(%dma_start3A_132 : memref<10240x64xf32, #tpu.memory_space<vmem_shared>>) target(%arg11 : memref<128x64xf32, #tpu.memory_space<vmem>>) offsets(%dma_start3A_129 : memref<128xi32, #tpu.memory_space<vmem>>) semaphore(%arg16 : memref<!tpu.dma_semaphore, #tpu.memory_space<semaphore_mem>>)
      } else {
      }
      %add3A_78 = arith.constant 0 : i32
      %add3A_79 = arith.addi %add3A_67, %add3A_78 : i32
      %lt3A_80 = arith.constant 80 : i32
      %lt3A_81 = arith.cmpi slt, %add3A_79, %lt3A_80 : i32
      %convert_element_type3A_82 = arith.extui %lt3A_81 : i1 to i32
      %cond3A_83 = arith.constant 0 : i32
      %cond3A_84 = arith.cmpi ne, %convert_element_type3A_82, %cond3A_83 : i32
      scf.if %cond3A_84 {
        %add3A_121 = arith.constant 0 : i32
        %add3A_122 = arith.addi %add3A_67, %add3A_121 : i32
        %mul3A_123 = arith.constant 128 : i32
        %mul3A_124 = arith.muli %add3A_122, %mul3A_123 : i32
        %dma_wait3A = tpu.memref_slice %arg7[%mul3A_124] : memref<10240xi32, #tpu.memory_space<vmem>> -> memref<128xi32, #tpu.memory_space<vmem>>
        %dma_wait3A_125 = arith.constant 0 : i32
        %dma_wait3A_126 = arith.constant 0 : i32
        %dma_wait3A_127 = tpu.memref_slice %arg13[%dma_wait3A_125, %dma_wait3A_126] : memref<10240x64xf32, #tpu.memory_space<vmem_shared>> -> memref<10240x64xf32, #tpu.memory_space<vmem_shared>>
        tpu.wait_indirect_dma semaphore(%arg14 : memref<!tpu.dma_semaphore, #tpu.memory_space<semaphore_mem>>) src(%dma_wait3A_127 : memref<10240x64xf32, #tpu.memory_space<vmem_shared>>) dst(%arg9 : memref<128x64xf32, #tpu.memory_space<vmem>>)
        %add3A_128 = arith.constant 0 : i32
        %add3A_129 = arith.addi %add3A_67, %add3A_128 : i32
        %mul3A_130 = arith.constant 128 : i32
        %mul3A_131 = arith.muli %add3A_129, %mul3A_130 : i32
        "tpu.region"() ({
          %run_scoped3A = tpu.sem_alloc : memref<!tpu.dma_semaphore, #tpu.memory_space<semaphore_mem>>
          %dma_start3A_132 = tpu.memref_slice %arg8[%mul3A_131] : memref<10240xi32, #tpu.memory_space<vmem>> -> memref<128xi32, #tpu.memory_space<vmem>>
          %dma_start3A_133 = arith.constant 0 : i32
          %dma_start3A_134 = arith.constant 0 : i32
          %dma_start3A_135 = tpu.memref_slice %arg12[%dma_start3A_133, %dma_start3A_134] : memref<10240x64xf32, #tpu.memory_space<vmem_shared>> -> memref<10240x64xf32, #tpu.memory_space<vmem_shared>>
          tpu.enqueue_indirect_dma source(%arg9 : memref<128x64xf32, #tpu.memory_space<vmem>>) target(%dma_start3A_135 : memref<10240x64xf32, #tpu.memory_space<vmem_shared>>) offsets(%dma_start3A_132 : memref<128xi32, #tpu.memory_space<vmem>>) semaphore(%run_scoped3A : memref<!tpu.dma_semaphore, #tpu.memory_space<semaphore_mem>>) {add = true}
          %dma_wait3A_136 = tpu.memref_slice %arg8[%mul3A_131] : memref<10240xi32, #tpu.memory_space<vmem>> -> memref<128xi32, #tpu.memory_space<vmem>>
          %dma_wait3A_137 = arith.constant 0 : i32
          %dma_wait3A_138 = arith.constant 0 : i32
          %dma_wait3A_139 = tpu.memref_slice %arg12[%dma_wait3A_137, %dma_wait3A_138] : memref<10240x64xf32, #tpu.memory_space<vmem_shared>> -> memref<10240x64xf32, #tpu.memory_space<vmem_shared>>
          tpu.wait_indirect_dma semaphore(%run_scoped3A : memref<!tpu.dma_semaphore, #tpu.memory_space<semaphore_mem>>) src(%arg9 : memref<128x64xf32, #tpu.memory_space<vmem>>) dst(%dma_wait3A_139 : memref<10240x64xf32, #tpu.memory_space<vmem_shared>>)
          tpu.yield
        }) : () -> ()
      } else {
      }
      %add3A_85 = arith.constant 1 : i32
      %add3A_86 = arith.addi %add3A_67, %add3A_85 : i32
      %add3A_87 = arith.constant 3 : i32
      %add3A_88 = arith.addi %add3A_86, %add3A_87 : i32
      %sub3A_89 = arith.constant 1 : i32
      %sub3A_90 = arith.subi %add3A_88, %sub3A_89 : i32
      %lt3A_91 = arith.constant 80 : i32
      %lt3A_92 = arith.cmpi slt, %sub3A_90, %lt3A_91 : i32
      %convert_element_type3A_93 = arith.extui %lt3A_92 : i1 to i32
      %cond3A_94 = arith.constant 0 : i32
      %cond3A_95 = arith.cmpi ne, %convert_element_type3A_93, %cond3A_94 : i32
      scf.if %cond3A_95 {
        %add3A_121 = arith.constant 1 : i32
        %add3A_122 = arith.addi %add3A_67, %add3A_121 : i32
        %add3A_123 = arith.constant 3 : i32
        %add3A_124 = arith.addi %add3A_122, %add3A_123 : i32
        %sub3A_125 = arith.constant 1 : i32
        %sub3A_126 = arith.subi %add3A_124, %sub3A_125 : i32
        %mul3A_127 = arith.constant 128 : i32
        %mul3A_128 = arith.muli %sub3A_126, %mul3A_127 : i32
        %dma_start3A_129 = tpu.memref_slice %arg7[%mul3A_128] : memref<10240xi32, #tpu.memory_space<vmem>> -> memref<128xi32, #tpu.memory_space<vmem>>
        %dma_start3A_130 = arith.constant 0 : i32
        %dma_start3A_131 = arith.constant 0 : i32
        %dma_start3A_132 = tpu.memref_slice %arg13[%dma_start3A_130, %dma_start3A_131] : memref<10240x64xf32, #tpu.memory_space<vmem_shared>> -> memref<10240x64xf32, #tpu.memory_space<vmem_shared>>
        tpu.enqueue_indirect_dma source(%dma_start3A_132 : memref<10240x64xf32, #tpu.memory_space<vmem_shared>>) target(%arg9 : memref<128x64xf32, #tpu.memory_space<vmem>>) offsets(%dma_start3A_129 : memref<128xi32, #tpu.memory_space<vmem>>) semaphore(%arg14 : memref<!tpu.dma_semaphore, #tpu.memory_space<semaphore_mem>>)
      } else {
      }
      %add3A_96 = arith.constant 1 : i32
      %add3A_97 = arith.addi %add3A_67, %add3A_96 : i32
      %lt3A_98 = arith.constant 80 : i32
      %lt3A_99 = arith.cmpi slt, %add3A_97, %lt3A_98 : i32
      %convert_element_type3A_100 = arith.extui %lt3A_99 : i1 to i32
      %cond3A_101 = arith.constant 0 : i32
      %cond3A_102 = arith.cmpi ne, %convert_element_type3A_100, %cond3A_101 : i32
      scf.if %cond3A_102 {
        %add3A_121 = arith.constant 1 : i32
        %add3A_122 = arith.addi %add3A_67, %add3A_121 : i32
        %mul3A_123 = arith.constant 128 : i32
        %mul3A_124 = arith.muli %add3A_122, %mul3A_123 : i32
        %dma_wait3A = tpu.memref_slice %arg7[%mul3A_124] : memref<10240xi32, #tpu.memory_space<vmem>> -> memref<128xi32, #tpu.memory_space<vmem>>
        %dma_wait3A_125 = arith.constant 0 : i32
        %dma_wait3A_126 = arith.constant 0 : i32
        %dma_wait3A_127 = tpu.memref_slice %arg13[%dma_wait3A_125, %dma_wait3A_126] : memref<10240x64xf32, #tpu.memory_space<vmem_shared>> -> memref<10240x64xf32, #tpu.memory_space<vmem_shared>>
        tpu.wait_indirect_dma semaphore(%arg15 : memref<!tpu.dma_semaphore, #tpu.memory_space<semaphore_mem>>) src(%dma_wait3A_127 : memref<10240x64xf32, #tpu.memory_space<vmem_shared>>) dst(%arg10 : memref<128x64xf32, #tpu.memory_space<vmem>>)
        %add3A_128 = arith.constant 1 : i32
        %add3A_129 = arith.addi %add3A_67, %add3A_128 : i32
        %mul3A_130 = arith.constant 128 : i32
        %mul3A_131 = arith.muli %add3A_129, %mul3A_130 : i32
        "tpu.region"() ({
          %run_scoped3A = tpu.sem_alloc : memref<!tpu.dma_semaphore, #tpu.memory_space<semaphore_mem>>
          %dma_start3A_132 = tpu.memref_slice %arg8[%mul3A_131] : memref<10240xi32, #tpu.memory_space<vmem>> -> memref<128xi32, #tpu.memory_space<vmem>>
          %dma_start3A_133 = arith.constant 0 : i32
          %dma_start3A_134 = arith.constant 0 : i32
          %dma_start3A_135 = tpu.memref_slice %arg12[%dma_start3A_133, %dma_start3A_134] : memref<10240x64xf32, #tpu.memory_space<vmem_shared>> -> memref<10240x64xf32, #tpu.memory_space<vmem_shared>>
          tpu.enqueue_indirect_dma source(%arg10 : memref<128x64xf32, #tpu.memory_space<vmem>>) target(%dma_start3A_135 : memref<10240x64xf32, #tpu.memory_space<vmem_shared>>) offsets(%dma_start3A_132 : memref<128xi32, #tpu.memory_space<vmem>>) semaphore(%run_scoped3A : memref<!tpu.dma_semaphore, #tpu.memory_space<semaphore_mem>>) {add = true}
          %dma_wait3A_136 = tpu.memref_slice %arg8[%mul3A_131] : memref<10240xi32, #tpu.memory_space<vmem>> -> memref<128xi32, #tpu.memory_space<vmem>>
          %dma_wait3A_137 = arith.constant 0 : i32
          %dma_wait3A_138 = arith.constant 0 : i32
          %dma_wait3A_139 = tpu.memref_slice %arg12[%dma_wait3A_137, %dma_wait3A_138] : memref<10240x64xf32, #tpu.memory_space<vmem_shared>> -> memref<10240x64xf32, #tpu.memory_space<vmem_shared>>
          tpu.wait_indirect_dma semaphore(%run_scoped3A : memref<!tpu.dma_semaphore, #tpu.memory_space<semaphore_mem>>) src(%arg10 : memref<128x64xf32, #tpu.memory_space<vmem>>) dst(%dma_wait3A_139 : memref<10240x64xf32, #tpu.memory_space<vmem_shared>>)
          tpu.yield
        }) : () -> ()
      } else {
      }
      %add3A_103 = arith.constant 2 : i32
      %add3A_104 = arith.addi %add3A_67, %add3A_103 : i32
      %add3A_105 = arith.constant 3 : i32
      %add3A_106 = arith.addi %add3A_104, %add3A_105 : i32
      %sub3A_107 = arith.constant 1 : i32
      %sub3A_108 = arith.subi %add3A_106, %sub3A_107 : i32
      %lt3A_109 = arith.constant 80 : i32
      %lt3A_110 = arith.cmpi slt, %sub3A_108, %lt3A_109 : i32
      %convert_element_type3A_111 = arith.extui %lt3A_110 : i1 to i32
      %cond3A_112 = arith.constant 0 : i32
      %cond3A_113 = arith.cmpi ne, %convert_element_type3A_111, %cond3A_112 : i32
      scf.if %cond3A_113 {
        %add3A_121 = arith.constant 2 : i32
        %add3A_122 = arith.addi %add3A_67, %add3A_121 : i32
        %add3A_123 = arith.constant 3 : i32
        %add3A_124 = arith.addi %add3A_122, %add3A_123 : i32
        %sub3A_125 = arith.constant 1 : i32
        %sub3A_126 = arith.subi %add3A_124, %sub3A_125 : i32
        %mul3A_127 = arith.constant 128 : i32
        %mul3A_128 = arith.muli %sub3A_126, %mul3A_127 : i32
        %dma_start3A_129 = tpu.memref_slice %arg7[%mul3A_128] : memref<10240xi32, #tpu.memory_space<vmem>> -> memref<128xi32, #tpu.memory_space<vmem>>
        %dma_start3A_130 = arith.constant 0 : i32
        %dma_start3A_131 = arith.constant 0 : i32
        %dma_start3A_132 = tpu.memref_slice %arg13[%dma_start3A_130, %dma_start3A_131] : memref<10240x64xf32, #tpu.memory_space<vmem_shared>> -> memref<10240x64xf32, #tpu.memory_space<vmem_shared>>
        tpu.enqueue_indirect_dma source(%dma_start3A_132 : memref<10240x64xf32, #tpu.memory_space<vmem_shared>>) target(%arg10 : memref<128x64xf32, #tpu.memory_space<vmem>>) offsets(%dma_start3A_129 : memref<128xi32, #tpu.memory_space<vmem>>) semaphore(%arg15 : memref<!tpu.dma_semaphore, #tpu.memory_space<semaphore_mem>>)
      } else {
      }
      %add3A_114 = arith.constant 2 : i32
      %add3A_115 = arith.addi %add3A_67, %add3A_114 : i32
      %lt3A_116 = arith.constant 80 : i32
      %lt3A_117 = arith.cmpi slt, %add3A_115, %lt3A_116 : i32
      %convert_element_type3A_118 = arith.extui %lt3A_117 : i1 to i32
      %cond3A_119 = arith.constant 0 : i32
      %cond3A_120 = arith.cmpi ne, %convert_element_type3A_118, %cond3A_119 : i32
      scf.if %cond3A_120 {
        %add3A_121 = arith.constant 2 : i32
        %add3A_122 = arith.addi %add3A_67, %add3A_121 : i32
        %mul3A_123 = arith.constant 128 : i32
        %mul3A_124 = arith.muli %add3A_122, %mul3A_123 : i32
        %dma_wait3A = tpu.memref_slice %arg7[%mul3A_124] : memref<10240xi32, #tpu.memory_space<vmem>> -> memref<128xi32, #tpu.memory_space<vmem>>
        %dma_wait3A_125 = arith.constant 0 : i32
        %dma_wait3A_126 = arith.constant 0 : i32
        %dma_wait3A_127 = tpu.memref_slice %arg13[%dma_wait3A_125, %dma_wait3A_126] : memref<10240x64xf32, #tpu.memory_space<vmem_shared>> -> memref<10240x64xf32, #tpu.memory_space<vmem_shared>>
        tpu.wait_indirect_dma semaphore(%arg16 : memref<!tpu.dma_semaphore, #tpu.memory_space<semaphore_mem>>) src(%dma_wait3A_127 : memref<10240x64xf32, #tpu.memory_space<vmem_shared>>) dst(%arg11 : memref<128x64xf32, #tpu.memory_space<vmem>>)
        %add3A_128 = arith.constant 2 : i32
        %add3A_129 = arith.addi %add3A_67, %add3A_128 : i32
        %mul3A_130 = arith.constant 128 : i32
        %mul3A_131 = arith.muli %add3A_129, %mul3A_130 : i32
        "tpu.region"() ({
          %run_scoped3A = tpu.sem_alloc : memref<!tpu.dma_semaphore, #tpu.memory_space<semaphore_mem>>
          %dma_start3A_132 = tpu.memref_slice %arg8[%mul3A_131] : memref<10240xi32, #tpu.memory_space<vmem>> -> memref<128xi32, #tpu.memory_space<vmem>>
          %dma_start3A_133 = arith.constant 0 : i32
          %dma_start3A_134 = arith.constant 0 : i32
          %dma_start3A_135 = tpu.memref_slice %arg12[%dma_start3A_133, %dma_start3A_134] : memref<10240x64xf32, #tpu.memory_space<vmem_shared>> -> memref<10240x64xf32, #tpu.memory_space<vmem_shared>>
          tpu.enqueue_indirect_dma source(%arg11 : memref<128x64xf32, #tpu.memory_space<vmem>>) target(%dma_start3A_135 : memref<10240x64xf32, #tpu.memory_space<vmem_shared>>) offsets(%dma_start3A_132 : memref<128xi32, #tpu.memory_space<vmem>>) semaphore(%run_scoped3A : memref<!tpu.dma_semaphore, #tpu.memory_space<semaphore_mem>>) {add = true}
          %dma_wait3A_136 = tpu.memref_slice %arg8[%mul3A_131] : memref<10240xi32, #tpu.memory_space<vmem>> -> memref<128xi32, #tpu.memory_space<vmem>>
          %dma_wait3A_137 = arith.constant 0 : i32
          %dma_wait3A_138 = arith.constant 0 : i32
          %dma_wait3A_139 = tpu.memref_slice %arg12[%dma_wait3A_137, %dma_wait3A_138] : memref<10240x64xf32, #tpu.memory_space<vmem_shared>> -> memref<10240x64xf32, #tpu.memory_space<vmem_shared>>
          tpu.wait_indirect_dma semaphore(%run_scoped3A : memref<!tpu.dma_semaphore, #tpu.memory_space<semaphore_mem>>) src(%arg11 : memref<128x64xf32, #tpu.memory_space<vmem>>) dst(%dma_wait3A_139 : memref<10240x64xf32, #tpu.memory_space<vmem_shared>>)
          tpu.yield
        }) : () -> ()
      } else {
      }
    }
    %scan3A_51 = arith.constant 27 : i32
    %barrier3A_52 = arith.constant 0 : index
    tpu.barrier barrier_id(%barrier3A_52)
    %eq3A_53 = arith.constant 0 : i32
    %eq3A_54 = arith.cmpi eq, %arg0, %eq3A_53 : i32
    %convert_element_type3A_55 = arith.extui %eq3A_54 : i1 to i32
    %cond3A_56 = arith.constant 0 : i32
    %cond3A_57 = arith.cmpi ne, %convert_element_type3A_55, %cond3A_56 : i32
    scf.if %cond3A_57 {
      "tpu.region"() ({
        %run_scoped3A = tpu.sem_alloc : memref<!tpu.dma_semaphore, #tpu.memory_space<semaphore_mem>>
        %dma_start3A_63 = arith.constant 64 : i32
        %dma_start3A_64 = tpu.memref_slice %arg5[%mul3A_2, %dma_start3A_63] : memref<10240x128xf32, #tpu.memory_space<hbm>> -> memref<640x64xf32, #tpu.memory_space<hbm>>
        %dma_start3A_65 = arith.constant 0 : i32
        %dma_start3A_66 = tpu.memref_slice %arg12[%mul3A_2, %dma_start3A_65] : memref<10240x64xf32, #tpu.memory_space<vmem_shared>> -> memref<640x64xf32, #tpu.memory_space<vmem_shared>>
        tpu.enqueue_dma source(%dma_start3A_66 : memref<640x64xf32, #tpu.memory_space<vmem_shared>>) target(%dma_start3A_64 : memref<640x64xf32, #tpu.memory_space<hbm>>) target_semaphore(%run_scoped3A : memref<!tpu.dma_semaphore, #tpu.memory_space<semaphore_mem>>)
        %dma_wait3A = arith.constant 64 : i32
        %dma_wait3A_67 = tpu.memref_slice %arg5[%mul3A_2, %dma_wait3A] : memref<10240x128xf32, #tpu.memory_space<hbm>> -> memref<640x64xf32, #tpu.memory_space<hbm>>
        %dma_wait3A_68 = arith.constant 0 : i32
        %dma_wait3A_69 = tpu.memref_slice %arg12[%mul3A_2, %dma_wait3A_68] : memref<10240x64xf32, #tpu.memory_space<vmem_shared>> -> memref<640x64xf32, #tpu.memory_space<vmem_shared>>
        tpu.wait_dma2 semaphore(%run_scoped3A : memref<!tpu.dma_semaphore, #tpu.memory_space<semaphore_mem>>) src(%dma_wait3A_69 : memref<640x64xf32, #tpu.memory_space<vmem_shared>>) dst(%dma_wait3A_67 : memref<640x64xf32, #tpu.memory_space<hbm>>)
        tpu.yield
      }) : () -> ()
    } else {
    }
    %eq3A_58 = arith.constant 1 : i32
    %eq3A_59 = arith.cmpi eq, %arg0, %eq3A_58 : i32
    %convert_element_type3A_60 = arith.extui %eq3A_59 : i1 to i32
    %cond3A_61 = arith.constant 0 : i32
    %cond3A_62 = arith.cmpi ne, %convert_element_type3A_60, %cond3A_61 : i32
    scf.if %cond3A_62 {
      "tpu.region"() ({
        %run_scoped3A = tpu.sem_alloc : memref<!tpu.dma_semaphore, #tpu.memory_space<semaphore_mem>>
        %dma_start3A_63 = arith.constant 64 : i32
        %dma_start3A_64 = tpu.memref_slice %arg6[%mul3A_2, %dma_start3A_63] : memref<10240x128xf32, #tpu.memory_space<hbm>> -> memref<640x64xf32, #tpu.memory_space<hbm>>
        %dma_start3A_65 = arith.constant 0 : i32
        %dma_start3A_66 = tpu.memref_slice %arg12[%mul3A_2, %dma_start3A_65] : memref<10240x64xf32, #tpu.memory_space<vmem_shared>> -> memref<640x64xf32, #tpu.memory_space<vmem_shared>>
        tpu.enqueue_dma source(%dma_start3A_66 : memref<640x64xf32, #tpu.memory_space<vmem_shared>>) target(%dma_start3A_64 : memref<640x64xf32, #tpu.memory_space<hbm>>) target_semaphore(%run_scoped3A : memref<!tpu.dma_semaphore, #tpu.memory_space<semaphore_mem>>)
        %dma_wait3A = arith.constant 64 : i32
        %dma_wait3A_67 = tpu.memref_slice %arg6[%mul3A_2, %dma_wait3A] : memref<10240x128xf32, #tpu.memory_space<hbm>> -> memref<640x64xf32, #tpu.memory_space<hbm>>
        %dma_wait3A_68 = arith.constant 0 : i32
        %dma_wait3A_69 = tpu.memref_slice %arg12[%mul3A_2, %dma_wait3A_68] : memref<10240x64xf32, #tpu.memory_space<vmem_shared>> -> memref<640x64xf32, #tpu.memory_space<vmem_shared>>
        tpu.wait_dma2 semaphore(%run_scoped3A : memref<!tpu.dma_semaphore, #tpu.memory_space<semaphore_mem>>) src(%dma_wait3A_69 : memref<640x64xf32, #tpu.memory_space<vmem_shared>>) dst(%dma_wait3A_67 : memref<640x64xf32, #tpu.memory_space<hbm>>)
        tpu.yield
      }) : () -> ()
    } else {
    }
    return
  }
}

module attributes {stable_mosaic.version = 14 : i64} {
  func.func @_tc_pre1_body(%arg0: i32, %arg1: memref<256x128xf32, #tpu.memory_space<vmem>>, %arg2: memref<256x128xf32, #tpu.memory_space<vmem>>, %arg3: memref<1x256xf32, #tpu.memory_space<vmem>>, %arg4: memref<256x256xf32, #tpu.memory_space<vmem>>) attributes {dimension_semantics = [#tpu.dimension_semantics<arbitrary>], iteration_bounds = array<i64: 40>, scalar_prefetch = 0 : i64, scratch_operands = 0 : i64, tpu.core_type = #tpu.core_type<tc>, window_params = [{transform_indices = @transform_0, window_bounds = array<i64: 256, 128>}, {pipeline_mode = #tpu.pipeline_mode<synchronous>, transform_indices = @transform_1, window_bounds = array<i64: 256, 128>}, {pipeline_mode = #tpu.pipeline_mode<synchronous>, transform_indices = @transform_2, window_bounds = array<i64: 1, 256>}, {transform_indices = @transform_3, window_bounds = array<i64: 256, 256>}]} {
    %get3A = arith.constant 0 : index
    %get3A_0 = arith.constant 0 : index
    %get3A_1 = vector.load %arg1[%get3A, %get3A_0] : memref<256x128xf32, #tpu.memory_space<vmem>>, vector<256x128xf32>
    %get3A_2 = arith.constant 0 : index
    %get3A_3 = arith.constant 0 : index
    %get3A_4 = vector.load %arg2[%get3A_2, %get3A_3] : memref<256x128xf32, #tpu.memory_space<vmem>>, vector<256x128xf32>
    %dot_general3A = arith.constant dense<0.000000e+00> : vector<256x256xf32>
    %dot_general3A_5 = tpu.matmul %get3A_1, %get3A_4, %dot_general3A {dimension_numbers = #tpu.dot_dimension_numbers<[1], [1], [0], [0], [0, 0, 1, 0], [], []>, transpose_lhs_hint = false} : vector<256x128xf32>, vector<256x128xf32>, vector<256x256xf32> -> vector<256x256xf32>
    %get3A_6 = arith.constant 0 : index
    %get3A_7 = arith.constant 0 : index
    %get3A_8 = vector.load %arg3[%get3A_6, %get3A_7] : memref<1x256xf32, #tpu.memory_space<vmem>>, vector<1x256xf32>
    %add3A = vector.broadcast %get3A_8 : vector<1x256xf32> to vector<256x256xf32>
    %add3A_9 = arith.addf %dot_general3A_5, %add3A : vector<256x256xf32>
    %swap3A = arith.constant 0 : index
    %swap3A_10 = arith.constant 0 : index
    %swap3A_11 = vector.load %arg4[%swap3A, %swap3A_10] : memref<256x256xf32, #tpu.memory_space<vmem>>, vector<256x256xf32>
    tpu.vector_store %arg4[%swap3A, %swap3A_10], %add3A_9 {strides = array<i32>} : memref<256x256xf32, #tpu.memory_space<vmem>>, vector<256x256xf32>,
    return
  }
  func.func @transform_0(%arg0: i32) -> (i32, i32) {
    %c0_i32 = arith.constant 0 : i32
    %c0_i32_0 = arith.constant 0 : i32
    return %arg0, %c0_i32 : i32, i32
  }
  func.func @transform_1(%arg0: i32) -> (i32, i32) {
    %c0_i32 = arith.constant 0 : i32
    %c0_i32_0 = arith.constant 0 : i32
    %c0_i32_1 = arith.constant 0 : i32
    return %c0_i32, %c0_i32_0 : i32, i32
  }
  func.func @transform_2(%arg0: i32) -> (i32, i32) {
    %c0_i32 = arith.constant 0 : i32
    %c0_i32_0 = arith.constant 0 : i32
    %c0_i32_1 = arith.constant 0 : i32
    return %c0_i32, %c0_i32_0 : i32, i32
  }
  func.func @transform_3(%arg0: i32) -> (i32, i32) {
    %c0_i32 = arith.constant 0 : i32
    %c0_i32_0 = arith.constant 0 : i32
    return %arg0, %c0_i32 : i32, i32
  }
}

module attributes {stable_mosaic.version = 14 : i64} {
  func.func @_tc1_body(%arg0: i32, %arg1: memref<256x256xf32, #tpu.memory_space<vmem>>, %arg2: memref<256x128xf32, #tpu.memory_space<vmem>>, %arg3: memref<256x128xf32, #tpu.memory_space<vmem>>, %arg4: memref<32x256xf32, #tpu.memory_space<vmem>>, %arg5: memref<256x128xf32, #tpu.memory_space<vmem>>, %arg6: memref<128x256xf32, #tpu.memory_space<vmem>>, %arg7: memref<256x256xf32, #tpu.memory_space<vmem>>, %arg8: memref<256x128xf32, #tpu.memory_space<vmem>>, %arg9: memref<1x1x256xf32, #tpu.memory_space<vmem>>) attributes {dimension_semantics = [#tpu.dimension_semantics<arbitrary>], iteration_bounds = array<i64: 40>, scalar_prefetch = 0 : i64, scratch_operands = 0 : i64, tpu.core_type = #tpu.core_type<tc>, window_params = [{transform_indices = @transform_0, window_bounds = array<i64: 256, 256>}, {transform_indices = @transform_1, window_bounds = array<i64: 256, 128>}, {transform_indices = @transform_2, window_bounds = array<i64: 256, 128>}, {transform_indices = @transform_3, window_bounds = array<i64: 32, 256>}, {pipeline_mode = #tpu.pipeline_mode<synchronous>, transform_indices = @transform_4, window_bounds = array<i64: 256, 128>}, {pipeline_mode = #tpu.pipeline_mode<synchronous>, transform_indices = @transform_5, window_bounds = array<i64: 128, 256>}, {transform_indices = @transform_6, window_bounds = array<i64: 256, 256>}, {transform_indices = @transform_7, window_bounds = array<i64: 256, 128>}, {transform_indices = @transform_8, window_bounds = array<i64: 1, 1, 256>}]} {
    %get3A = arith.constant 0 : index
    %get3A_0 = arith.constant 0 : index
    %get3A_1 = vector.load %arg4[%get3A, %get3A_0] : memref<32x256xf32, #tpu.memory_space<vmem>>, vector<32x256xf32>
    %reduce_sum3A = arith.constant dense<0.000000e+00> : vector<256xf32>
    %reduce_sum3A_2 = vector.multi_reduction <add>, %get3A_1, %reduce_sum3A [0] : vector<32x256xf32> to vector<256xf32>
    %reshape3A = vector.shape_cast %reduce_sum3A_2 : vector<256xf32> to vector<1x256xf32>
    %max3A = arith.constant 1.000000e+00 : f32
    %max3A_3 = vector.broadcast %max3A : f32 to vector<1x256xf32>
    %max3A_4 = arith.maximumf %reshape3A, %max3A_3 : vector<1x256xf32>
    %div3A = arith.constant 1.000000e+00 : f32
    %div3A_5 = vector.broadcast %div3A : f32 to vector<1x256xf32>
    %div3A_6 = arith.divf %div3A_5, %max3A_4 : vector<1x256xf32>
    %reshape3A_7 = vector.shape_cast %div3A_6 : vector<1x256xf32> to vector<1x1x256xf32>
    %swap3A = arith.constant 0 : index
    %swap3A_8 = arith.constant 0 : index
    %swap3A_9 = arith.constant 0 : index
    %swap3A_10 = vector.load %arg9[%swap3A, %swap3A_8, %swap3A_9] : memref<1x1x256xf32, #tpu.memory_space<vmem>>, vector<1x1x256xf32>
    tpu.vector_store %arg9[%swap3A, %swap3A_8, %swap3A_9], %reshape3A_7 {strides = array<i32>} : memref<1x1x256xf32, #tpu.memory_space<vmem>>, vector<1x1x256xf32>,
    %get3A_11 = arith.constant 0 : index
    %get3A_12 = arith.constant 0 : index
    %get3A_13 = vector.load %arg2[%get3A_11, %get3A_12] : memref<256x128xf32, #tpu.memory_space<vmem>>, vector<256x128xf32>
    %get3A_14 = arith.constant 0 : index
    %get3A_15 = arith.constant 0 : index
    %get3A_16 = vector.load %arg3[%get3A_14, %get3A_15] : memref<256x128xf32, #tpu.memory_space<vmem>>, vector<256x128xf32>
    %add3A = arith.addf %get3A_13, %get3A_16 : vector<256x128xf32>
    %iota3A = tpu.iota {dimensions = array<i32: 0>} : vector<256x256xi32>
    %iota3A_17 = tpu.iota {dimensions = array<i32: 1>} : vector<256x256xi32>
    %add3A_18 = arith.constant 0 : i32
    %add3A_19 = vector.broadcast %add3A_18 : i32 to vector<256x256xi32>
    %add3A_20 = arith.addi %iota3A, %add3A_19 : vector<256x256xi32>
    %eq3A = arith.cmpi eq, %add3A_20, %iota3A_17 : vector<256x256xi32>
    %convert_element_type3A = arith.extui %eq3A : vector<256x256xi1> to vector<256x256xi32>
    %convert_element_type3A_21 = arith.sitofp %convert_element_type3A : vector<256x256xi32> to vector<256x256xf32>
    %mul3A = vector.broadcast %div3A_6 : vector<1x256xf32> to vector<256x256xf32>
    %mul3A_22 = arith.mulf %convert_element_type3A_21, %mul3A : vector<256x256xf32>
    %dot_general3A = arith.constant dense<0.000000e+00> : vector<256x128xf32>
    %dot_general3A_23 = tpu.matmul %mul3A_22, %add3A, %dot_general3A {dimension_numbers = #tpu.dot_dimension_numbers<[1], [0], [0], [1], [0, 0, 1, 1], [], []>, transpose_lhs_hint = false} : vector<256x256xf32>, vector<256x128xf32>, vector<256x128xf32> -> vector<256x128xf32>
    %get3A_24 = arith.constant 0 : index
    %get3A_25 = arith.constant 0 : index
    %get3A_26 = vector.load %arg5[%get3A_24, %get3A_25] : memref<256x128xf32, #tpu.memory_space<vmem>>, vector<256x128xf32>
    %dot_general3A_27 = arith.constant dense<0.000000e+00> : vector<256x256xf32>
    %dot_general3A_28 = tpu.matmul %dot_general3A_23, %get3A_26, %dot_general3A_27 {dimension_numbers = #tpu.dot_dimension_numbers<[1], [1], [0], [0], [0, 0, 1, 0], [], []>, transpose_lhs_hint = false} : vector<256x128xf32>, vector<256x128xf32>, vector<256x256xf32> -> vector<256x256xf32>
    %get3A_29 = arith.constant 0 : index
    %get3A_30 = arith.constant 0 : index
    %get3A_31 = vector.load %arg1[%get3A_29, %get3A_30] : memref<256x256xf32, #tpu.memory_space<vmem>>, vector<256x256xf32>
    %add3A_32 = arith.addf %dot_general3A_28, %get3A_31 : vector<256x256xf32>
    %max3A_33 = arith.constant 0.000000e+00 : f32
    %max3A_34 = vector.broadcast %max3A_33 : f32 to vector<256x256xf32>
    %max3A_35 = arith.maximumf %add3A_32, %max3A_34 : vector<256x256xf32>
    %swap3A_36 = arith.constant 0 : index
    %swap3A_37 = arith.constant 0 : index
    %swap3A_38 = vector.load %arg7[%swap3A_36, %swap3A_37] : memref<256x256xf32, #tpu.memory_space<vmem>>, vector<256x256xf32>
    tpu.vector_store %arg7[%swap3A_36, %swap3A_37], %max3A_35 {strides = array<i32>} : memref<256x256xf32, #tpu.memory_space<vmem>>, vector<256x256xf32>,
    %get3A_39 = arith.constant 0 : index
    %get3A_40 = arith.constant 0 : index
    %get3A_41 = vector.load %arg6[%get3A_39, %get3A_40] : memref<128x256xf32, #tpu.memory_space<vmem>>, vector<128x256xf32>
    %dot_general3A_42 = arith.constant dense<0.000000e+00> : vector<256x128xf32>
    %dot_general3A_43 = tpu.matmul %max3A_35, %get3A_41, %dot_general3A_42 {dimension_numbers = #tpu.dot_dimension_numbers<[1], [1], [0], [0], [0, 0, 1, 0], [], []>, transpose_lhs_hint = false} : vector<256x256xf32>, vector<128x256xf32>, vector<256x128xf32> -> vector<256x128xf32>
    %swap3A_44 = arith.constant 0 : index
    %swap3A_45 = arith.constant 0 : index
    %swap3A_46 = vector.load %arg8[%swap3A_44, %swap3A_45] : memref<256x128xf32, #tpu.memory_space<vmem>>, vector<256x128xf32>
    tpu.vector_store %arg8[%swap3A_44, %swap3A_45], %dot_general3A_43 {strides = array<i32>} : memref<256x128xf32, #tpu.memory_space<vmem>>, vector<256x128xf32>,
    return
  }
  func.func @transform_0(%arg0: i32) -> (i32, i32) {
    %c0_i32 = arith.constant 0 : i32
    %c0_i32_0 = arith.constant 0 : i32
    return %arg0, %c0_i32 : i32, i32
  }
  func.func @transform_1(%arg0: i32) -> (i32, i32) {
    %c0_i32 = arith.constant 0 : i32
    %c0_i32_0 = arith.constant 0 : i32
    return %arg0, %c0_i32 : i32, i32
  }
  func.func @transform_2(%arg0: i32) -> (i32, i32) {
    %c0_i32 = arith.constant 0 : i32
    %c0_i32_0 = arith.constant 0 : i32
    return %arg0, %c0_i32 : i32, i32
  }
  func.func @transform_3(%arg0: i32) -> (i32, i32) {
    %c0_i32 = arith.constant 0 : i32
    %c0_i32_0 = arith.constant 0 : i32
    return %c0_i32, %arg0 : i32, i32
  }
  func.func @transform_4(%arg0: i32) -> (i32, i32) {
    %c0_i32 = arith.constant 0 : i32
    %c0_i32_0 = arith.constant 0 : i32
    %c0_i32_1 = arith.constant 0 : i32
    return %c0_i32, %c0_i32_0 : i32, i32
  }
  func.func @transform_5(%arg0: i32) -> (i32, i32) {
    %c0_i32 = arith.constant 0 : i32
    %c0_i32_0 = arith.constant 0 : i32
    %c0_i32_1 = arith.constant 0 : i32
    return %c0_i32, %c0_i32_0 : i32, i32
  }
  func.func @transform_6(%arg0: i32) -> (i32, i32) {
    %c0_i32 = arith.constant 0 : i32
    %c0_i32_0 = arith.constant 0 : i32
    return %arg0, %c0_i32 : i32, i32
  }
  func.func @transform_7(%arg0: i32) -> (i32, i32) {
    %c0_i32 = arith.constant 0 : i32
    %c0_i32_0 = arith.constant 0 : i32
    return %arg0, %c0_i32 : i32, i32
  }
  func.func @transform_8(%arg0: i32) -> (i32, i32, i32) {
    %c0_i32 = arith.constant 0 : i32
    %c0_i32_0 = arith.constant 0 : i32
    %c0_i32_1 = arith.constant 0 : i32
    return %arg0, %c0_i32, %c0_i32_0 : i32, i32, i32
  }
}

module attributes {stable_mosaic.version = 14 : i64} {
  func.func @_tc2_body(%arg0: i32, %arg1: memref<256x128xf32, #tpu.memory_space<vmem>>, %arg2: memref<256x128xf32, #tpu.memory_space<vmem>>, %arg3: memref<1x1x256xf32, #tpu.memory_space<vmem>>, %arg4: memref<256x128xf32, #tpu.memory_space<vmem>>, %arg5: memref<256x128xf32, #tpu.memory_space<vmem>>) attributes {dimension_semantics = [#tpu.dimension_semantics<arbitrary>], iteration_bounds = array<i64: 40>, scalar_prefetch = 0 : i64, scratch_operands = 0 : i64, tpu.core_type = #tpu.core_type<tc>, window_params = [{transform_indices = @transform_0, window_bounds = array<i64: 256, 128>}, {transform_indices = @transform_1, window_bounds = array<i64: 256, 128>}, {transform_indices = @transform_2, window_bounds = array<i64: 1, 1, 256>}, {transform_indices = @transform_3, window_bounds = array<i64: 256, 128>}, {transform_indices = @transform_4, window_bounds = array<i64: 256, 128>}]} {
    %get3A = arith.constant 0 : index
    %get3A_0 = arith.constant 0 : index
    %get3A_1 = arith.constant 0 : index
    %get3A_2 = vector.load %arg3[%get3A, %get3A_0, %get3A_1] : memref<1x1x256xf32, #tpu.memory_space<vmem>>, vector<1x1x256xf32>
    %reshape3A = vector.shape_cast %get3A_2 : vector<1x1x256xf32> to vector<1x256xf32>
    %get3A_3 = arith.constant 0 : index
    %get3A_4 = arith.constant 0 : index
    %get3A_5 = vector.load %arg1[%get3A_3, %get3A_4] : memref<256x128xf32, #tpu.memory_space<vmem>>, vector<256x128xf32>
    %get3A_6 = arith.constant 0 : index
    %get3A_7 = arith.constant 0 : index
    %get3A_8 = vector.load %arg2[%get3A_6, %get3A_7] : memref<256x128xf32, #tpu.memory_space<vmem>>, vector<256x128xf32>
    %add3A = arith.addf %get3A_5, %get3A_8 : vector<256x128xf32>
    %iota3A = tpu.iota {dimensions = array<i32: 0>} : vector<256x256xi32>
    %iota3A_9 = tpu.iota {dimensions = array<i32: 1>} : vector<256x256xi32>
    %add3A_10 = arith.constant 0 : i32
    %add3A_11 = vector.broadcast %add3A_10 : i32 to vector<256x256xi32>
    %add3A_12 = arith.addi %iota3A, %add3A_11 : vector<256x256xi32>
    %eq3A = arith.cmpi eq, %add3A_12, %iota3A_9 : vector<256x256xi32>
    %convert_element_type3A = arith.extui %eq3A : vector<256x256xi1> to vector<256x256xi32>
    %convert_element_type3A_13 = arith.sitofp %convert_element_type3A : vector<256x256xi32> to vector<256x256xf32>
    %mul3A = vector.broadcast %reshape3A : vector<1x256xf32> to vector<256x256xf32>
    %mul3A_14 = arith.mulf %convert_element_type3A_13, %mul3A : vector<256x256xf32>
    %dot_general3A = arith.constant dense<0.000000e+00> : vector<256x128xf32>
    %dot_general3A_15 = tpu.matmul %mul3A_14, %add3A, %dot_general3A {dimension_numbers = #tpu.dot_dimension_numbers<[1], [0], [0], [1], [0, 0, 1, 1], [], []>, transpose_lhs_hint = false} : vector<256x256xf32>, vector<256x128xf32>, vector<256x128xf32> -> vector<256x128xf32>
    %get3A_16 = arith.constant 0 : index
    %get3A_17 = arith.constant 0 : index
    %get3A_18 = vector.load %arg4[%get3A_16, %get3A_17] : memref<256x128xf32, #tpu.memory_space<vmem>>, vector<256x128xf32>
    %add3A_19 = arith.addf %dot_general3A_15, %get3A_18 : vector<256x128xf32>
    %swap3A = arith.constant 0 : index
    %swap3A_20 = arith.constant 0 : index
    %swap3A_21 = vector.load %arg5[%swap3A, %swap3A_20] : memref<256x128xf32, #tpu.memory_space<vmem>>, vector<256x128xf32>
    tpu.vector_store %arg5[%swap3A, %swap3A_20], %add3A_19 {strides = array<i32>} : memref<256x128xf32, #tpu.memory_space<vmem>>, vector<256x128xf32>,
    return
  }
  func.func @transform_0(%arg0: i32) -> (i32, i32) {
    %c0_i32 = arith.constant 0 : i32
    %c0_i32_0 = arith.constant 0 : i32
    return %arg0, %c0_i32 : i32, i32
  }
  func.func @transform_1(%arg0: i32) -> (i32, i32) {
    %c0_i32 = arith.constant 0 : i32
    %c0_i32_0 = arith.constant 0 : i32
    return %arg0, %c0_i32 : i32, i32
  }
  func.func @transform_2(%arg0: i32) -> (i32, i32, i32) {
    %c0_i32 = arith.constant 0 : i32
    %c0_i32_0 = arith.constant 0 : i32
    %c0_i32_1 = arith.constant 0 : i32
    return %arg0, %c0_i32, %c0_i32_0 : i32, i32, i32
  }
  func.func @transform_3(%arg0: i32) -> (i32, i32) {
    %c0_i32 = arith.constant 0 : i32
    %c0_i32_0 = arith.constant 0 : i32
    return %arg0, %c0_i32 : i32, i32
  }
  func.func @transform_4(%arg0: i32) -> (i32, i32) {
    %c0_i32 = arith.constant 0 : i32
    %c0_i32_0 = arith.constant 0 : i32
    return %arg0, %c0_i32 : i32, i32
  }
}

module attributes {stable_mosaic.version = 14 : i64} {
  func.func @_tc_pre2_body(%arg0: i32, %arg1: memref<256x256xf32, #tpu.memory_space<vmem>>, %arg2: memref<128x256xf32, #tpu.memory_space<vmem>>, %arg3: memref<1x128xf32, #tpu.memory_space<vmem>>, %arg4: memref<256x128xf32, #tpu.memory_space<vmem>>) attributes {dimension_semantics = [#tpu.dimension_semantics<arbitrary>], iteration_bounds = array<i64: 40>, scalar_prefetch = 0 : i64, scratch_operands = 0 : i64, tpu.core_type = #tpu.core_type<tc>, window_params = [{transform_indices = @transform_0, window_bounds = array<i64: 256, 256>}, {pipeline_mode = #tpu.pipeline_mode<synchronous>, transform_indices = @transform_1, window_bounds = array<i64: 128, 256>}, {pipeline_mode = #tpu.pipeline_mode<synchronous>, transform_indices = @transform_2, window_bounds = array<i64: 1, 128>}, {transform_indices = @transform_3, window_bounds = array<i64: 256, 128>}]} {
    %get3A = arith.constant 0 : index
    %get3A_0 = arith.constant 0 : index
    %get3A_1 = vector.load %arg1[%get3A, %get3A_0] : memref<256x256xf32, #tpu.memory_space<vmem>>, vector<256x256xf32>
    %get3A_2 = arith.constant 0 : index
    %get3A_3 = arith.constant 0 : index
    %get3A_4 = vector.load %arg2[%get3A_2, %get3A_3] : memref<128x256xf32, #tpu.memory_space<vmem>>, vector<128x256xf32>
    %dot_general3A = arith.constant dense<0.000000e+00> : vector<256x128xf32>
    %dot_general3A_5 = tpu.matmul %get3A_1, %get3A_4, %dot_general3A {dimension_numbers = #tpu.dot_dimension_numbers<[1], [1], [0], [0], [0, 0, 1, 0], [], []>, transpose_lhs_hint = false} : vector<256x256xf32>, vector<128x256xf32>, vector<256x128xf32> -> vector<256x128xf32>
    %get3A_6 = arith.constant 0 : index
    %get3A_7 = arith.constant 0 : index
    %get3A_8 = vector.load %arg3[%get3A_6, %get3A_7] : memref<1x128xf32, #tpu.memory_space<vmem>>, vector<1x128xf32>
    %add3A = vector.broadcast %get3A_8 : vector<1x128xf32> to vector<256x128xf32>
    %add3A_9 = arith.addf %dot_general3A_5, %add3A : vector<256x128xf32>
    %swap3A = arith.constant 0 : index
    %swap3A_10 = arith.constant 0 : index
    %swap3A_11 = vector.load %arg4[%swap3A, %swap3A_10] : memref<256x128xf32, #tpu.memory_space<vmem>>, vector<256x128xf32>
    tpu.vector_store %arg4[%swap3A, %swap3A_10], %add3A_9 {strides = array<i32>} : memref<256x128xf32, #tpu.memory_space<vmem>>, vector<256x128xf32>,
    return
  }
  func.func @transform_0(%arg0: i32) -> (i32, i32) {
    %c0_i32 = arith.constant 0 : i32
    %c0_i32_0 = arith.constant 0 : i32
    return %arg0, %c0_i32 : i32, i32
  }
  func.func @transform_1(%arg0: i32) -> (i32, i32) {
    %c0_i32 = arith.constant 0 : i32
    %c0_i32_0 = arith.constant 0 : i32
    %c0_i32_1 = arith.constant 0 : i32
    return %c0_i32, %c0_i32_0 : i32, i32
  }
  func.func @transform_2(%arg0: i32) -> (i32, i32) {
    %c0_i32 = arith.constant 0 : i32
    %c0_i32_0 = arith.constant 0 : i32
    %c0_i32_1 = arith.constant 0 : i32
    return %c0_i32, %c0_i32_0 : i32, i32
  }
  func.func @transform_3(%arg0: i32) -> (i32, i32) {
    %c0_i32 = arith.constant 0 : i32
    %c0_i32_0 = arith.constant 0 : i32
    return %arg0, %c0_i32 : i32, i32
  }
}

</mosaic_0001>

<sc_bundles>
// kernel: kernel.11.cloned.1.call-start
scs
__scs_entry_jumppad:
0x0: {  	(pc) =	sbr.rel $0x88, $3  }
0x1: {  	(tag) =	ssettag $0x0;
	lr =	simm.s32 $0x1  }
0x2: {  	[smem:$0x3F99] =	sst lr;
	_ =	strace $0xD0000000  }
0x3: {  	_ = 	snop  }
0x4: {  	_ = 	snop  }
0x5: {  	_ = 	snop  }
0x6: {  	_ = 	snop  }
0x7: {  	_ = 	snop  }
__scs_overlays_trampoline_lowered:
0x8: {  	[smem:$0x3FA8] =	sst s0  }
0x9: {  	[smem:$0x3FA9] =	sst s1  }
0xa: {  	[smem:$0x3FAA] =	sst s2  }
0xb: {  	[smem:$0x3FAB] =	sst s3  }
0xc: {  	[smem:$0x3FAC] =	sst s4  }
0xd: {  	[smem:$0x3FAD] =	sst s5  }
0xe: {  	[smem:$0x3FAE] =	sst s6  }
0xf: {  	[smem:$0x3FAF] =	sst s7  }
0x10: {  	[smem:$0x3FB0] =	sst s8  }
0x11: {  	[smem:$0x3FB1] =	sst s9;
	s0 =	simm.s32 @!p0 $0x0  }
0x12: {  	s1 =	sld [smem:$0x3F97];
	s0 =	simm.s32 @p0 $0x1  }
0x13: {  	[smem:$0x3FB2] =	sst s0;
	s0 =	simm.s32 @!p1 $0x0  }
0x14: {  	s2 =	sld [smem:$0x3F96];
	s0 =	simm.s32 @p1 $0x1  }
0x15: {  	[smem:$0x3FB3] =	sst s0;
	s0 =	simm.s32 @!p2 $0x0  }
0x16: {  	s3 =	sld [smem:$0x3FDB];
	s0 =	simm.s32 @p2 $0x1  }
0x17: {  	s4 =	simm.s32 $0x1BF5;
	[smem:$0x3FB5] =	sst s0  }
0x18: {  	s0 =	sld [smem:$0x3F98];
	_ =	swait.ge [sflag:s4], $0x0  }
0x19: {  	s7 =	sld [smem:$0x3F99]  }
0x1a: {  	s8 =	sadd.s32 $0xFFFFE003, lr  }
0x1b: {  	s9 =	sadd.s32 $0xFFFFFEF7, lr;
	s5 =	simm.s32 $0xFFFFFFFF;
	p2 =	slt.u32 s8, $0xFFFFF086  }
0x1c: {  	p1 =	slt.u32 s9, $0xF7A;
	s5 =	simm.s32 @!p2 $0x0  }
0x1d: {  	s5 =	simm.s32 @p1 $0x1;
	p0 =	seq.s32 s7, s2  }
0x1e: {  	s7 =	smul.u32 @!p0 $0xF7A, s2;
	p2 =	seq.s32 @!p0 s5, $0x0  }
0x1f: {  	s9 =	smul.u32 $0xF7A, s1;
	s8 =	simm.s32 @!p0 $0x1BF5;
	p2 =	por !p2, p0  }
0x20: {  	[sflag:s8] =	ssyncset.s32 @!p0 $0xFFFFF086;
	s6 =	sadd.s32 @!p0 s3, s7;
	s7 =	simm.s32 @!p0 $0x108  }
0x21: {  	s3 =	sadd.s32 s3, s9;
	s6 =	sadd.s32 @!p0 $0x88, s6;
	s7 =	simm.s32 @p2 $0x1082  }
0x22: {  	[simem:s7], [sflag:s8] =	dma.local @!p0 [hbm:s6], $0xF7A  }
0x23: {  	s9 =	sor.u32 $0xD0000000, s2;
	s6 =	simm.s32 $0x108;
	_ =	swait.ge @!p0 [sflag:s8], $0x0  }
0x24: {  	s3 =	sadd.s32 $0x88, s3;
	s6 =	simm.s32 @!p1 $0x1082;
	[sflag:s4] =	ssyncset.s32 $0xFFFFF086  }
0x25: {  	[simem:s6], [sflag:s4] =	dma.local [hbm:s3], $0xF7A  }
0x26: {  	[smem:$0x3F99] =	sst s1;
	(tag) =	ssettag s2;
	_ =	strace s9  }
0x27: {  	s1 =	sld [smem:$0x3FA9]  }
0x28: {  	s2 =	sld [smem:$0x3FAA]  }
0x29: {  	s4 =	sld [smem:$0x3FAC]  }
0x2a: {  	p0 =	seq.s32 s5, $0x0;
	s5 =	sld [smem:$0x3FAD]  }
0x2b: {  	s6 =	sld [smem:$0x3FAE]  }
0x2c: {  	s7 =	sld [smem:$0x3FAF]  }
0x2d: {  	s3 =	simm.s32 $0x108;
	s8 =	sld [smem:$0x3FB0]  }
0x2e: {  	s3 =	simm.s32 @!p0 $0x1082;
	s9 =	sld [smem:$0x3FB1]  }
0x2f: {  	lr =	sadd.s32 s0, s3;
	s0 =	sld [smem:$0x3FA8]  }
0x30: {  	s3 =	sld [smem:$0x3FAB]  }
0x31: {  	[smem:$0x3FB4] =	sst s10  }
0x32: {  	s10 =	sld [smem:$0x3FB2];
	_ =	sdelay $0x3  }
0x33: {  	p0 =	seq.s32 s10, $0x1;
	s10 =	sld [smem:$0x3FB4];
	_ =	sdelay $0x3  }
0x34: {  	[smem:$0x3FB4] =	sst s10  }
0x35: {  	s10 =	sld [smem:$0x3FB3];
	_ =	sdelay $0x3  }
0x36: {  	p1 =	seq.s32 s10, $0x1;
	s10 =	sld [smem:$0x3FB4];
	_ =	sdelay $0x3  }
0x37: {  	[smem:$0x3FB4] =	sst s10  }
0x38: {  	s10 =	sld [smem:$0x3FB5]  }
0x39: {  	_ = 	snop;
	(pc) =	sbr.ind lr, $3  }
0x3a: {  	_ = 	snop  }
0x3b: {  	_ = 	snop  }
0x3c: {  	p2 =	seq.s32 s10, $0x1;
	s10 =	sld [smem:$0x3FB4]  }
0x3d: {  	_ =	shalt  }
0x3e: {  	_ =	shalt  }
0x3f: {  	_ =	shalt  }
0x40: {  	_ =	shalt  }
0x41: {  	_ =	shalt  }
0x42: {  	_ =	shalt  }
0x43: {  	_ =	shalt  }
0x44: {  	_ =	shalt  }
0x45: {  	_ =	shalt  }
0x46: {  	_ =	shalt  }
0x47: {  	_ =	shalt  }
0x48: {  	_ =	shalt  }
0x49: {  	_ =	shalt  }
0x4a: {  	_ =	shalt  }
0x4b: {  	_ =	shalt  }
0x4c: {  	_ =	shalt  }
0x4d: {  	_ =	shalt  }
0x4e: {  	_ =	shalt  }
0x4f: {  	_ =	shalt  }
0x50: {  	_ =	shalt  }
0x51: {  	_ =	shalt  }
0x52: {  	_ =	shalt  }
0x53: {  	_ =	shalt  }
0x54: {  	_ =	shalt  }
0x55: {  	_ =	shalt  }
0x56: {  	_ =	shalt  }
0x57: {  	_ =	shalt  }
0x58: {  	_ =	shalt  }
0x59: {  	_ =	shalt  }
0x5a: {  	_ =	shalt  }
0x5b: {  	_ =	shalt  }
0x5c: {  	_ =	shalt  }
0x5d: {  	_ =	shalt  }
0x5e: {  	_ =	shalt  }
0x5f: {  	_ =	shalt  }
0x60: {  	_ =	shalt  }
0x61: {  	_ =	shalt  }
0x62: {  	_ =	shalt  }
0x63: {  	_ =	shalt  }
0x64: {  	_ =	shalt  }
0x65: {  	_ =	shalt  }
0x66: {  	_ =	shalt  }
0x67: {  	_ =	shalt  }
0x68: {  	_ =	shalt  }
0x69: {  	_ =	shalt  }
0x6a: {  	_ =	shalt  }
0x6b: {  	_ =	shalt  }
0x6c: {  	_ =	shalt  }
0x6d: {  	_ =	shalt  }
0x6e: {  	_ =	shalt  }
0x6f: {  	_ =	shalt  }
0x70: {  	_ =	shalt  }
0x71: {  	_ =	shalt  }
0x72: {  	_ =	shalt  }
0x73: {  	_ =	shalt  }
0x74: {  	_ =	shalt  }
0x75: {  	_ =	shalt  }
0x76: {  	_ =	shalt  }
0x77: {  	_ =	shalt  }
0x78: {  	_ =	shalt  }
0x79: {  	_ =	shalt  }
0x7a: {  	_ =	shalt  }
0x7b: {  	_ =	shalt  }
0x7c: {  	_ =	shalt  }
0x7d: {  	_ =	shalt  }
0x7e: {  	_ =	shalt  }
0x7f: {  	_ =	shalt  }
0x80: {  	_ =	shalt  }
0x81: {  	_ =	shalt  }
0x82: {  	_ =	shalt  }
0x83: {  	_ =	shalt  }
0x84: {  	_ =	shalt  }
0x85: {  	_ =	shalt  }
0x86: {  	_ =	shalt  }
0x87: {  	_ =	shalt  }
.Lfunc_end0:
.L_simem_size_0:
called_computation.1_lowered:
.L_overlay_start_0:
0x88: {  	s2 =	sld [smem:$0x3FD9]  }
0x89: {  	s3 =	sld [smem:$0x3FFE];
	_ =	sdelay $0x1  }
0x8a: {  	s1 =	srdreg.scid  }
0x8b: {  	s0 =	sand.u32 $0x1, s1  }
0x8c: {  	s17 =	sshll.u32 s0, $0xA;
	s2 =	sadd.s32 s3, s2  }
0x8d: {  	s2 =	sadd.s32 s2, s17  }
0x8e: {  	[smem:$0x3FC0] =	sst s2  }
0x8f: {  	_ = 	snop  }
0x90: {  	s2 =	sld [smem:$0x3FD0];
	(tm) =	ssettm $0x1  }
0x91: {  	s18 =	sld [smem:$0x3FFB];
	_ =	sdelay $0x3  }
0x92: {  	_ =	strace s18  }
0x93: {  	s3 =	sld [smem:$0x3FFC];
	_ =	sdelay $0x3  }
0x94: {  	_ =	strace s3  }
0x95: {  	s3 =	sld [smem:$0x3FFD];
	_ =	sdelay $0x3  }
0x96: {  	_ =	strace s3  }
0x97: {  	_ =	strace $0x8FFFFFFF  }
0x98: {  	s19 =	sld [smem:$0x3FDB];
	_ =	sdelay $0x1  }
0x99: {  	s4 =	simm.s32 $_scs_section_size  }
0x9a: {  	s5 =	simm.s32 $_size__tile_overlayer_lowered;
	s6 =	simm.s32 $_tile_overlayer_lowered  }
0x9b: {  	s22 =	simm.s32 $0x1BFF;
	s21 =	sshll.u32 s6, $0x1;
	s3 =	sadd.s32 s4, s19  }
0x9c: {  	s7 =	simm.s32 $0x0;
	s20 =	sshll.u32 s5, $0x1;
	s5 =	sadd.s32 s21, s3  }
0x9d: {  	[timem:s7], [sflag:s22] =	dma.local [hbm:s5], s20  }
0x9e: {  	_ =	swait.ge [sflag:s22], s20  }
0x9f: {  	s4 =	ssub.s32 $0x0, s20;
	[sflag:s22] =	ssyncset.done $0x0  }
0xa0: {  	[sflag:s22] =	ssyncadd.s32 s4;
	_ =	sdelay $0x1  }
0xa1: {  	s23 =	simm.s32 $0x1B8B  }
0xa2: {  	_ =	swait.ge [sflag:s23], $0x1  }
0xa3: {  	[sflag:s23] =	ssyncset.done $0x0  }
0xa4: {  	s25 =	simm.s32 $0x1B8E;
	s24 =	sld [smem:$0x3FFE];
	[sflag:s23] =	ssyncadd.s32 $0xFFFFFFFF  }
0xa5: {  	s26 =	simm.s32 $execute0_lowered;
	[smem:$0x3FD2] =	sst s25  }
0xa6: {  	s5 =	sshll.u32 s26, $0x1;
	_ =	strace $0x80000049;
	[dreg:$0x1] =	wrdreg $0xFFFFFFFF  }
0xa7: {  	s28 =	simm.s32 $_size_execute0_lowered;
	s3 =	sadd.s32 s3, s5;
	[dreg:$0x0] =	wrdreg $0x0  }
0xa8: {  	s5 =	sshll.u32 s28, $0x1;
	[dreg:$0x2] =	wrdreg s3  }
0xa9: {  	[dreg:$0x3] =	wrdreg s5  }
0xaa: {  	[dreg:$0x4] =	wrdreg $0xC0  }
0xab: {  	_ =	task [dreg:s7], $0x5FFFF  }
0xac: {  	[dreg:$0x1] =	wrdreg $0xFFFFFFFF  }
0xad: {  	[dreg:$0x0] =	wrdreg $0x60  }
0xae: {  	[dreg:$0x2] =	wrdreg s24  }
0xaf: {  	[dreg:$0x3] =	wrdreg s2  }
0xb0: {  	[dreg:$0x4] =	wrdreg $0xB0000  }
0xb1: {  	[dreg:$0x5] =	wrdreg $0x150000  }
0xb2: {  	[dreg:$0x6] =	wrdreg $0x9  }
0xb3: {  	_ =	task.clear_ibuf [dreg:s7], $0x7FFFF;
	_ =	strace $0x90000049  }
0xb4: {  	s29 =	simm.s32 $0x9;
	_ =	strace $0x8000004B  }
0xb5: {  	_ =	swait.ge [sflag:s29], $0x1  }
0xb6: {  	[sflag:s29] =	ssyncadd.s32 $0xFFFFFFFF  }
0xb7: {  	_ =	strace $0x9000004B  }
0xb8: {  	_ =	sfence  }
0xb9: {  	s30 =	sld [smem:$0x0];
	_ =	sdelay $0x2  }
0xba: {  	s31 =	sshll.u32 s1, $0xD;
	s1 =	sshrl.u32 s1, $0x2  }
0xbb: {  	s3 =	sand.u32 $0x4000, s31;
	s1 =	sadd.s32 s1, s30  }
0xbc: {  	s0 =	sor.u32 s3, s0;
	s1 =	sshll.u32 s1, $0x11  }
0xbd: {  	s0 =	sor.u32 s1, s0  }
0xbe: {  	s0 =	sadd.s32 $0x8F2B, s0  }
0xbf: {  	[sflag:s0] =	ssyncadd.remote.s32 $0x1  }
0xc0: {  	_ =	sfence.sel $0xFFFF  }
0xc1: {  	[dreg:$0x0] =	wrdreg $0xFFFFFFFF;
	(pc) =	sbr.abs _section_cstart, $3  }
0xc2: {  	[dreg:$0x1] =	wrdreg $0xFFFFFFFF  }
0xc3: {  	_ =	task.clear_ibuf [dreg:s7], $0x2FFFF;
	_ =	strace $0x9FFFFFFF  }
0xc4: {  	(tm) =	ssettm $0x7FFFFFFF  }
0xc5: {  	_ =	shalt  }
tec
execute0_lowered:
.L_overlay_start_1:
0x0: {  	(tag) =	ssettag $0x1  }
0x1: {  	s0 =	rddreg [dreg:$0x0]  }
0x2: {  	s1 =	rddreg [dreg:$0x1]  }
0x3: {  	s2 =	rddreg [dreg:$0x2];
	s4 =	srdreg.scid  }
0x4: {  	s13 =	stileid.u32;
	s3 =	rddreg [dreg:$0x3]  }
0x5: {  	s22 =	simm.s32 $0x0;
	s17 =	simm.s32 $0x4;
	s19 =	simm.s32 $0x1  }
0x6: {  	s20 =	simm.s32 $0x8;
	s21 =	simm.s32 $0x10;
	s28 =	simm.s32 $0x2  }
0x7: {  	s29 =	simm.s32 $0x3;
	s30 =	simm.s32 $0x4F00;
	s31 =	simm.s32 $0x4F80  }
0x8: {  	s7 =	sand.u32 $0x1, s4;
	s5 =	sshll.u32 s13, $0x1;
	[smem:$0x7FF] =	sst s22  }
0x9: {  	s9 =	sadd.s32 $0x3A00, s0;
	s12 =	smul.u32 $0xA000, s13;
	s24 =	sadd.s32 $0x9B00, s1  }
0xa: {  	s26 =	smul.u32 $0x2800, s13;
	s22 =	simm.s32 $0x80;
	s8 =	sor.u32 s7, s5  }
0xb: {  	_ =	strace $0x8000004A;
	s5 =	sadd.s32 $0x2BA00, s0;
	s10 =	ssub.s32 $0x2, s7  }
0xc: {  	[dreg:$0x7] =	wrdreg s24;
	p0 =	seq.s32 s7, $0x0;
	s7 =	simm.s32 $0x7CE00  }
0xd: {  	s24 =	simm.s32 $0x7000;
	s6 =	smul.u32 $0x2800, s8;
	s11 =	sshrl.u32 s10, $0x1  }
0xe: {  	s25 =	sadd.s32 s12, s2;
	s16 =	sor.u32 $0x8, s26;
	s7 =	simm.s32 @!p0 $0xA4E00  }
0xf: {  	p0 =	seq.s32 s8, $0x1F;
	s14 =	ssub.s32 s10, s11;
	[dreg:$0x9] =	wrdreg s25  }
0x10: {  	s11 =	sadd.s32 s12, s3;
	s12 =	sadd.s32 s9, s26;
	s13 =	sadd.s32 s9, s16  }
0x11: {  	s0 =	sadd.s32 s7, s0;
	s25 =	simm.s32 $0x9000;
	s6 =	sshrl.u32 s6, $0x3  }
0x12: {  	s14 =	smax.u32 s14, $0x1;
	s15 =	sadd.s32 s0, s26;
	s23 =	sadd.s32 s1, s6  }
0x13: {  	s16 =	sadd.s32 s0, s16;
	s1 =	sadd.s32 $0x13740, s1;
	[dreg:$0x5] =	wrdreg s23  }
0x14: {  	s26 =	simm.s32 $0x5;
	s4 =	sadd.s32 $0x9C40, s23;
	[dreg:$0x8] =	wrdreg s1  }
0x15: {  	v0 =	vimm.s32 $0x0;
	v1 =	vlaneseq.u32;
	s23 =	simm.s32 $0x5000;
	s1 =	simm.s32 $0x0;
	[dreg:$0x6] =	wrdreg s4  }
.LBB2_1:
.Ltmp0:
0x16: {  	(pc) =	sbr.rel @!p0 .LBB2_2-.Ltmp0, $2  }
0x17: {  	_ =	sdelay $0x2  }
0x18: {  	s0 =	simm.s32 $0x0  }
0x19: {  	s4 =	rddreg [dreg:$0x7]  }
0x1a: {  	[tilespmem:s0], [sflag:$0x4] =	stream.linear.gather [hbm4b:s4+s0], $0xA00, $0x38;
	[tilespmem:$0x1F000] =	vst v63  }
0x1b: {  	_ =	swait.ge [sflag:s17], $0xA00  }
0x1c: {  	[sflag:s17] =	ssyncset.done $0x0  }
0x1d: {  	s6 =	simm.s32 $0x2800;
	s18 =	rddreg [dreg:$0x8];
	[sflag:s17] =	ssyncadd.s32 $0xFFFFF600  }
0x1e: {  	[tilespmem:s6], [sflag:$0x4] =	stream.linear.gather [hbm4b:s18+s0], $0xA00, $0x38;
	[tilespmem:$0x1F000] =	vst v63  }
0x1f: {  	s7 =	simm.s32 $0xA00;
	_ =	swait.ge [sflag:s17], $0xA00  }
0x20: {  	v2 =	vor.u32 s7, v1;
	[sflag:s17] =	ssyncset.done $0x0  }
0x21: {  	v2 =	vand.u32 $0x7F, v2;
	[sflag:s17] =	ssyncadd.s32 $0xFFFFF600  }
0x22: {  	s8 =	simm.s32 $0x3200;
	v2 =	vadd.s32 $0x2710, v2;
	[tilespmem:s7+$0x0] =	vst v0  }
0x23: {  	s9 =	simm.s32 $0xA10;
	[tilespmem:s8+$0x0] =	vst v2  }
.LBB2_4:
0x24: {  	p1 =	sne.s32 s9, $0x27F0  }
.Ltmp1:
0x25: {  	_ = 	snop;
	(pc) =	sbr.rel @p1 .LBB2_4-.Ltmp1, $4  }
0x26: {  	v2 =	vor.u32 s9, v1  }
0x27: {  	s7 =	sadd.s32 $0x10, s7;
	v2 =	vand.u32 $0x7F, v2  }
0x28: {  	s8 =	sadd.s32 $0x10, s8;
	[tilespmem:s7+$0x0] =	vst v0;
	v2 =	vadd.s32 $0x2710, v2  }
0x29: {  	s9 =	sadd.s32 $0x10, s9;
	[tilespmem:s8+$0x0] =	vst v2  }
.Ltmp2:
0x2a: {  	_ = 	snop;
	(pc) =	sbr.rel .LBB2_5-.Ltmp2, $1  }
0x2b: {  	_ =	sdelay $0x3  }
.LBB2_2:
0x2c: {  	s4 =	rddreg [dreg:$0x5]  }
0x2d: {  	[tilespmem:s0], [sflag:$0x4] =	stream.linear.gather [hbm4b:s4+s0], $0x2800, $0x38;
	[tilespmem:$0x1F000] =	vst v63  }
0x2e: {  	_ =	swait.ge [sflag:s17], $0x2800  }
0x2f: {  	[sflag:s17] =	ssyncset.done $0x0  }
0x30: {  	s6 =	simm.s32 $0x2800;
	s18 =	rddreg [dreg:$0x6];
	[sflag:s17] =	ssyncadd.s32 $0xFFFFD800  }
0x31: {  	[tilespmem:s6], [sflag:$0x4] =	stream.linear.gather [hbm4b:s18+s0], $0x2800, $0x38;
	[tilespmem:$0x1F000] =	vst v63  }
0x32: {  	_ =	swait.ge [sflag:s17], $0x2800  }
0x33: {  	[sflag:s17] =	ssyncset.done $0x0  }
0x34: {  	[sflag:s17] =	ssyncadd.s32 $0xFFFFD800  }
.LBB2_5:
0x35: {  	s0 =	stileid.u32  }
0x36: {  	s4 =	rddreg [dreg:$0x9];
	s0 =	sshll.u32 s0, $0x6  }
0x37: {  	s8 =	sshrl.u32 s4, $0x3;
	s7 =	sor.u32 $0x1C04, s0  }
0x38: {  	[spmem:s8], [sflag:s7] =	dma.local [hbm:s5], $0x1400  }
0x39: {  	_ =	swait.ge [sflag:s17], $0x1400  }
0x3a: {  	[sflag:s17] =	ssyncset.done $0x0  }
0x3b: {  	s9 =	sshrl.u32 s11, $0x3;
	[sflag:s17] =	ssyncadd.s32 $0xFFFFEC00  }
0x3c: {  	[spmem:s9@s20], [sflag:s7] =	dma.strided [hbm:s12@s21], $0x1400, s19, $0x8   }
0x3d: {  	_ =	swait.ge [sflag:s17], $0x1400  }
0x3e: {  	[sflag:s17] =	ssyncset.done $0x0  }
0x3f: {  	[sflag:s17] =	ssyncadd.s32 $0xFFFFEC00  }
0x40: {  	s6 =	simm.s32 $0x0;
	[bflag:$0x0] =	sbarrier.arrive $0xFFFF  }
0x41: {  	[tilespmem:s23], [sflag:$0x1] =	stream.indirect.gather [spmem:s3], $0x40, s6, s22, $0xb8;
	[tilespmem:$0x1F000] =	vst v63  }
0x42: {  	_ = 	snop  }
0x43: {  	[tilespmem:s24], [sflag:$0x2] =	stream.indirect.gather [spmem:s3], $0x40, s22, s22, $0xb8;
	[tilespmem:$0x1F000] =	vst v63  }
0x44: {  	s10 =	simm.s32 $0x100  }
0x45: {  	[tilespmem:s25], [sflag:$0x3] =	stream.indirect.gather [spmem:s3], $0x40, s10, s22, $0xb8;
	[tilespmem:$0x1F000] =	vst v63  }
0x46: {  	_ =	swait.ge [sflag:s19], $0x2000  }
0x47: {  	[sflag:s19] =	ssyncset.done $0x0  }
0x48: {  	s18 =	simm.s32 $0x2800;
	[sflag:s19] =	ssyncadd.s32 $0xFFFFE000  }
0x49: {  	[spmem:s2] =	stream.indirect.scatter.add.f32 [tilespmem:s23], [sflag:$0x5], $0x40, s18, s22, $0xb8;
	[tilespmem:$0x1F000] =	vst v63  }
0x4a: {  	_ =	swait.ge [sflag:s26], $0x2000  }
0x4b: {  	[sflag:s26] =	ssyncset.done $0x0  }
0x4c: {  	s4 =	simm.s32 $0x180;
	[sflag:s26] =	ssyncadd.s32 $0xFFFFE000  }
0x4d: {  	[tilespmem:s23], [sflag:$0x1] =	stream.indirect.gather [spmem:s3], $0x40, s4, s22, $0xb8;
	[tilespmem:$0x1F000] =	vst v63  }
0x4e: {  	_ =	swait.ge [sflag:s28], $0x2000  }
0x4f: {  	[sflag:s28] =	ssyncset.done $0x0  }
0x50: {  	s6 =	simm.s32 $0x2880;
	[sflag:s28] =	ssyncadd.s32 $0xFFFFE000  }
0x51: {  	[spmem:s2] =	stream.indirect.scatter.add.f32 [tilespmem:s24], [sflag:$0x5], $0x40, s6, s22, $0xb8;
	[tilespmem:$0x1F000] =	vst v63  }
0x52: {  	_ =	swait.ge [sflag:s26], $0x2000  }
0x53: {  	[sflag:s26] =	ssyncset.done $0x0  }
0x54: {  	s10 =	simm.s32 $0x200;
	[sflag:s26] =	ssyncadd.s32 $0xFFFFE000  }
0x55: {  	[tilespmem:s24], [sflag:$0x2] =	stream.indirect.gather [spmem:s3], $0x40, s10, s22, $0xb8;
	[tilespmem:$0x1F000] =	vst v63  }
0x56: {  	_ =	swait.ge [sflag:s29], $0x2000  }
0x57: {  	[sflag:s29] =	ssyncset.done $0x0  }
0x58: {  	s18 =	simm.s32 $0x2900;
	[sflag:s29] =	ssyncadd.s32 $0xFFFFE000  }
0x59: {  	[spmem:s2] =	stream.indirect.scatter.add.f32 [tilespmem:s25], [sflag:$0x4], $0x40, s18, s22, $0xb8;
	[tilespmem:$0x1F000] =	vst v63  }
0x5a: {  	_ =	swait.ge [sflag:s17], $0x2000  }
0x5b: {  	s0 =	simm.s32 $0xC00;
	s18 =	simm.s32 $0x180;
	[sflag:s17] =	ssyncset.done $0x0  }
.LBB2_6:
0x5c: {  	s6 =	sadd.s32 $0x100, s18  }
0x5d: {  	[sflag:s17] =	ssyncadd.s32 $0xFFFFE000;
	s4 =	smov.u32 s0;
	s10 =	sadd.s32 $0x600, s0  }
0x5e: {  	[tilespmem:s25], [sflag:$0x3] =	stream.indirect.gather [spmem:s3], $0x40, s6, s22, $0xb8;
	[tilespmem:$0x1F000] =	vst v63  }
0x5f: {  	p1 =	sne.s32 s0, $0x9600;
	_ =	swait.ge [sflag:s19], $0x2000  }
0x60: {  	[sflag:s19] =	ssyncset.done $0x0  }
0x61: {  	s0 =	sadd.s32 $0x2800, s18;
	[sflag:s19] =	ssyncadd.s32 $0xFFFFE000  }
0x62: {  	[spmem:s2] =	stream.indirect.scatter.add.f32 [tilespmem:s23], [sflag:$0x5], $0x40, s0, s22, $0xb8;
	[tilespmem:$0x1F000] =	vst v63  }
0x63: {  	_ =	swait.ge [sflag:s26], $0x2000  }
0x64: {  	[sflag:s26] =	ssyncset.done $0x0  }
0x65: {  	s0 =	sadd.s32 $0x180, s18;
	[sflag:s26] =	ssyncadd.s32 $0xFFFFE000  }
0x66: {  	[tilespmem:s23], [sflag:$0x1] =	stream.indirect.gather [spmem:s3], $0x40, s0, s22, $0xb8;
	[tilespmem:$0x1F000] =	vst v63  }
0x67: {  	_ =	swait.ge [sflag:s28], $0x2000  }
0x68: {  	[sflag:s28] =	ssyncset.done $0x0  }
0x69: {  	s0 =	sadd.s32 $0x2880, s18;
	[sflag:s28] =	ssyncadd.s32 $0xFFFFE000  }
0x6a: {  	[spmem:s2] =	stream.indirect.scatter.add.f32 [tilespmem:s24], [sflag:$0x5], $0x40, s0, s22, $0xb8;
	[tilespmem:$0x1F000] =	vst v63  }
0x6b: {  	_ =	swait.ge [sflag:s26], $0x2000  }
0x6c: {  	[sflag:s26] =	ssyncset.done $0x0  }
0x6d: {  	s0 =	sadd.s32 $0x200, s18;
	[sflag:s26] =	ssyncadd.s32 $0xFFFFE000  }
0x6e: {  	[tilespmem:s24], [sflag:$0x2] =	stream.indirect.gather [spmem:s3], $0x40, s0, s22, $0xb8;
	[tilespmem:$0x1F000] =	vst v63  }
0x6f: {  	_ =	swait.ge [sflag:s29], $0x2000  }
.Ltmp3:
0x70: {  	[sflag:s29] =	ssyncset.done $0x0;
	(pc) =	sbr.rel @p1 .LBB2_6-.Ltmp3, $4  }
0x71: {  	s0 =	sadd.s32 $0x2900, s18;
	[sflag:s29] =	ssyncadd.s32 $0xFFFFE000  }
0x72: {  	[spmem:s2] =	stream.indirect.scatter.add.f32 [tilespmem:s25], [sflag:$0x4], $0x40, s0, s22, $0xb8;
	[tilespmem:$0x1F000] =	vst v63  }
0x73: {  	_ =	swait.ge [sflag:s17], $0x2000  }
0x74: {  	s18 =	sshra.s32 s4, $0x2;
	s0 =	smov.u32 s10;
	[sflag:s17] =	ssyncset.done $0x0  }
0x75: {  	s0 =	sadd.s32 $0x100, s18;
	[sflag:s17] =	ssyncadd.s32 $0xFFFFE000  }
0x76: {  	[tilespmem:s25], [sflag:$0x3] =	stream.indirect.gather [spmem:s3], $0x40, s0, s22, $0xb8;
	[tilespmem:$0x1F000] =	vst v63  }
0x77: {  	_ =	swait.ge [sflag:s19], $0x2000  }
0x78: {  	[sflag:s19] =	ssyncset.done $0x0  }
0x79: {  	s4 =	sadd.s32 $0x2800, s18;
	[sflag:s19] =	ssyncadd.s32 $0xFFFFE000  }
0x7a: {  	[spmem:s2] =	stream.indirect.scatter.add.f32 [tilespmem:s23], [sflag:$0x5], $0x40, s4, s22, $0xb8;
	[tilespmem:$0x1F000] =	vst v63  }
0x7b: {  	_ =	swait.ge [sflag:s26], $0x2000  }
0x7c: {  	[sflag:s26] =	ssyncset.done $0x0  }
0x7d: {  	s6 =	sadd.s32 $0x180, s18;
	[sflag:s26] =	ssyncadd.s32 $0xFFFFE000  }
0x7e: {  	[tilespmem:s23], [sflag:$0x1] =	stream.indirect.gather [spmem:s3], $0x40, s6, s22, $0xb8;
	[tilespmem:$0x1F000] =	vst v63  }
0x7f: {  	_ =	swait.ge [sflag:s28], $0x2000  }
0x80: {  	[sflag:s28] =	ssyncset.done $0x0  }
0x81: {  	s10 =	sadd.s32 $0x2880, s18;
	[sflag:s28] =	ssyncadd.s32 $0xFFFFE000  }
0x82: {  	[spmem:s2] =	stream.indirect.scatter.add.f32 [tilespmem:s24], [sflag:$0x5], $0x40, s10, s22, $0xb8;
	[tilespmem:$0x1F000] =	vst v63  }
0x83: {  	_ =	swait.ge [sflag:s26], $0x2000  }
0x84: {  	[sflag:s26] =	ssyncset.done $0x0  }
0x85: {  	s4 =	sadd.s32 $0x200, s18;
	[sflag:s26] =	ssyncadd.s32 $0xFFFFE000  }
0x86: {  	[tilespmem:s24], [sflag:$0x2] =	stream.indirect.gather [spmem:s3], $0x40, s4, s22, $0xb8;
	[tilespmem:$0x1F000] =	vst v63  }
0x87: {  	_ =	swait.ge [sflag:s29], $0x2000  }
0x88: {  	[sflag:s29] =	ssyncset.done $0x0  }
0x89: {  	s6 =	sadd.s32 $0x2900, s18;
	[sflag:s29] =	ssyncadd.s32 $0xFFFFE000  }
0x8a: {  	[spmem:s2] =	stream.indirect.scatter.add.f32 [tilespmem:s25], [sflag:$0x4], $0x40, s6, s22, $0xb8;
	[tilespmem:$0x1F000] =	vst v63  }
0x8b: {  	_ =	swait.ge [sflag:s17], $0x2000  }
0x8c: {  	[sflag:s17] =	ssyncset.done $0x0  }
0x8d: {  	[sflag:s17] =	ssyncadd.s32 $0xFFFFE000  }
0x8e: {  	_ =	swait.ge [sflag:s19], $0x2000  }
0x8f: {  	[sflag:s19] =	ssyncset.done $0x0  }
0x90: {  	[sflag:s19] =	ssyncadd.s32 $0xFFFFE000  }
0x91: {  	[spmem:s2] =	stream.indirect.scatter.add.f32 [tilespmem:s23], [sflag:$0x5], $0x40, s30, s22, $0xb8;
	[tilespmem:$0x1F000] =	vst v63  }
0x92: {  	_ =	swait.ge [sflag:s26], $0x2000  }
0x93: {  	[sflag:s26] =	ssyncset.done $0x0  }
0x94: {  	[sflag:s26] =	ssyncadd.s32 $0xFFFFE000  }
0x95: {  	_ =	swait.ge [sflag:s28], $0x2000  }
0x96: {  	[sflag:s28] =	ssyncset.done $0x0  }
0x97: {  	[sflag:s28] =	ssyncadd.s32 $0xFFFFE000  }
0x98: {  	[spmem:s2] =	stream.indirect.scatter.add.f32 [tilespmem:s24], [sflag:$0x5], $0x40, s31, s22, $0xb8;
	[tilespmem:$0x1F000] =	vst v63  }
0x99: {  	_ =	swait.ge [sflag:s26], $0x2000  }
0x9a: {  	[sflag:s26] =	ssyncset.done $0x0  }
0x9b: {  	[sflag:s26] =	ssyncadd.s32 $0xFFFFE000  }
0x9c: {  	[bflag:$0x0] =	sbarrier.arrive $0xFFFF  }
0x9d: {  	[hbm:s15@s21], [sflag:s7] =	dma.strided [spmem:s8@s20], $0x1400, s19, $0x8   }
0x9e: {  	_ =	swait.ge [sflag:s17], $0x1400  }
0x9f: {  	[sflag:s17] =	ssyncset.done $0x0  }
0xa0: {  	[sflag:s17] =	ssyncadd.s32 $0xFFFFEC00  }
0xa1: {  	[spmem:s8], [sflag:s7] =	dma.local [hbm:s5], $0x1400  }
0xa2: {  	_ =	swait.ge [sflag:s17], $0x1400  }
0xa3: {  	[sflag:s17] =	ssyncset.done $0x0  }
0xa4: {  	[sflag:s17] =	ssyncadd.s32 $0xFFFFEC00  }
0xa5: {  	[spmem:s9@s20], [sflag:s7] =	dma.strided [hbm:s13@s21], $0x1400, s19, $0x8   }
0xa6: {  	_ =	swait.ge [sflag:s17], $0x1400  }
0xa7: {  	[sflag:s17] =	ssyncset.done $0x0  }
0xa8: {  	[sflag:s17] =	ssyncadd.s32 $0xFFFFEC00  }
0xa9: {  	s10 =	simm.s32 $0x0;
	[bflag:$0x0] =	sbarrier.arrive $0xFFFF  }
0xaa: {  	[tilespmem:s23], [sflag:$0x1] =	stream.indirect.gather [spmem:s3], $0x40, s10, s22, $0xb8;
	[tilespmem:$0x1F000] =	vst v63  }
0xab: {  	_ = 	snop  }
0xac: {  	[tilespmem:s24], [sflag:$0x2] =	stream.indirect.gather [spmem:s3], $0x40, s22, s22, $0xb8;
	[tilespmem:$0x1F000] =	vst v63  }
0xad: {  	s18 =	simm.s32 $0x100  }
0xae: {  	[tilespmem:s25], [sflag:$0x3] =	stream.indirect.gather [spmem:s3], $0x40, s18, s22, $0xb8;
	[tilespmem:$0x1F000] =	vst v63  }
0xaf: {  	_ =	swait.ge [sflag:s19], $0x2000  }
0xb0: {  	[sflag:s19] =	ssyncset.done $0x0  }
0xb1: {  	s4 =	simm.s32 $0x2800;
	[sflag:s19] =	ssyncadd.s32 $0xFFFFE000  }
0xb2: {  	[spmem:s2] =	stream.indirect.scatter.add.f32 [tilespmem:s23], [sflag:$0x5], $0x40, s4, s22, $0xb8;
	[tilespmem:$0x1F000] =	vst v63  }
0xb3: {  	_ =	swait.ge [sflag:s26], $0x2000  }
0xb4: {  	[sflag:s26] =	ssyncset.done $0x0  }
0xb5: {  	s6 =	simm.s32 $0x180;
	[sflag:s26] =	ssyncadd.s32 $0xFFFFE000  }
0xb6: {  	[tilespmem:s23], [sflag:$0x1] =	stream.indirect.gather [spmem:s3], $0x40, s6, s22, $0xb8;
	[tilespmem:$0x1F000] =	vst v63  }
0xb7: {  	_ =	swait.ge [sflag:s28], $0x2000  }
0xb8: {  	[sflag:s28] =	ssyncset.done $0x0  }
0xb9: {  	s9 =	simm.s32 $0x2880;
	[sflag:s28] =	ssyncadd.s32 $0xFFFFE000  }
0xba: {  	[spmem:s2] =	stream.indirect.scatter.add.f32 [tilespmem:s24], [sflag:$0x5], $0x40, s9, s22, $0xb8;
	[tilespmem:$0x1F000] =	vst v63  }
0xbb: {  	_ =	swait.ge [sflag:s26], $0x2000  }
0xbc: {  	[sflag:s26] =	ssyncset.done $0x0  }
0xbd: {  	s10 =	simm.s32 $0x200;
	[sflag:s26] =	ssyncadd.s32 $0xFFFFE000  }
0xbe: {  	[tilespmem:s24], [sflag:$0x2] =	stream.indirect.gather [spmem:s3], $0x40, s10, s22, $0xb8;
	[tilespmem:$0x1F000] =	vst v63  }
0xbf: {  	_ =	swait.ge [sflag:s29], $0x2000  }
0xc0: {  	[sflag:s29] =	ssyncset.done $0x0  }
0xc1: {  	s18 =	simm.s32 $0x2900;
	[sflag:s29] =	ssyncadd.s32 $0xFFFFE000  }
0xc2: {  	[spmem:s2] =	stream.indirect.scatter.add.f32 [tilespmem:s25], [sflag:$0x4], $0x40, s18, s22, $0xb8;
	[tilespmem:$0x1F000] =	vst v63  }
0xc3: {  	_ =	swait.ge [sflag:s17], $0x2000  }
0xc4: {  	s0 =	simm.s32 $0xC00;
	s9 =	simm.s32 $0x180;
	[sflag:s17] =	ssyncset.done $0x0  }
.LBB2_8:
0xc5: {  	s4 =	sadd.s32 $0x100, s9  }
0xc6: {  	[sflag:s17] =	ssyncadd.s32 $0xFFFFE000;
	s6 =	smov.u32 s0;
	s10 =	sadd.s32 $0x600, s0  }
0xc7: {  	[tilespmem:s25], [sflag:$0x3] =	stream.indirect.gather [spmem:s3], $0x40, s4, s22, $0xb8;
	[tilespmem:$0x1F000] =	vst v63  }
0xc8: {  	p1 =	sne.s32 s0, $0x9600;
	_ =	swait.ge [sflag:s19], $0x2000  }
0xc9: {  	[sflag:s19] =	ssyncset.done $0x0  }
0xca: {  	s0 =	sadd.s32 $0x2800, s9;
	[sflag:s19] =	ssyncadd.s32 $0xFFFFE000  }
0xcb: {  	[spmem:s2] =	stream.indirect.scatter.add.f32 [tilespmem:s23], [sflag:$0x5], $0x40, s0, s22, $0xb8;
	[tilespmem:$0x1F000] =	vst v63  }
0xcc: {  	_ =	swait.ge [sflag:s26], $0x2000  }
0xcd: {  	[sflag:s26] =	ssyncset.done $0x0  }
0xce: {  	s0 =	sadd.s32 $0x180, s9;
	[sflag:s26] =	ssyncadd.s32 $0xFFFFE000  }
0xcf: {  	[tilespmem:s23], [sflag:$0x1] =	stream.indirect.gather [spmem:s3], $0x40, s0, s22, $0xb8;
	[tilespmem:$0x1F000] =	vst v63  }
0xd0: {  	_ =	swait.ge [sflag:s28], $0x2000  }
0xd1: {  	[sflag:s28] =	ssyncset.done $0x0  }
0xd2: {  	s0 =	sadd.s32 $0x2880, s9;
	[sflag:s28] =	ssyncadd.s32 $0xFFFFE000  }
0xd3: {  	[spmem:s2] =	stream.indirect.scatter.add.f32 [tilespmem:s24], [sflag:$0x5], $0x40, s0, s22, $0xb8;
	[tilespmem:$0x1F000] =	vst v63  }
0xd4: {  	_ =	swait.ge [sflag:s26], $0x2000  }
0xd5: {  	[sflag:s26] =	ssyncset.done $0x0  }
0xd6: {  	s0 =	sadd.s32 $0x200, s9;
	[sflag:s26] =	ssyncadd.s32 $0xFFFFE000  }
0xd7: {  	[tilespmem:s24], [sflag:$0x2] =	stream.indirect.gather [spmem:s3], $0x40, s0, s22, $0xb8;
	[tilespmem:$0x1F000] =	vst v63  }
0xd8: {  	_ =	swait.ge [sflag:s29], $0x2000  }
.Ltmp4:
0xd9: {  	[sflag:s29] =	ssyncset.done $0x0;
	(pc) =	sbr.rel @p1 .LBB2_8-.Ltmp4, $4  }
0xda: {  	s0 =	sadd.s32 $0x2900, s9;
	[sflag:s29] =	ssyncadd.s32 $0xFFFFE000  }
0xdb: {  	[spmem:s2] =	stream.indirect.scatter.add.f32 [tilespmem:s25], [sflag:$0x4], $0x40, s0, s22, $0xb8;
	[tilespmem:$0x1F000] =	vst v63  }
0xdc: {  	_ =	swait.ge [sflag:s17], $0x2000  }
0xdd: {  	s9 =	sshra.s32 s6, $0x2;
	s0 =	smov.u32 s10;
	[sflag:s17] =	ssyncset.done $0x0  }
0xde: {  	s0 =	sadd.s32 $0x100, s9;
	[sflag:s17] =	ssyncadd.s32 $0xFFFFE000  }
0xdf: {  	[tilespmem:s25], [sflag:$0x3] =	stream.indirect.gather [spmem:s3], $0x40, s0, s22, $0xb8;
	[tilespmem:$0x1F000] =	vst v63  }
0xe0: {  	_ =	swait.ge [sflag:s19], $0x2000  }
0xe1: {  	[sflag:s19] =	ssyncset.done $0x0  }
0xe2: {  	s18 =	sadd.s32 $0x2800, s9;
	[sflag:s19] =	ssyncadd.s32 $0xFFFFE000  }
0xe3: {  	[spmem:s2] =	stream.indirect.scatter.add.f32 [tilespmem:s23], [sflag:$0x5], $0x40, s18, s22, $0xb8;
	[tilespmem:$0x1F000] =	vst v63  }
0xe4: {  	_ =	swait.ge [sflag:s26], $0x2000  }
0xe5: {  	[sflag:s26] =	ssyncset.done $0x0  }
0xe6: {  	s4 =	sadd.s32 $0x180, s9;
	[sflag:s26] =	ssyncadd.s32 $0xFFFFE000  }
0xe7: {  	[tilespmem:s23], [sflag:$0x1] =	stream.indirect.gather [spmem:s3], $0x40, s4, s22, $0xb8;
	[tilespmem:$0x1F000] =	vst v63  }
0xe8: {  	_ =	swait.ge [sflag:s28], $0x2000  }
0xe9: {  	[sflag:s28] =	ssyncset.done $0x0  }
0xea: {  	s6 =	sadd.s32 $0x2880, s9;
	[sflag:s28] =	ssyncadd.s32 $0xFFFFE000  }
0xeb: {  	[spmem:s2] =	stream.indirect.scatter.add.f32 [tilespmem:s24], [sflag:$0x5], $0x40, s6, s22, $0xb8;
	[tilespmem:$0x1F000] =	vst v63  }
0xec: {  	_ =	swait.ge [sflag:s26], $0x2000  }
0xed: {  	[sflag:s26] =	ssyncset.done $0x0  }
0xee: {  	s10 =	sadd.s32 $0x200, s9;
	[sflag:s26] =	ssyncadd.s32 $0xFFFFE000  }
0xef: {  	[tilespmem:s24], [sflag:$0x2] =	stream.indirect.gather [spmem:s3], $0x40, s10, s22, $0xb8;
	[tilespmem:$0x1F000] =	vst v63  }
0xf0: {  	_ =	swait.ge [sflag:s29], $0x2000  }
0xf1: {  	[sflag:s29] =	ssyncset.done $0x0  }
0xf2: {  	s18 =	sadd.s32 $0x2900, s9;
	[sflag:s29] =	ssyncadd.s32 $0xFFFFE000  }
0xf3: {  	[spmem:s2] =	stream.indirect.scatter.add.f32 [tilespmem:s25], [sflag:$0x4], $0x40, s18, s22, $0xb8;
	[tilespmem:$0x1F000] =	vst v63  }
0xf4: {  	_ =	swait.ge [sflag:s17], $0x2000  }
0xf5: {  	[sflag:s17] =	ssyncset.done $0x0  }
0xf6: {  	[sflag:s17] =	ssyncadd.s32 $0xFFFFE000  }
0xf7: {  	_ =	swait.ge [sflag:s19], $0x2000  }
0xf8: {  	[sflag:s19] =	ssyncset.done $0x0  }
0xf9: {  	[sflag:s19] =	ssyncadd.s32 $0xFFFFE000  }
0xfa: {  	[spmem:s2] =	stream.indirect.scatter.add.f32 [tilespmem:s23], [sflag:$0x5], $0x40, s30, s22, $0xb8;
	[tilespmem:$0x1F000] =	vst v63  }
0xfb: {  	_ =	swait.ge [sflag:s26], $0x2000  }
0xfc: {  	[sflag:s26] =	ssyncset.done $0x0  }
0xfd: {  	[sflag:s26] =	ssyncadd.s32 $0xFFFFE000  }
0xfe: {  	_ =	swait.ge [sflag:s28], $0x2000  }
0xff: {  	[sflag:s28] =	ssyncset.done $0x0  }
0x100: {  	[sflag:s28] =	ssyncadd.s32 $0xFFFFE000  }
0x101: {  	[spmem:s2] =	stream.indirect.scatter.add.f32 [tilespmem:s24], [sflag:$0x5], $0x40, s31, s22, $0xb8;
	[tilespmem:$0x1F000] =	vst v63  }
0x102: {  	_ =	swait.ge [sflag:s26], $0x2000  }
0x103: {  	s1 =	sadd.s32 $0x1, s1;
	[sflag:s26] =	ssyncset.done $0x0  }
0x104: {  	p1 =	sne.s32 s1, s14;
	[sflag:s26] =	ssyncadd.s32 $0xFFFFE000  }
.Ltmp5:
0x105: {  	[bflag:$0x0] =	sbarrier.arrive $0xFFFF;
	(pc) =	sbr.rel @p1 .LBB2_1-.Ltmp5, $4  }
0x106: {  	[hbm:s16@s21], [sflag:s7] =	dma.strided [spmem:s8@s20], $0x1400, s19, $0x8   }
0x107: {  	_ =	swait.ge [sflag:s17], $0x1400  }
0x108: {  	[sflag:s17] =	ssyncset.done $0x0  }
0x109: {  	[sflag:s17] =	ssyncadd.s32 $0xFFFFEC00  }
0x10a: {  	_ =	sfence.sel $0x180000  }
0x10b: {  	[bflag:$0x0] =	sbarrier.arrive $0xFFFF  }
0x10c: {  	_ =	strace $0x9000004A  }
0x10d: {  	s0 =	stileid.u32;
	[bflag:$0x2] =	sbarrier.arrive $0xFFFF  }
0x10e: {  	p0 =	sne.s32 s0, $0x0;
	s0 =	rddreg [dreg:$0x4]  }
0x10f: {  	s0 =	sadd.s32 @!p0 $0x100000, s0  }
0x110: {  	[sflag:s0] =	ssyncadd.tile.s32 @!p0 $0x1;
	_ =	shalt  }
.Lfunc_end2:
_tile_overlayer_lowered:
.L_overlay_start_2:
0x111: {  	(tag) =	ssettag $0x2  }
0x112: {  	s0 =	rddreg [dreg:$0x0];
	s2 =	stileid.u32  }
0x113: {  	s1 =	rddreg [dreg:$0x1];
	p0 =	sne.s32 s2, $0x0  }
0x114: {  	s3 =	rddreg [dreg:$0x2];
	[bflag:$0x3] =	sbarrier.arrive $0xFFFF;
	s2 =	simm.s32 @!p0 $0x1C04  }
0x115: {  	[timem:s3], [sflag:s2] =	dma.local @!p0 [hbm:s0], s1  }
0x116: {  	s0 =	simm.s32 @!p0 $0x4  }
0x117: {  	_ =	swait.ge @!p0 [sflag:s0], s1  }
0x118: {  	s1 =	ssub.s32 @!p0 $0x0, s1;
	[sflag:s0] =	ssyncset.done @!p0 $0x0  }
0x119: {  	[sflag:s0] =	ssyncadd.s32 @!p0 s1  }
0x11a: {  	[bflag:$0x3] =	sbarrier.arrive $0xFFFF  }
0x11b: {  	_ =	shalt  }

// kernel: kernel.8.cloned.1.call-start
scs
__scs_entry_jumppad:
0x0: {  	(pc) =	sbr.rel $0x88, $3  }
0x1: {  	(tag) =	ssettag $0x0;
	lr =	simm.s32 $0x1  }
0x2: {  	[smem:$0x3F99] =	sst lr;
	_ =	strace $0xD0000000  }
0x3: {  	_ = 	snop  }
0x4: {  	_ = 	snop  }
0x5: {  	_ = 	snop  }
0x6: {  	_ = 	snop  }
0x7: {  	_ = 	snop  }
__scs_overlays_trampoline_lowered:
0x8: {  	[smem:$0x3FA8] =	sst s0  }
0x9: {  	[smem:$0x3FA9] =	sst s1  }
0xa: {  	[smem:$0x3FAA] =	sst s2  }
0xb: {  	[smem:$0x3FAB] =	sst s3  }
0xc: {  	[smem:$0x3FAC] =	sst s4  }
0xd: {  	[smem:$0x3FAD] =	sst s5  }
0xe: {  	[smem:$0x3FAE] =	sst s6  }
0xf: {  	[smem:$0x3FAF] =	sst s7  }
0x10: {  	[smem:$0x3FB0] =	sst s8  }
0x11: {  	[smem:$0x3FB1] =	sst s9;
	s0 =	simm.s32 @!p0 $0x0  }
0x12: {  	s1 =	sld [smem:$0x3F97];
	s0 =	simm.s32 @p0 $0x1  }
0x13: {  	[smem:$0x3FB2] =	sst s0;
	s0 =	simm.s32 @!p1 $0x0  }
0x14: {  	s2 =	sld [smem:$0x3F96];
	s0 =	simm.s32 @p1 $0x1  }
0x15: {  	[smem:$0x3FB3] =	sst s0;
	s0 =	simm.s32 @!p2 $0x0  }
0x16: {  	s3 =	sld [smem:$0x3FDB];
	s0 =	simm.s32 @p2 $0x1  }
0x17: {  	s4 =	simm.s32 $0x1BF5;
	[smem:$0x3FB5] =	sst s0  }
0x18: {  	s0 =	sld [smem:$0x3F98];
	_ =	swait.ge [sflag:s4], $0x0  }
0x19: {  	s7 =	sld [smem:$0x3F99]  }
0x1a: {  	s8 =	sadd.s32 $0xFFFFE003, lr  }
0x1b: {  	s9 =	sadd.s32 $0xFFFFFEF7, lr;
	s5 =	simm.s32 $0xFFFFFFFF;
	p2 =	slt.u32 s8, $0xFFFFF086  }
0x1c: {  	p1 =	slt.u32 s9, $0xF7A;
	s5 =	simm.s32 @!p2 $0x0  }
0x1d: {  	s5 =	simm.s32 @p1 $0x1;
	p0 =	seq.s32 s7, s2  }
0x1e: {  	s7 =	smul.u32 @!p0 $0xF7A, s2;
	p2 =	seq.s32 @!p0 s5, $0x0  }
0x1f: {  	s9 =	smul.u32 $0xF7A, s1;
	s8 =	simm.s32 @!p0 $0x1BF5;
	p2 =	por !p2, p0  }
0x20: {  	[sflag:s8] =	ssyncset.s32 @!p0 $0xFFFFF086;
	s6 =	sadd.s32 @!p0 s3, s7;
	s7 =	simm.s32 @!p0 $0x108  }
0x21: {  	s3 =	sadd.s32 s3, s9;
	s6 =	sadd.s32 @!p0 $0x88, s6;
	s7 =	simm.s32 @p2 $0x1082  }
0x22: {  	[simem:s7], [sflag:s8] =	dma.local @!p0 [hbm:s6], $0xF7A  }
0x23: {  	s9 =	sor.u32 $0xD0000000, s2;
	s6 =	simm.s32 $0x108;
	_ =	swait.ge @!p0 [sflag:s8], $0x0  }
0x24: {  	s3 =	sadd.s32 $0x88, s3;
	s6 =	simm.s32 @!p1 $0x1082;
	[sflag:s4] =	ssyncset.s32 $0xFFFFF086  }
0x25: {  	[simem:s6], [sflag:s4] =	dma.local [hbm:s3], $0xF7A  }
0x26: {  	[smem:$0x3F99] =	sst s1;
	(tag) =	ssettag s2;
	_ =	strace s9  }
0x27: {  	s1 =	sld [smem:$0x3FA9]  }
0x28: {  	s2 =	sld [smem:$0x3FAA]  }
0x29: {  	s4 =	sld [smem:$0x3FAC]  }
0x2a: {  	p0 =	seq.s32 s5, $0x0;
	s5 =	sld [smem:$0x3FAD]  }
0x2b: {  	s6 =	sld [smem:$0x3FAE]  }
0x2c: {  	s7 =	sld [smem:$0x3FAF]  }
0x2d: {  	s3 =	simm.s32 $0x108;
	s8 =	sld [smem:$0x3FB0]  }
0x2e: {  	s3 =	simm.s32 @!p0 $0x1082;
	s9 =	sld [smem:$0x3FB1]  }
0x2f: {  	lr =	sadd.s32 s0, s3;
	s0 =	sld [smem:$0x3FA8]  }
0x30: {  	s3 =	sld [smem:$0x3FAB]  }
0x31: {  	[smem:$0x3FB4] =	sst s10  }
0x32: {  	s10 =	sld [smem:$0x3FB2];
	_ =	sdelay $0x3  }
0x33: {  	p0 =	seq.s32 s10, $0x1;
	s10 =	sld [smem:$0x3FB4];
	_ =	sdelay $0x3  }
0x34: {  	[smem:$0x3FB4] =	sst s10  }
0x35: {  	s10 =	sld [smem:$0x3FB3];
	_ =	sdelay $0x3  }
0x36: {  	p1 =	seq.s32 s10, $0x1;
	s10 =	sld [smem:$0x3FB4];
	_ =	sdelay $0x3  }
0x37: {  	[smem:$0x3FB4] =	sst s10  }
0x38: {  	s10 =	sld [smem:$0x3FB5]  }
0x39: {  	_ = 	snop;
	(pc) =	sbr.ind lr, $3  }
0x3a: {  	_ = 	snop  }
0x3b: {  	_ = 	snop  }
0x3c: {  	p2 =	seq.s32 s10, $0x1;
	s10 =	sld [smem:$0x3FB4]  }
0x3d: {  	_ =	shalt  }
0x3e: {  	_ =	shalt  }
0x3f: {  	_ =	shalt  }
0x40: {  	_ =	shalt  }
0x41: {  	_ =	shalt  }
0x42: {  	_ =	shalt  }
0x43: {  	_ =	shalt  }
0x44: {  	_ =	shalt  }
0x45: {  	_ =	shalt  }
0x46: {  	_ =	shalt  }
0x47: {  	_ =	shalt  }
0x48: {  	_ =	shalt  }
0x49: {  	_ =	shalt  }
0x4a: {  	_ =	shalt  }
0x4b: {  	_ =	shalt  }
0x4c: {  	_ =	shalt  }
0x4d: {  	_ =	shalt  }
0x4e: {  	_ =	shalt  }
0x4f: {  	_ =	shalt  }
0x50: {  	_ =	shalt  }
0x51: {  	_ =	shalt  }
0x52: {  	_ =	shalt  }
0x53: {  	_ =	shalt  }
0x54: {  	_ =	shalt  }
0x55: {  	_ =	shalt  }
0x56: {  	_ =	shalt  }
0x57: {  	_ =	shalt  }
0x58: {  	_ =	shalt  }
0x59: {  	_ =	shalt  }
0x5a: {  	_ =	shalt  }
0x5b: {  	_ =	shalt  }
0x5c: {  	_ =	shalt  }
0x5d: {  	_ =	shalt  }
0x5e: {  	_ =	shalt  }
0x5f: {  	_ =	shalt  }
0x60: {  	_ =	shalt  }
0x61: {  	_ =	shalt  }
0x62: {  	_ =	shalt  }
0x63: {  	_ =	shalt  }
0x64: {  	_ =	shalt  }
0x65: {  	_ =	shalt  }
0x66: {  	_ =	shalt  }
0x67: {  	_ =	shalt  }
0x68: {  	_ =	shalt  }
0x69: {  	_ =	shalt  }
0x6a: {  	_ =	shalt  }
0x6b: {  	_ =	shalt  }
0x6c: {  	_ =	shalt  }
0x6d: {  	_ =	shalt  }
0x6e: {  	_ =	shalt  }
0x6f: {  	_ =	shalt  }
0x70: {  	_ =	shalt  }
0x71: {  	_ =	shalt  }
0x72: {  	_ =	shalt  }
0x73: {  	_ =	shalt  }
0x74: {  	_ =	shalt  }
0x75: {  	_ =	shalt  }
0x76: {  	_ =	shalt  }
0x77: {  	_ =	shalt  }
0x78: {  	_ =	shalt  }
0x79: {  	_ =	shalt  }
0x7a: {  	_ =	shalt  }
0x7b: {  	_ =	shalt  }
0x7c: {  	_ =	shalt  }
0x7d: {  	_ =	shalt  }
0x7e: {  	_ =	shalt  }
0x7f: {  	_ =	shalt  }
0x80: {  	_ =	shalt  }
0x81: {  	_ =	shalt  }
0x82: {  	_ =	shalt  }
0x83: {  	_ =	shalt  }
0x84: {  	_ =	shalt  }
0x85: {  	_ =	shalt  }
0x86: {  	_ =	shalt  }
0x87: {  	_ =	shalt  }
.Lfunc_end0:
.L_simem_size_0:
called_computation_lowered:
.L_overlay_start_0:
0x88: {  	s2 =	sld [smem:$0x3FD9]  }
0x89: {  	s3 =	sld [smem:$0x3FFE];
	_ =	sdelay $0x1  }
0x8a: {  	s1 =	srdreg.scid  }
0x8b: {  	s0 =	sand.u32 $0x1, s1  }
0x8c: {  	s17 =	sshll.u32 s0, $0xA;
	s2 =	sadd.s32 s3, s2  }
0x8d: {  	s2 =	sadd.s32 s2, s17  }
0x8e: {  	[smem:$0x3FC0] =	sst s2  }
0x8f: {  	_ = 	snop  }
0x90: {  	s2 =	sld [smem:$0x3FD0];
	(tm) =	ssettm $0x1  }
0x91: {  	s18 =	sld [smem:$0x3FFB];
	_ =	sdelay $0x3  }
0x92: {  	_ =	strace s18  }
0x93: {  	s3 =	sld [smem:$0x3FFC];
	_ =	sdelay $0x3  }
0x94: {  	_ =	strace s3  }
0x95: {  	s3 =	sld [smem:$0x3FFD];
	_ =	sdelay $0x3  }
0x96: {  	_ =	strace s3  }
0x97: {  	_ =	strace $0x8FFFFFFF  }
0x98: {  	s19 =	sld [smem:$0x3FDB];
	_ =	sdelay $0x1  }
0x99: {  	s4 =	simm.s32 $_scs_section_size  }
0x9a: {  	s5 =	simm.s32 $_size__tile_overlayer_lowered;
	s6 =	simm.s32 $_tile_overlayer_lowered  }
0x9b: {  	s22 =	simm.s32 $0x1BFF;
	s21 =	sshll.u32 s6, $0x1;
	s3 =	sadd.s32 s4, s19  }
0x9c: {  	s7 =	simm.s32 $0x0;
	s20 =	sshll.u32 s5, $0x1;
	s5 =	sadd.s32 s21, s3  }
0x9d: {  	[timem:s7], [sflag:s22] =	dma.local [hbm:s5], s20  }
0x9e: {  	_ =	swait.ge [sflag:s22], s20  }
0x9f: {  	s4 =	ssub.s32 $0x0, s20;
	[sflag:s22] =	ssyncset.done $0x0  }
0xa0: {  	[sflag:s22] =	ssyncadd.s32 s4;
	_ =	sdelay $0x1  }
0xa1: {  	s23 =	simm.s32 $0x1B8B  }
0xa2: {  	_ =	swait.ge [sflag:s23], $0x1  }
0xa3: {  	[sflag:s23] =	ssyncset.done $0x0  }
0xa4: {  	s25 =	simm.s32 $0x1B8E;
	s24 =	sld [smem:$0x3FFE];
	[sflag:s23] =	ssyncadd.s32 $0xFFFFFFFF  }
0xa5: {  	s26 =	simm.s32 $execute0_lowered;
	[smem:$0x3FD2] =	sst s25  }
0xa6: {  	s5 =	sshll.u32 s26, $0x1;
	_ =	strace $0x80000046;
	[dreg:$0x1] =	wrdreg $0xFFFFFFFF  }
0xa7: {  	s28 =	simm.s32 $_size_execute0_lowered;
	s3 =	sadd.s32 s3, s5;
	[dreg:$0x0] =	wrdreg $0x0  }
0xa8: {  	s5 =	sshll.u32 s28, $0x1;
	[dreg:$0x2] =	wrdreg s3  }
0xa9: {  	[dreg:$0x3] =	wrdreg s5  }
0xaa: {  	[dreg:$0x4] =	wrdreg $0xC0  }
0xab: {  	_ =	task [dreg:s7], $0x5FFFF  }
0xac: {  	[dreg:$0x1] =	wrdreg $0xFFFFFFFF  }
0xad: {  	[dreg:$0x0] =	wrdreg $0x60  }
0xae: {  	[dreg:$0x2] =	wrdreg s24  }
0xaf: {  	[dreg:$0x3] =	wrdreg s2  }
0xb0: {  	[dreg:$0x4] =	wrdreg $0x90000  }
0xb1: {  	[dreg:$0x5] =	wrdreg $0x130000  }
0xb2: {  	[dreg:$0x6] =	wrdreg $0x9  }
0xb3: {  	_ =	task.clear_ibuf [dreg:s7], $0x7FFFF;
	_ =	strace $0x90000046  }
0xb4: {  	s29 =	simm.s32 $0x9;
	_ =	strace $0x80000048  }
0xb5: {  	_ =	swait.ge [sflag:s29], $0x1  }
0xb6: {  	[sflag:s29] =	ssyncadd.s32 $0xFFFFFFFF  }
0xb7: {  	_ =	strace $0x90000048  }
0xb8: {  	_ =	sfence  }
0xb9: {  	s30 =	sld [smem:$0x0];
	_ =	sdelay $0x2  }
0xba: {  	s31 =	sshll.u32 s1, $0xD;
	s1 =	sshrl.u32 s1, $0x2  }
0xbb: {  	s3 =	sand.u32 $0x4000, s31;
	s1 =	sadd.s32 s1, s30  }
0xbc: {  	s0 =	sor.u32 s3, s0;
	s1 =	sshll.u32 s1, $0x11  }
0xbd: {  	s0 =	sor.u32 s1, s0  }
0xbe: {  	s0 =	sadd.s32 $0x8F2B, s0  }
0xbf: {  	[sflag:s0] =	ssyncadd.remote.s32 $0x1  }
0xc0: {  	_ =	sfence.sel $0xFFFF  }
0xc1: {  	[dreg:$0x0] =	wrdreg $0xFFFFFFFF;
	(pc) =	sbr.abs _section_cstart, $3  }
0xc2: {  	[dreg:$0x1] =	wrdreg $0xFFFFFFFF  }
0xc3: {  	_ =	task.clear_ibuf [dreg:s7], $0x2FFFF;
	_ =	strace $0x9FFFFFFF  }
0xc4: {  	(tm) =	ssettm $0x7FFFFFFF  }
0xc5: {  	_ =	shalt  }
tec
execute0_lowered:
.L_overlay_start_1:
0x0: {  	(tag) =	ssettag $0x1  }
0x1: {  	s0 =	rddreg [dreg:$0x0]  }
0x2: {  	s1 =	rddreg [dreg:$0x1]  }
0x3: {  	s2 =	rddreg [dreg:$0x2];
	s4 =	srdreg.scid  }
0x4: {  	s12 =	stileid.u32;
	s3 =	rddreg [dreg:$0x3]  }
0x5: {  	s18 =	simm.s32 $0x3;
	s20 =	simm.s32 $0x1;
	s21 =	simm.s32 $0x8  }
0x6: {  	s28 =	simm.s32 $0x2;
	s29 =	simm.s32 $0x2780;
	s30 =	simm.s32 $0x4F00  }
0x7: {  	s31 =	simm.s32 $0x4F80;
	s7 =	sand.u32 $0x1, s4;
	s5 =	sshll.u32 s12, $0x1  }
0x8: {  	s4 =	simm.s32 $0x0;
	s9 =	sadd.s32 $0x3A00, s0;
	s22 =	smul.u32 $0xA000, s12  }
0x9: {  	s23 =	sadd.s32 $0x9B00, s1;
	s16 =	smul.u32 $0x2800, s12;
	s8 =	sor.u32 s7, s5  }
0xa: {  	[smem:$0x7FF] =	sst s4;
	s10 =	ssub.s32 $0x2, s7;
	p0 =	seq.s32 s7, $0x0  }
0xb: {  	s7 =	simm.s32 $0x36E00;
	s5 =	smul.u32 $0x2800, s8;
	_ =	strace $0x80000047  }
0xc: {  	s11 =	sshrl.u32 s10, $0x1;
	[dreg:$0x7] =	wrdreg s23;
	s24 =	sadd.s32 s22, s2  }
0xd: {  	s25 =	sadd.s32 s22, s3;
	s26 =	sor.u32 $0x8, s16;
	s12 =	sadd.s32 s9, s16  }
0xe: {  	s7 =	simm.s32 @!p0 $0x5EE00;
	p0 =	seq.s32 s8, $0x1F;
	s22 =	simm.s32 $0x10  }
0xf: {  	s23 =	simm.s32 $0x80;
	s15 =	ssub.s32 s10, s11;
	[dreg:$0x9] =	wrdreg s24  }
0x10: {  	[dreg:$0xa] =	wrdreg s25;
	s13 =	sadd.s32 s9, s26;
	s24 =	simm.s32 $0x5000  }
0x11: {  	s25 =	simm.s32 $0x7000;
	s6 =	sshrl.u32 s5, $0x3;
	s5 =	sadd.s32 $0x2BA00, s0  }
0x12: {  	s15 =	smax.u32 s15, $0x1;
	s14 =	sadd.s32 s6, s0;
	s6 =	sadd.s32 s1, s6  }
0x13: {  	s1 =	sadd.s32 $0x13740, s1;
	s0 =	sadd.s32 s7, s0;
	[dreg:$0x5] =	wrdreg s6  }
0x14: {  	s7 =	simm.s32 $0x0;
	s6 =	sadd.s32 $0x9C40, s6;
	[dreg:$0x8] =	wrdreg s1  }
0x15: {  	v0 =	vimm.s32 $0x0;
	s14 =	sadd.s32 $0x2CE00, s14;
	s16 =	sadd.s32 s0, s16;
	s17 =	sadd.s32 s0, s26  }
0x16: {  	v1 =	vlaneseq.u32;
	v2 =	vimm.f32 $0.0e+00;
	v3 =	vimm.f32 $1.000000000e+00;
	s26 =	simm.s32 $0x1D000;
	s1 =	simm.s32 $0x4;
	[dreg:$0x6] =	wrdreg s6  }
.LBB2_1:
.Ltmp0:
0x17: {  	(pc) =	sbr.rel @!p0 .LBB2_2-.Ltmp0, $1  }
0x18: {  	_ =	sdelay $0x3  }
0x19: {  	s0 =	rddreg [dreg:$0x7]  }
0x1a: {  	[tilespmem:s4], [sflag:$0x3] =	stream.linear.gather [hbm4b:s0+s4], $0xA00, $0x38;
	[tilespmem:$0x1F800] =	vst v63  }
0x1b: {  	_ =	swait.ge [sflag:s18], $0xA00  }
0x1c: {  	[sflag:s18] =	ssyncset.done $0x0  }
0x1d: {  	s6 =	simm.s32 $0x2800;
	s19 =	rddreg [dreg:$0x8];
	[sflag:s18] =	ssyncadd.s32 $0xFFFFF600  }
0x1e: {  	[tilespmem:s6], [sflag:$0x3] =	stream.linear.gather [hbm4b:s19+s4], $0xA00, $0x38;
	[tilespmem:$0x1F800] =	vst v63  }
0x1f: {  	s0 =	simm.s32 $0xA00;
	_ =	swait.ge [sflag:s18], $0xA00  }
0x20: {  	v4 =	vor.u32 s0, v1;
	[sflag:s18] =	ssyncset.done $0x0  }
0x21: {  	v4 =	vand.u32 $0x7F, v4;
	[sflag:s18] =	ssyncadd.s32 $0xFFFFF600  }
0x22: {  	s8 =	simm.s32 $0x3200;
	v4 =	vadd.s32 $0x2710, v4;
	[tilespmem:s0+$0x0] =	vst v0  }
0x23: {  	s9 =	simm.s32 $0xA10;
	[tilespmem:s8+$0x0] =	vst v4  }
.LBB2_4:
0x24: {  	p1 =	sne.s32 s9, $0x27F0  }
.Ltmp1:
0x25: {  	_ = 	snop;
	(pc) =	sbr.rel @p1 .LBB2_4-.Ltmp1, $4  }
0x26: {  	v4 =	vor.u32 s9, v1  }
0x27: {  	s0 =	sadd.s32 $0x10, s0;
	v4 =	vand.u32 $0x7F, v4  }
0x28: {  	s8 =	sadd.s32 $0x10, s8;
	[tilespmem:s0+$0x0] =	vst v0;
	v4 =	vadd.s32 $0x2710, v4  }
0x29: {  	s9 =	sadd.s32 $0x10, s9;
	[tilespmem:s8+$0x0] =	vst v4  }
.Ltmp2:
0x2a: {  	_ = 	snop;
	(pc) =	sbr.rel .LBB2_5-.Ltmp2, $1  }
0x2b: {  	_ =	sdelay $0x3  }
.LBB2_2:
0x2c: {  	s0 =	rddreg [dreg:$0x5]  }
0x2d: {  	[tilespmem:s4], [sflag:$0x3] =	stream.linear.gather [hbm4b:s0+s4], $0x2800, $0x38;
	[tilespmem:$0x1F800] =	vst v63  }
0x2e: {  	_ =	swait.ge [sflag:s18], $0x2800  }
0x2f: {  	[sflag:s18] =	ssyncset.done $0x0  }
0x30: {  	s6 =	simm.s32 $0x2800;
	s19 =	rddreg [dreg:$0x6];
	[sflag:s18] =	ssyncadd.s32 $0xFFFFD800  }
0x31: {  	[tilespmem:s6], [sflag:$0x3] =	stream.linear.gather [hbm4b:s19+s4], $0x2800, $0x38;
	[tilespmem:$0x1F800] =	vst v63  }
0x32: {  	_ =	swait.ge [sflag:s18], $0x2800  }
0x33: {  	[sflag:s18] =	ssyncset.done $0x0  }
0x34: {  	[sflag:s18] =	ssyncadd.s32 $0xFFFFD800  }
.LBB2_5:
0x35: {  	s0 =	simm.s32 $0x40;
	s8 =	simm.s32 $0x0  }
.LBB2_6:
0x36: {  	p1 =	sne.s32 s0, $0x9FC0;
	[tilespmem:s8+$0x1D000] =	vst v2;
	s8 =	smov.u32 s0;
	s0 =	sadd.s32 $0x40, s0  }
.Ltmp3:
0x37: {  	(pc) =	sbr.rel @p1 .LBB2_6-.Ltmp3, $2  }
0x38: {  	_ =	sdelay $0x2  }
0x39: {  	s8 =	sshra.s32 s8, $0x2  }
0x3a: {  	s0 =	stileid.u32  }
0x3b: {  	s11 =	rddreg [dreg:$0x9];
	s0 =	sshll.u32 s0, $0x6  }
0x3c: {  	[tilespmem:s8+$0x1D000] =	vst v2;
	s9 =	sshrl.u32 s11, $0x3;
	s8 =	sor.u32 $0x1C03, s0  }
0x3d: {  	[spmem:s9], [sflag:s8] =	dma.local [hbm:s5], $0x1400  }
0x3e: {  	_ =	swait.ge [sflag:s18], $0x1400  }
0x3f: {  	[sflag:s18] =	ssyncset.done $0x0;
	s19 =	rddreg [dreg:$0xa]  }
0x40: {  	[sflag:s18] =	ssyncadd.s32 $0xFFFFEC00;
	s19 =	sshrl.u32 s19, $0x3  }
0x41: {  	[spmem:s19@s21], [sflag:s8] =	dma.strided [hbm:s12@s22], $0x1400, s20, $0x8   }
0x42: {  	_ =	swait.ge [sflag:s18], $0x1400  }
0x43: {  	[sflag:s18] =	ssyncset.done $0x0  }
0x44: {  	[sflag:s18] =	ssyncadd.s32 $0xFFFFEC00  }
0x45: {  	s0 =	simm.s32 $0x0;
	[bflag:$0x0] =	sbarrier.arrive $0xFFFF  }
0x46: {  	[tilespmem:s24], [sflag:$0x1] =	stream.indirect.gather [spmem:s3], $0x40, s0, s23, $0xb8;
	[tilespmem:$0x1F800] =	vst v63  }
.LBB2_8:
0x47: {  	s6 =	sshra.s32 s0, $0x2  }
0x48: {  	s10 =	sadd.s32 $0x80, s6  }
0x49: {  	[tilespmem:s25], [sflag:$0x2] =	stream.indirect.gather [spmem:s3], $0x40, s10, s23, $0xb8;
	[tilespmem:$0x1F800] =	vst v63  }
0x4a: {  	_ =	swait.ge [sflag:s20], $0x2000  }
0x4b: {  	[sflag:s20] =	ssyncset.done $0x0  }
0x4c: {  	s11 =	sadd.s32 $0x2800, s6;
	[sflag:s20] =	ssyncadd.s32 $0xFFFFE000  }
0x4d: {  	[spmem:s2] =	stream.indirect.scatter.add.f32 [tilespmem:s24], [sflag:$0x3], $0x40, s11, s23, $0xb8;
	[tilespmem:$0x1F800] =	vst v63  }
0x4e: {  	_ =	swait.ge [sflag:s18], $0x2000  }
0x4f: {  	[sflag:s18] =	ssyncset.done $0x0  }
0x50: {  	[sflag:s18] =	ssyncadd.s32 $0xFFFFE000  }
0x51: {  	v4 =	vld [tilespmem:s6+$0x2800];
	_ =	sdelay $0x7  }
0x52: {  	[tilespmem:v4+s26+$0x0] =	vst.idx.add.f32.msk $0xffff, v3  }
0x53: {  	v4 =	vld [tilespmem:s6+$0x2810];
	_ =	sdelay $0x7  }
0x54: {  	[tilespmem:v4+s26+$0x0] =	vst.idx.add.f32.msk $0xffff, v3  }
0x55: {  	v4 =	vld [tilespmem:s6+$0x2820];
	_ =	sdelay $0x7  }
0x56: {  	[tilespmem:v4+s26+$0x0] =	vst.idx.add.f32.msk $0xffff, v3  }
0x57: {  	v4 =	vld [tilespmem:s6+$0x2830];
	_ =	sdelay $0x7  }
0x58: {  	[tilespmem:v4+s26+$0x0] =	vst.idx.add.f32.msk $0xffff, v3  }
0x59: {  	v4 =	vld [tilespmem:s6+$0x2840];
	_ =	sdelay $0x7  }
0x5a: {  	[tilespmem:v4+s26+$0x0] =	vst.idx.add.f32.msk $0xffff, v3  }
0x5b: {  	v4 =	vld [tilespmem:s6+$0x2850];
	_ =	sdelay $0x7  }
0x5c: {  	[tilespmem:v4+s26+$0x0] =	vst.idx.add.f32.msk $0xffff, v3  }
0x5d: {  	v4 =	vld [tilespmem:s6+$0x2860];
	_ =	sdelay $0x7  }
0x5e: {  	[tilespmem:v4+s26+$0x0] =	vst.idx.add.f32.msk $0xffff, v3  }
0x5f: {  	v4 =	vld [tilespmem:s6+$0x2870];
	_ =	sdelay $0x7  }
0x60: {  	s11 =	sadd.s32 $0x100, s6;
	[tilespmem:v4+s26+$0x0] =	vst.idx.add.f32.msk $0xffff, v3  }
0x61: {  	[tilespmem:s24], [sflag:$0x1] =	stream.indirect.gather [spmem:s3], $0x40, s11, s23, $0xb8;
	[tilespmem:$0x1F800] =	vst v63  }
0x62: {  	_ =	swait.ge [sflag:s28], $0x2000  }
0x63: {  	[sflag:s28] =	ssyncset.done $0x0  }
0x64: {  	s11 =	sadd.s32 $0x2880, s6;
	[sflag:s28] =	ssyncadd.s32 $0xFFFFE000  }
0x65: {  	[spmem:s2] =	stream.indirect.scatter.add.f32 [tilespmem:s25], [sflag:$0x3], $0x40, s11, s23, $0xb8;
	[tilespmem:$0x1F800] =	vst v63  }
0x66: {  	_ =	swait.ge [sflag:s18], $0x2000  }
0x67: {  	[sflag:s18] =	ssyncset.done $0x0  }
0x68: {  	[sflag:s18] =	ssyncadd.s32 $0xFFFFE000  }
0x69: {  	v4 =	vld [tilespmem:s6+$0x2880];
	_ =	sdelay $0x7  }
0x6a: {  	[tilespmem:v4+s26+$0x0] =	vst.idx.add.f32.msk $0xffff, v3  }
0x6b: {  	v4 =	vld [tilespmem:s6+$0x2890];
	_ =	sdelay $0x7  }
0x6c: {  	[tilespmem:v4+s26+$0x0] =	vst.idx.add.f32.msk $0xffff, v3  }
0x6d: {  	v4 =	vld [tilespmem:s6+$0x28A0];
	_ =	sdelay $0x7  }
0x6e: {  	[tilespmem:v4+s26+$0x0] =	vst.idx.add.f32.msk $0xffff, v3  }
0x6f: {  	v4 =	vld [tilespmem:s6+$0x28B0];
	_ =	sdelay $0x7  }
0x70: {  	[tilespmem:v4+s26+$0x0] =	vst.idx.add.f32.msk $0xffff, v3  }
0x71: {  	v4 =	vld [tilespmem:s6+$0x28C0];
	_ =	sdelay $0x7  }
0x72: {  	[tilespmem:v4+s26+$0x0] =	vst.idx.add.f32.msk $0xffff, v3  }
0x73: {  	v4 =	vld [tilespmem:s6+$0x28D0];
	_ =	sdelay $0x7  }
0x74: {  	[tilespmem:v4+s26+$0x0] =	vst.idx.add.f32.msk $0xffff, v3  }
0x75: {  	v4 =	vld [tilespmem:s6+$0x28E0];
	_ =	sdelay $0x7  }
0x76: {  	[tilespmem:v4+s26+$0x0] =	vst.idx.add.f32.msk $0xffff, v3  }
0x77: {  	v4 =	vld [tilespmem:s6+$0x28F0];
	_ =	sdelay $0x2  }
0x78: {  	p1 =	sne.s32 s0, $0x9800  }
.Ltmp4:
0x79: {  	_ = 	snop;
	(pc) =	sbr.rel @p1 .LBB2_8-.Ltmp4, $2  }
0x7a: {  	_ =	sdelay $0x2  }
0x7b: {  	s0 =	sadd.s32 $0x400, s0;
	[tilespmem:v4+s26+$0x0] =	vst.idx.add.f32.msk $0xffff, v3  }
0x7c: {  	[tilespmem:s25], [sflag:$0x2] =	stream.indirect.gather [spmem:s3], $0x40, s29, s23, $0xb8;
	[tilespmem:$0x1F800] =	vst v63  }
0x7d: {  	_ =	swait.ge [sflag:s20], $0x2000  }
0x7e: {  	[sflag:s20] =	ssyncset.done $0x0  }
0x7f: {  	[sflag:s20] =	ssyncadd.s32 $0xFFFFE000  }
0x80: {  	[spmem:s2] =	stream.indirect.scatter.add.f32 [tilespmem:s24], [sflag:$0x3], $0x40, s30, s23, $0xb8;
	[tilespmem:$0x1F800] =	vst v63  }
0x81: {  	_ =	swait.ge [sflag:s18], $0x2000  }
0x82: {  	[sflag:s18] =	ssyncset.done $0x0  }
0x83: {  	[sflag:s18] =	ssyncadd.s32 $0xFFFFE000  }
0x84: {  	v4 =	vld [tilespmem:$0x4F00];
	_ =	sdelay $0x7  }
0x85: {  	[tilespmem:v4+s26+$0x0] =	vst.idx.add.f32.msk $0xffff, v3  }
0x86: {  	v4 =	vld [tilespmem:$0x4F10];
	_ =	sdelay $0x7  }
0x87: {  	[tilespmem:v4+s26+$0x0] =	vst.idx.add.f32.msk $0xffff, v3  }
0x88: {  	v4 =	vld [tilespmem:$0x4F20];
	_ =	sdelay $0x7  }
0x89: {  	[tilespmem:v4+s26+$0x0] =	vst.idx.add.f32.msk $0xffff, v3  }
0x8a: {  	v4 =	vld [tilespmem:$0x4F30];
	_ =	sdelay $0x7  }
0x8b: {  	[tilespmem:v4+s26+$0x0] =	vst.idx.add.f32.msk $0xffff, v3  }
0x8c: {  	v4 =	vld [tilespmem:$0x4F40];
	_ =	sdelay $0x7  }
0x8d: {  	[tilespmem:v4+s26+$0x0] =	vst.idx.add.f32.msk $0xffff, v3  }
0x8e: {  	v4 =	vld [tilespmem:$0x4F50];
	_ =	sdelay $0x7  }
0x8f: {  	[tilespmem:v4+s26+$0x0] =	vst.idx.add.f32.msk $0xffff, v3  }
0x90: {  	v4 =	vld [tilespmem:$0x4F60];
	_ =	sdelay $0x7  }
0x91: {  	[tilespmem:v4+s26+$0x0] =	vst.idx.add.f32.msk $0xffff, v3  }
0x92: {  	v4 =	vld [tilespmem:$0x4F70];
	_ =	sdelay $0x7  }
0x93: {  	[tilespmem:v4+s26+$0x0] =	vst.idx.add.f32.msk $0xffff, v3  }
0x94: {  	_ =	swait.ge [sflag:s28], $0x2000  }
0x95: {  	[sflag:s28] =	ssyncset.done $0x0  }
0x96: {  	[sflag:s28] =	ssyncadd.s32 $0xFFFFE000  }
0x97: {  	[spmem:s2] =	stream.indirect.scatter.add.f32 [tilespmem:s25], [sflag:$0x3], $0x40, s31, s23, $0xb8;
	[tilespmem:$0x1F800] =	vst v63  }
0x98: {  	_ =	swait.ge [sflag:s18], $0x2000  }
0x99: {  	[sflag:s18] =	ssyncset.done $0x0  }
0x9a: {  	[sflag:s18] =	ssyncadd.s32 $0xFFFFE000  }
0x9b: {  	v4 =	vld [tilespmem:$0x4F80];
	_ =	sdelay $0x7  }
0x9c: {  	[tilespmem:v4+s26+$0x0] =	vst.idx.add.f32.msk $0xffff, v3  }
0x9d: {  	v4 =	vld [tilespmem:$0x4F90];
	_ =	sdelay $0x7  }
0x9e: {  	[tilespmem:v4+s26+$0x0] =	vst.idx.add.f32.msk $0xffff, v3  }
0x9f: {  	v4 =	vld [tilespmem:$0x4FA0];
	_ =	sdelay $0x7  }
0xa0: {  	[tilespmem:v4+s26+$0x0] =	vst.idx.add.f32.msk $0xffff, v3  }
0xa1: {  	v4 =	vld [tilespmem:$0x4FB0];
	_ =	sdelay $0x7  }
0xa2: {  	[tilespmem:v4+s26+$0x0] =	vst.idx.add.f32.msk $0xffff, v3  }
0xa3: {  	v4 =	vld [tilespmem:$0x4FC0];
	_ =	sdelay $0x7  }
0xa4: {  	[tilespmem:v4+s26+$0x0] =	vst.idx.add.f32.msk $0xffff, v3  }
0xa5: {  	v4 =	vld [tilespmem:$0x4FD0];
	_ =	sdelay $0x7  }
0xa6: {  	[tilespmem:v4+s26+$0x0] =	vst.idx.add.f32.msk $0xffff, v3  }
0xa7: {  	v4 =	vld [tilespmem:$0x4FE0];
	_ =	sdelay $0x7  }
0xa8: {  	[tilespmem:v4+s26+$0x0] =	vst.idx.add.f32.msk $0xffff, v3  }
0xa9: {  	v4 =	vld [tilespmem:$0x4FF0];
	_ =	sdelay $0x7  }
0xaa: {  	[tilespmem:v4+s26+$0x0] =	vst.idx.add.f32.msk $0xffff, v3  }
0xab: {  	[bflag:$0x0] =	sbarrier.arrive $0xFFFF  }
0xac: {  	[hbm:s16@s22], [sflag:s8] =	dma.strided [spmem:s9@s21], $0x1400, s20, $0x8   }
0xad: {  	_ =	swait.ge [sflag:s18], $0x1400  }
0xae: {  	[sflag:s18] =	ssyncset.done $0x0  }
0xaf: {  	[sflag:s18] =	ssyncadd.s32 $0xFFFFEC00  }
0xb0: {  	[spmem:s9], [sflag:s8] =	dma.local [hbm:s5], $0x1400  }
0xb1: {  	_ =	swait.ge [sflag:s18], $0x1400  }
0xb2: {  	[sflag:s18] =	ssyncset.done $0x0  }
0xb3: {  	[sflag:s18] =	ssyncadd.s32 $0xFFFFEC00  }
0xb4: {  	[spmem:s19@s21], [sflag:s8] =	dma.strided [hbm:s13@s22], $0x1400, s20, $0x8   }
0xb5: {  	_ =	swait.ge [sflag:s18], $0x1400  }
0xb6: {  	[sflag:s18] =	ssyncset.done $0x0  }
0xb7: {  	[sflag:s18] =	ssyncadd.s32 $0xFFFFEC00  }
0xb8: {  	s0 =	simm.s32 $0x0;
	[bflag:$0x0] =	sbarrier.arrive $0xFFFF  }
0xb9: {  	[tilespmem:s24], [sflag:$0x1] =	stream.indirect.gather [spmem:s3], $0x40, s0, s23, $0xb8;
	[tilespmem:$0x1F800] =	vst v63  }
0xba: {  	s6 =	simm.s32 $0x80  }
0xbb: {  	[tilespmem:s25], [sflag:$0x2] =	stream.indirect.gather [spmem:s3], $0x40, s6, s23, $0xb8;
	[tilespmem:$0x1F800] =	vst v63  }
0xbc: {  	_ =	swait.ge [sflag:s20], $0x2000  }
0xbd: {  	[sflag:s20] =	ssyncset.done $0x0  }
0xbe: {  	s10 =	simm.s32 $0x2800;
	[sflag:s20] =	ssyncadd.s32 $0xFFFFE000  }
0xbf: {  	[spmem:s2] =	stream.indirect.scatter.add.f32 [tilespmem:s24], [sflag:$0x4], $0x40, s10, s23, $0xb8;
	[tilespmem:$0x1F800] =	vst v63  }
0xc0: {  	_ =	swait.ge [sflag:s1], $0x2000  }
0xc1: {  	[sflag:s1] =	ssyncset.done $0x0  }
0xc2: {  	s11 =	simm.s32 $0x100;
	[sflag:s1] =	ssyncadd.s32 $0xFFFFE000  }
0xc3: {  	[tilespmem:s24], [sflag:$0x1] =	stream.indirect.gather [spmem:s3], $0x40, s11, s23, $0xb8;
	[tilespmem:$0x1F800] =	vst v63  }
0xc4: {  	_ =	swait.ge [sflag:s28], $0x2000  }
0xc5: {  	[sflag:s28] =	ssyncset.done $0x0  }
0xc6: {  	s19 =	simm.s32 $0x2880;
	[sflag:s28] =	ssyncadd.s32 $0xFFFFE000  }
0xc7: {  	[spmem:s2] =	stream.indirect.scatter.add.f32 [tilespmem:s25], [sflag:$0x3], $0x40, s19, s23, $0xb8;
	[tilespmem:$0x1F800] =	vst v63  }
0xc8: {  	_ =	swait.ge [sflag:s18], $0x2000  }
0xc9: {  	s0 =	simm.s32 $0x100;
	s19 =	simm.s32 $0x800;
	[sflag:s18] =	ssyncset.done $0x0  }
.LBB2_10:
0xca: {  	s6 =	sadd.s32 $0x80, s0  }
0xcb: {  	[sflag:s18] =	ssyncadd.s32 $0xFFFFE000;
	s10 =	smov.u32 s19;
	s11 =	sadd.s32 $0x400, s19  }
0xcc: {  	[tilespmem:s25], [sflag:$0x2] =	stream.indirect.gather [spmem:s3], $0x40, s6, s23, $0xb8;
	[tilespmem:$0x1F800] =	vst v63  }
0xcd: {  	p1 =	sne.s32 s19, $0x9800;
	_ =	swait.ge [sflag:s20], $0x2000  }
0xce: {  	[sflag:s20] =	ssyncset.done $0x0  }
0xcf: {  	s6 =	sadd.s32 $0x2800, s0;
	[sflag:s20] =	ssyncadd.s32 $0xFFFFE000  }
0xd0: {  	[spmem:s2] =	stream.indirect.scatter.add.f32 [tilespmem:s24], [sflag:$0x4], $0x40, s6, s23, $0xb8;
	[tilespmem:$0x1F800] =	vst v63  }
0xd1: {  	_ =	swait.ge [sflag:s1], $0x2000  }
0xd2: {  	[sflag:s1] =	ssyncset.done $0x0  }
0xd3: {  	s6 =	sadd.s32 $0x100, s0;
	[sflag:s1] =	ssyncadd.s32 $0xFFFFE000  }
0xd4: {  	[tilespmem:s24], [sflag:$0x1] =	stream.indirect.gather [spmem:s3], $0x40, s6, s23, $0xb8;
	[tilespmem:$0x1F800] =	vst v63  }
0xd5: {  	_ =	swait.ge [sflag:s28], $0x2000  }
.Ltmp5:
0xd6: {  	[sflag:s28] =	ssyncset.done $0x0;
	(pc) =	sbr.rel @p1 .LBB2_10-.Ltmp5, $4  }
0xd7: {  	s0 =	sadd.s32 $0x2880, s0;
	[sflag:s28] =	ssyncadd.s32 $0xFFFFE000  }
0xd8: {  	[spmem:s2] =	stream.indirect.scatter.add.f32 [tilespmem:s25], [sflag:$0x3], $0x40, s0, s23, $0xb8;
	[tilespmem:$0x1F800] =	vst v63  }
0xd9: {  	_ =	swait.ge [sflag:s18], $0x2000  }
0xda: {  	s19 =	smov.u32 s11;
	s0 =	sshra.s32 s10, $0x2;
	[sflag:s18] =	ssyncset.done $0x0  }
0xdb: {  	s6 =	sadd.s32 $0x80, s0;
	[sflag:s18] =	ssyncadd.s32 $0xFFFFE000  }
0xdc: {  	[tilespmem:s25], [sflag:$0x2] =	stream.indirect.gather [spmem:s3], $0x40, s6, s23, $0xb8;
	[tilespmem:$0x1F800] =	vst v63  }
0xdd: {  	_ =	swait.ge [sflag:s20], $0x2000  }
0xde: {  	[sflag:s20] =	ssyncset.done $0x0  }
0xdf: {  	s10 =	sadd.s32 $0x2800, s0;
	[sflag:s20] =	ssyncadd.s32 $0xFFFFE000  }
0xe0: {  	[spmem:s2] =	stream.indirect.scatter.add.f32 [tilespmem:s24], [sflag:$0x4], $0x40, s10, s23, $0xb8;
	[tilespmem:$0x1F800] =	vst v63  }
0xe1: {  	_ =	swait.ge [sflag:s1], $0x2000  }
0xe2: {  	[sflag:s1] =	ssyncset.done $0x0  }
0xe3: {  	s11 =	sadd.s32 $0x100, s0;
	[sflag:s1] =	ssyncadd.s32 $0xFFFFE000  }
0xe4: {  	[tilespmem:s24], [sflag:$0x1] =	stream.indirect.gather [spmem:s3], $0x40, s11, s23, $0xb8;
	[tilespmem:$0x1F800] =	vst v63  }
0xe5: {  	_ =	swait.ge [sflag:s28], $0x2000  }
0xe6: {  	[sflag:s28] =	ssyncset.done $0x0  }
0xe7: {  	s19 =	sadd.s32 $0x2880, s0;
	[sflag:s28] =	ssyncadd.s32 $0xFFFFE000  }
0xe8: {  	[spmem:s2] =	stream.indirect.scatter.add.f32 [tilespmem:s25], [sflag:$0x3], $0x40, s19, s23, $0xb8;
	[tilespmem:$0x1F800] =	vst v63  }
0xe9: {  	_ =	swait.ge [sflag:s18], $0x2000  }
0xea: {  	[sflag:s18] =	ssyncset.done $0x0  }
0xeb: {  	[sflag:s18] =	ssyncadd.s32 $0xFFFFE000  }
0xec: {  	[tilespmem:s25], [sflag:$0x2] =	stream.indirect.gather [spmem:s3], $0x40, s29, s23, $0xb8;
	[tilespmem:$0x1F800] =	vst v63  }
0xed: {  	_ =	swait.ge [sflag:s20], $0x2000  }
0xee: {  	[sflag:s20] =	ssyncset.done $0x0  }
0xef: {  	[sflag:s20] =	ssyncadd.s32 $0xFFFFE000  }
0xf0: {  	[spmem:s2] =	stream.indirect.scatter.add.f32 [tilespmem:s24], [sflag:$0x4], $0x40, s30, s23, $0xb8;
	[tilespmem:$0x1F800] =	vst v63  }
0xf1: {  	_ =	swait.ge [sflag:s1], $0x2000  }
0xf2: {  	[sflag:s1] =	ssyncset.done $0x0  }
0xf3: {  	[sflag:s1] =	ssyncadd.s32 $0xFFFFE000  }
0xf4: {  	_ =	swait.ge [sflag:s28], $0x2000  }
0xf5: {  	[sflag:s28] =	ssyncset.done $0x0  }
0xf6: {  	[sflag:s28] =	ssyncadd.s32 $0xFFFFE000  }
0xf7: {  	[spmem:s2] =	stream.indirect.scatter.add.f32 [tilespmem:s25], [sflag:$0x3], $0x40, s31, s23, $0xb8;
	[tilespmem:$0x1F800] =	vst v63  }
0xf8: {  	_ =	swait.ge [sflag:s18], $0x2000  }
0xf9: {  	[sflag:s18] =	ssyncset.done $0x0  }
0xfa: {  	[sflag:s18] =	ssyncadd.s32 $0xFFFFE000  }
0xfb: {  	[bflag:$0x0] =	sbarrier.arrive $0xFFFF  }
0xfc: {  	[hbm:s17@s22], [sflag:s8] =	dma.strided [spmem:s9@s21], $0x1400, s20, $0x8   }
0xfd: {  	s7 =	sadd.s32 $0x1, s7;
	_ =	swait.ge [sflag:s18], $0x1400  }
0xfe: {  	p1 =	sne.s32 s7, s15;
	[sflag:s18] =	ssyncset.done $0x0  }
.Ltmp6:
0xff: {  	[sflag:s18] =	ssyncadd.s32 $0xFFFFEC00;
	(pc) =	sbr.rel @p1 .LBB2_1-.Ltmp6, $4  }
0x100: {  	[hbm4b:s14+s4] =	stream.linear.scatter [tilespmem:s26], [sflag:$0x3], $0x2800, $0x38;
	[tilespmem:$0x1F800] =	vst v63  }
0x101: {  	_ =	swait.ge [sflag:s18], $0x2800  }
0x102: {  	[sflag:s18] =	ssyncset.done $0x0  }
0x103: {  	[sflag:s18] =	ssyncadd.s32 $0xFFFFD800  }
0x104: {  	_ =	sfence.sel $0x180000  }
0x105: {  	[bflag:$0x0] =	sbarrier.arrive $0xFFFF  }
0x106: {  	_ =	strace $0x90000047  }
0x107: {  	s0 =	stileid.u32;
	[bflag:$0x2] =	sbarrier.arrive $0xFFFF  }
0x108: {  	p0 =	sne.s32 s0, $0x0;
	s0 =	rddreg [dreg:$0x4]  }
0x109: {  	s0 =	sadd.s32 @!p0 $0x100000, s0  }
0x10a: {  	[sflag:s0] =	ssyncadd.tile.s32 @!p0 $0x1;
	_ =	shalt  }
.Lfunc_end2:
_tile_overlayer_lowered:
.L_overlay_start_2:
0x10b: {  	(tag) =	ssettag $0x2  }
0x10c: {  	s0 =	rddreg [dreg:$0x0];
	s2 =	stileid.u32  }
0x10d: {  	s1 =	rddreg [dreg:$0x1];
	p0 =	sne.s32 s2, $0x0  }
0x10e: {  	s3 =	rddreg [dreg:$0x2];
	[bflag:$0x3] =	sbarrier.arrive $0xFFFF;
	s2 =	simm.s32 @!p0 $0x1C03  }
0x10f: {  	[timem:s3], [sflag:s2] =	dma.local @!p0 [hbm:s0], s1  }
0x110: {  	s0 =	simm.s32 @!p0 $0x3  }
0x111: {  	_ =	swait.ge @!p0 [sflag:s0], s1  }
0x112: {  	s1 =	ssub.s32 @!p0 $0x0, s1;
	[sflag:s0] =	ssyncset.done @!p0 $0x0  }
0x113: {  	[sflag:s0] =	ssyncadd.s32 @!p0 s1  }
0x114: {  	[bflag:$0x3] =	sbarrier.arrive $0xFFFF  }
0x115: {  	_ =	shalt  }

</sc_bundles>
